<compile_context>
chip_gen: v7x
topology: tpu7x:2x2x1
jax: 0.10.2.dev20260603
libtpu: 0.0.44.dev20260713+nightly
codegen_flags: <defaults>
</compile_context>

<pallas_src>
import functools

import jax
import jax.numpy as jnp
from jax import lax
from jax.experimental import pallas as pl
from jax.experimental.pallas import tpu as pltpu
from jax.experimental.pallas import tpu_sc as plsc

_LAMBDA_LAP = 0.1
_LAMBDA_DRIFT = 0.01
_LAMBDA_ARAP = 0.1
_HUBER_DELTA = 1.0
_NUM_GRAPHS = 16
_N = 50000
_E = 1600000

_NW = 32
_BLK = 128
_NBLK = _E // _BLK
_BASE_BLKS = _NBLK // _NW
_EXTRA = _NBLK % _NW
_CBLK = 78
_NCH = _BASE_BLKS // _CBLK
_C = _CBLK * _BLK

_NPAD = 50176
_ROWS = _NPAD // 128


def _rsqrt_nr(x):
    bits = plsc.bitcast(x, jnp.int32)
    y = plsc.bitcast(jnp.int32(0x5F3759DF) - (bits >> 1), jnp.float32)
    xh = x * 0.5
    y = y * (1.5 - xh * y * y)
    y = y * (1.5 - xh * y * y)
    return y


def _edge_partials(packed, edge_index):
    mesh = plsc.VectorSubcoreMesh(core_axis_name="c", subcore_axis_name="s",
                                  num_cores=2, num_subcores=16)

    @functools.partial(
        pl.kernel,
        out_type=(
            jax.ShapeDtypeStruct((_NW, 16), jnp.float32),
            jax.ShapeDtypeStruct((_NW, 16), jnp.float32),
        ),
        mesh=mesh,
        compiler_params=pltpu.CompilerParams(needs_layout_passes=False),
        scratch_types=(
            pltpu.VMEM((_N,), jnp.int32),
            pltpu.VMEM((2, _C), jnp.int32),
            pltpu.VMEM((2, _C), jnp.int32),
            pltpu.VMEM((2, _BLK), jnp.int32),
            pltpu.VMEM((16,), jnp.float32),
            pltpu.VMEM((16,), jnp.float32),
            pltpu.SemaphoreType.DMA,
            pltpu.SemaphoreType.DMA,
            pltpu.SemaphoreType.DMA,
            pltpu.SemaphoreType.DMA,
        ),
    )
    def k(pk_hbm, eidx_hbm, s1_hbm, s2_hbm,
          pkv, eb0, eb1, ebx, s1v, s2v, semn, se0, se1, sex):
        wid = lax.axis_index("s") * 2 + lax.axis_index("c")
        start_blk = wid * _BASE_BLKS + jnp.minimum(wid, _EXTRA)
        bufs = ((eb0, se0), (eb1, se1))

        node_cp = pltpu.async_copy(pk_hbm, pkv, semn)

        def start(c):
            buf, sem = bufs[c % 2]
            off = pl.multiple_of((start_blk + c * _CBLK) * _BLK, _BLK)
            return pltpu.async_copy(eidx_hbm.at[:, pl.ds(off, _C)], buf, sem)

        has_extra = wid < _EXTRA
        pending = start(0)

        @pl.when(has_extra)
        def _():
            offx = pl.multiple_of((start_blk + _BASE_BLKS) * _BLK, _BLK)
            pltpu.async_copy(eidx_hbm.at[:, pl.ds(offx, _BLK)], ebx, sex)

        node_cp.wait()

        def edge_group(buf, vb, carry):
            s1, s2 = carry
            i16 = buf[0, pl.ds(vb, 16)]
            j16 = buf[1, pl.ds(vb, 16)]
            wi = plsc.load_gather(pkv, [i16])
            wj = plsc.load_gather(pkv, [j16])
            wd = plsc.bitcast(plsc.bitcast(wi, jnp.bfloat16)
                              - plsc.bitcast(wj, jnp.bfloat16), jnp.int32)
            dx = plsc.bitcast(wd << 16, jnp.float32)
            dy = plsc.bitcast(wd & jnp.int32(-65536), jnp.float32)
            sq = dx * dx + dy * dy
            sqc = jnp.maximum(sq, 1e-30)
            return (s1 + sq, s2 + sq * _rsqrt_nr(sqc))

        carry = (jnp.zeros((16,), jnp.float32), jnp.zeros((16,), jnp.float32))
        for c in range(_NCH):
            nxt = start(c + 1) if c + 1 < _NCH else None
            pending.wait()
            pending = nxt
            buf = bufs[c % 2][0]

            @plsc.parallel_loop(0, _CBLK * _BLK, 64, carry=carry)
            def carry(vb, carry2, buf=buf):
                for u in range(4):
                    carry2 = edge_group(buf, vb + u * 16, carry2)
                return carry2

        s1v[...] = carry[0]
        s2v[...] = carry[1]

        @pl.when(has_extra)
        def _():
            pltpu.make_async_copy(eidx_hbm.at[:, pl.ds(0, _BLK)], ebx, sex).wait()
            carry2 = (jnp.zeros((16,), jnp.float32), jnp.zeros((16,), jnp.float32))
            for u in range(_BLK // 16):
                carry2 = edge_group(ebx, u * 16, carry2)
            s1v[...] = s1v[...] + carry2[0]
            s2v[...] = s2v[...] + carry2[1]

        pltpu.sync_copy(s1v, s1_hbm.at[wid])
        pltpu.sync_copy(s2v, s2_hbm.at[wid])

    return k(packed, edge_index)


def _huber_sum(d):
    ad = jnp.abs(d)
    return jnp.sum(jnp.where(ad < _HUBER_DELTA, 0.5 * d * d,
                             _HUBER_DELTA * (ad - 0.5 * _HUBER_DELTA)))


def _dense_body(ox_ref, oy_ref, tx_ref, ty_ref, b_ref, out_ref):
    ox = ox_ref[...]
    oy = oy_ref[...]
    b = b_ref[...]
    rsum = _huber_sum(ox - tx_ref[...]) + _huber_sum(oy - ty_ref[...])
    recon = rsum / jnp.float32(2 * _N)
    dsum = jnp.float32(0.0)
    npres = jnp.float32(0.0)
    for g in range(_NUM_GRAPHS):
        m = (b == g).astype(jnp.float32)
        c = jnp.sum(m)
        cm = jnp.maximum(c, 1.0)
        mx = jnp.sum(m * ox) / cm
        my = jnp.sum(m * oy) / cm
        pres = (c > 0).astype(jnp.float32)
        dsum = dsum + (mx * mx + my * my) * pres
        npres = npres + pres
    drift = dsum / jnp.maximum(npres, 1.0)
    lane = lax.broadcasted_iota(jnp.int32, (8, 128), 1)
    row = lax.broadcasted_iota(jnp.int32, (8, 128), 0)
    out_ref[...] = (jnp.where((row == 0) & (lane == 0), recon, 0.0)
                    + jnp.where((row == 0) & (lane == 1), drift, 0.0))


def _dense_partials(ox, oy, tx, ty, b):
    return pl.pallas_call(
        _dense_body,
        out_shape=jax.ShapeDtypeStruct((8, 128), jnp.float32),
    )(ox, oy, tx, ty, b)


def kernel(output, target, edge_index, batch_idx):
    obits = lax.bitcast_convert_type(output.astype(jnp.bfloat16),
                                     jnp.uint16).astype(jnp.uint32)
    packed = lax.bitcast_convert_type(obits[:, 0] | (obits[:, 1] << 16),
                                      jnp.int32)
    s1p, s2p = _edge_partials(packed, edge_index)
    s1 = jnp.sum(s1p)
    s2 = jnp.sum(s2p)
    lap = s1 / _E
    arap = (s1 - s2 * s2 / _E) / (_E - 1)

    pad = _NPAD - _N
    ox = jnp.pad(output[:, 0], (0, pad)).reshape(_ROWS, 128)
    oy = jnp.pad(output[:, 1], (0, pad)).reshape(_ROWS, 128)
    tx = jnp.pad(target[:, 0], (0, pad)).reshape(_ROWS, 128)
    ty = jnp.pad(target[:, 1], (0, pad)).reshape(_ROWS, 128)
    b = jnp.pad(batch_idx, (0, pad), constant_values=_NUM_GRAPHS).reshape(_ROWS, 128)
    dense = _dense_partials(ox, oy, tx, ty, b)
    recon = dense[0, 0]
    drift = dense[0, 1]

    total = (recon + _LAMBDA_LAP * lap + _LAMBDA_DRIFT * drift
             + _LAMBDA_ARAP * arap)
    return (total, recon, lap, drift, arap)

# --- scband reference (transcript-rebuilt; emitter-appended) ---
"""Pipeline reference for scband-rimdloss-34703335752438 (READ-ONLY COPY).

The authoritative reference and input builder live on the scoring server;
editing this copy changes nothing except your own understanding.
"""

import jax, jax.numpy as jnp
import numpy as np

LAMBDA_LAP = 0.1
LAMBDA_DRIFT = 0.01
LAMBDA_ARAP = 0.1
HUBER_DELTA = 1.0
NUM_GRAPHS = 16
N_NODES = 50000
N_EDGES = 1600000


def setup_inputs(seed: int = 0) -> dict:
    key = jax.random.key(seed)
    k1, k2, k3, k4 = jax.random.split(key, 4)
    output = jax.random.normal(k1, (N_NODES, 2), dtype=jnp.float32)
    target = jax.random.normal(k2, (N_NODES, 2), dtype=jnp.float32)
    edge_index = jax.random.randint(k3, (2, N_EDGES), 0, N_NODES, dtype=jnp.int32)
    batch_idx = jnp.sort(jax.random.randint(k4, (N_NODES,), 0, NUM_GRAPHS, dtype=jnp.int32))
    return {"output": output, "target": target, "edge_index": edge_index, "batch_idx": batch_idx}


def _huber(d):
    ad = jnp.abs(d)
    return jnp.where(ad < HUBER_DELTA, 0.5 * d * d, HUBER_DELTA * (ad - 0.5 * HUBER_DELTA))


def reference(output, target, edge_index, batch_idx):
    # reconstruction (HuberLoss, reduction='none' then mean)
    recon = jnp.mean(_huber(output - target))

    i = edge_index[0]
    j = edge_index[1]

    # laplacian smoothing: sum((out[i]-out[j])^2) / E
    diff = jnp.take(output, i, axis=0) - jnp.take(output, j, axis=0)
    lap = jnp.sum(diff ** 2) / edge_index.shape[1]

    # drift suppression: per-graph mean displacement, sum of squared means, averaged over graphs
    sums = jax.ops.segment_sum(output, batch_idx, num_segments=NUM_GRAPHS)
    counts = jax.ops.segment_sum(jnp.ones((output.shape[0],), dtype=output.dtype), batch_idx, num_segments=NUM_GRAPHS)
    present = (counts > 0).astype(output.dtype)
    means = sums / jnp.maximum(counts, 1.0)[:, None]
    per_graph = jnp.sum(means ** 2, axis=1) * present
    drift = jnp.sum(per_graph) / jnp.maximum(jnp.sum(present), 1.0)

    # 2D-ARAP: unbiased variance of edge lengths (torch.var default unbiased)
    ev = jnp.take(output, j, axis=0) - jnp.take(output, i, axis=0)
    lengths = jnp.sqrt(jnp.sum(ev ** 2, axis=1))
    arap = jnp.var(lengths, ddof=1)

    total = recon + LAMBDA_LAP * lap + LAMBDA_DRIFT * drift + LAMBDA_ARAP * arap
    return (total, recon, lap, drift, arap)

if __name__ == "__main__":
    import jax
    _d = setup_inputs()
    print(jax.jit(kernel)(*tuple(_d.values())))

</pallas_src>

<mosaic_0001>
#map = affine_map<(d0, d1) -> (0)>
#map1 = affine_map<(d0, d1) -> (0, 0)>
module attributes {stable_mosaic.version = 14 : i64} {
  func.func @k(%arg0: i32, %arg1: i32, %arg2: memref<50000xi32, #tpu.memory_space<hbm>>, %arg3: memref<2x1600000xi32, #tpu.memory_space<hbm>>, %arg4: memref<32x16xf32, #tpu.memory_space<hbm>>, %arg5: memref<32x16xf32, #tpu.memory_space<hbm>>, %arg6: memref<50000xi32, #tpu.memory_space<vmem>>, %arg7: memref<2x9984xi32, #tpu.memory_space<vmem>>, %arg8: memref<2x9984xi32, #tpu.memory_space<vmem>>, %arg9: memref<2x128xi32, #tpu.memory_space<vmem>>, %arg10: memref<16xf32, #tpu.memory_space<vmem>>, %arg11: memref<16xf32, #tpu.memory_space<vmem>>, %arg12: memref<!tpu.dma_semaphore, #tpu.memory_space<semaphore_mem>>, %arg13: memref<!tpu.dma_semaphore, #tpu.memory_space<semaphore_mem>>, %arg14: memref<!tpu.dma_semaphore, #tpu.memory_space<semaphore_mem>>, %arg15: memref<!tpu.dma_semaphore, #tpu.memory_space<semaphore_mem>>) attributes {dimension_semantics = [#tpu.dimension_semantics<core_parallel>, #tpu.dimension_semantics<subcore_parallel>], iteration_bounds = array<i64: 2, 16>, scalar_prefetch = 0 : i64, scratch_operands = 10 : i64, tpu.core_type = #tpu.core_type<sc_vector_subcore>, window_params = [{transform_indices = #map}, {transform_indices = #map1}, {transform_indices = #map1}, {transform_indices = #map1}]} {
    %mul3A = arith.constant 2 : i32
    %mul3A_0 = arith.muli %arg1, %mul3A : i32
    %add3A = arith.addi %mul3A_0, %arg0 : i32
    %mul3A_1 = arith.constant 390 : i32
    %mul3A_2 = arith.muli %add3A, %mul3A_1 : i32
    %min3A = arith.constant 20 : i32
    %min3A_3 = arith.minsi %add3A, %min3A : i32
    %add3A_4 = arith.addi %mul3A_2, %min3A_3 : i32
    tpu.enqueue_dma source(%arg2 : memref<50000xi32, #tpu.memory_space<hbm>>) target(%arg6 : memref<50000xi32, #tpu.memory_space<vmem>>) target_semaphore(%arg12 : memref<!tpu.dma_semaphore, #tpu.memory_space<semaphore_mem>>)
    %lt3A = arith.constant 20 : i32
    %lt3A_5 = arith.cmpi slt, %add3A, %lt3A : i32
    %add3A_6 = arith.constant 0 : i32
    %add3A_7 = arith.addi %add3A_4, %add3A_6 : i32
    %mul3A_8 = arith.constant 128 : i32
    %mul3A_9 = arith.muli %add3A_7, %mul3A_8 : i32
    %multiple_of3A = tpu.assume_multiple %mul3A_9, 128 : i32
    %dma_start3A = arith.constant 0 : i32
    %dma_start3A_10 = tpu.memref_slice %arg3[%dma_start3A, %multiple_of3A] : memref<2x1600000xi32, #tpu.memory_space<hbm>> -> memref<2x9984xi32, #tpu.memory_space<hbm>>
    %dma_start3A_11 = arith.constant 0 : i32
    %dma_start3A_12 = tpu.memref_slice %arg3[%dma_start3A_11, %multiple_of3A] : memref<2x1600000xi32, #tpu.memory_space<hbm>> -> memref<2x9984xi32, #tpu.memory_space<hbm>>
    tpu.enqueue_dma source(%dma_start3A_12 : memref<2x9984xi32, #tpu.memory_space<hbm>>) target(%arg7 : memref<2x9984xi32, #tpu.memory_space<vmem>>) target_semaphore(%arg13 : memref<!tpu.dma_semaphore, #tpu.memory_space<semaphore_mem>>)
    %convert_element_type3A = arith.extui %lt3A_5 : i1 to i32
    %cond3A = arith.constant 0 : i32
    %cond3A_13 = arith.cmpi ne, %convert_element_type3A, %cond3A : i32
    scf.if %cond3A_13 {
      %add3A_97 = arith.constant 390 : i32
      %add3A_98 = arith.addi %add3A_4, %add3A_97 : i32
      %mul3A_99 = arith.constant 128 : i32
      %mul3A_100 = arith.muli %add3A_98, %mul3A_99 : i32
      %multiple_of3A_101 = tpu.assume_multiple %mul3A_100, 128 : i32
      %dma_start3A_102 = arith.constant 0 : i32
      %dma_start3A_103 = tpu.memref_slice %arg3[%dma_start3A_102, %multiple_of3A_101] : memref<2x1600000xi32, #tpu.memory_space<hbm>> -> memref<2x128xi32, #tpu.memory_space<hbm>>
      %dma_start3A_104 = arith.constant 0 : i32
      %dma_start3A_105 = tpu.memref_slice %arg3[%dma_start3A_104, %multiple_of3A_101] : memref<2x1600000xi32, #tpu.memory_space<hbm>> -> memref<2x128xi32, #tpu.memory_space<hbm>>
      tpu.enqueue_dma source(%dma_start3A_105 : memref<2x128xi32, #tpu.memory_space<hbm>>) target(%arg9 : memref<2x128xi32, #tpu.memory_space<vmem>>) target_semaphore(%arg15 : memref<!tpu.dma_semaphore, #tpu.memory_space<semaphore_mem>>)
    } else {
    }
    tpu.wait_dma2 semaphore(%arg12 : memref<!tpu.dma_semaphore, #tpu.memory_space<semaphore_mem>>) src(%arg2 : memref<50000xi32, #tpu.memory_space<hbm>>) dst(%arg6 : memref<50000xi32, #tpu.memory_space<vmem>>)
    %broadcast_in_dim3A = arith.constant 0.000000e+00 : f32
    %broadcast_in_dim3A_14 = vector.broadcast %broadcast_in_dim3A : f32 to vector<16xf32>
    %broadcast_in_dim3A_15 = arith.constant 0.000000e+00 : f32
    %broadcast_in_dim3A_16 = vector.broadcast %broadcast_in_dim3A_15 : f32 to vector<16xf32>
    %add3A_17 = arith.constant 78 : i32
    %add3A_18 = arith.addi %add3A_4, %add3A_17 : i32
    %mul3A_19 = arith.constant 128 : i32
    %mul3A_20 = arith.muli %add3A_18, %mul3A_19 : i32
    %multiple_of3A_21 = tpu.assume_multiple %mul3A_20, 128 : i32
    %dma_start3A_22 = arith.constant 0 : i32
    %dma_start3A_23 = tpu.memref_slice %arg3[%dma_start3A_22, %multiple_of3A_21] : memref<2x1600000xi32, #tpu.memory_space<hbm>> -> memref<2x9984xi32, #tpu.memory_space<hbm>>
    %dma_start3A_24 = arith.constant 0 : i32
    %dma_start3A_25 = tpu.memref_slice %arg3[%dma_start3A_24, %multiple_of3A_21] : memref<2x1600000xi32, #tpu.memory_space<hbm>> -> memref<2x9984xi32, #tpu.memory_space<hbm>>
    tpu.enqueue_dma source(%dma_start3A_25 : memref<2x9984xi32, #tpu.memory_space<hbm>>) target(%arg8 : memref<2x9984xi32, #tpu.memory_space<vmem>>) target_semaphore(%arg14 : memref<!tpu.dma_semaphore, #tpu.memory_space<semaphore_mem>>)
    %dma_wait3A = arith.constant 0 : i32
    %dma_wait3A_26 = tpu.memref_slice %arg3[%dma_wait3A, %multiple_of3A] : memref<2x1600000xi32, #tpu.memory_space<hbm>> -> memref<2x9984xi32, #tpu.memory_space<hbm>>
    %dma_wait3A_27 = arith.constant 0 : i32
    %dma_wait3A_28 = tpu.memref_slice %arg3[%dma_wait3A_27, %multiple_of3A] : memref<2x1600000xi32, #tpu.memory_space<hbm>> -> memref<2x9984xi32, #tpu.memory_space<hbm>>
    tpu.wait_dma2 semaphore(%arg13 : memref<!tpu.dma_semaphore, #tpu.memory_space<semaphore_mem>>) src(%dma_wait3A_28 : memref<2x9984xi32, #tpu.memory_space<hbm>>) dst(%arg7 : memref<2x9984xi32, #tpu.memory_space<vmem>>)
    %parallel_loop3A = arith.constant 0 : i32
    %parallel_loop3A_29 = arith.constant 9984 : i32
    %parallel_loop3A_30 = arith.constant 64 : i32
    %parallel_loop3A_31:2 = scf.for %parallel_loop3A_97 = %parallel_loop3A to %parallel_loop3A_29 step %parallel_loop3A_30 iter_args(%parallel_loop3A_98 = %broadcast_in_dim3A_14, %parallel_loop3A_99 = %broadcast_in_dim3A_16) -> (vector<16xf32>, vector<16xf32>)  : i32 {
      %parallel_loop3A_100 = arith.constant 0 : i32
      %parallel_loop3A_101 = arith.addi %parallel_loop3A_97, %parallel_loop3A_100 : i32
      %parallel_loop3A_102 = arith.constant 0 : i32
      %parallel_loop3A_103 = arith.index_cast %parallel_loop3A_102 : i32 to index
      %parallel_loop3A_104 = arith.index_cast %parallel_loop3A_101 : i32 to index
      %parallel_loop3A_105 = tpu.vector_load %arg7[%parallel_loop3A_103, %parallel_loop3A_104] {strides = array<i32>} : memref<2x9984xi32, #tpu.memory_space<vmem>>, vector<16xi32>,
      %parallel_loop3A_106 = arith.constant 1 : i32
      %parallel_loop3A_107 = arith.index_cast %parallel_loop3A_106 : i32 to index
      %parallel_loop3A_108 = arith.index_cast %parallel_loop3A_101 : i32 to index
      %parallel_loop3A_109 = tpu.vector_load %arg7[%parallel_loop3A_107, %parallel_loop3A_108] {strides = array<i32>} : memref<2x9984xi32, #tpu.memory_space<vmem>>, vector<16xi32>,
      %parallel_loop3A_110 = tpu.vector_load_idx %arg6[%parallel_loop3A_105] : memref<50000xi32, #tpu.memory_space<vmem>>[vector<16xi32>], vector<16xi32>,
      %parallel_loop3A_111 = tpu.vector_load_idx %arg6[%parallel_loop3A_109] : memref<50000xi32, #tpu.memory_space<vmem>>[vector<16xi32>], vector<16xi32>,
      %parallel_loop3A_112 = vector.bitcast %parallel_loop3A_110 : vector<16xi32> to vector<32xbf16>
      %parallel_loop3A_113 = vector.bitcast %parallel_loop3A_111 : vector<16xi32> to vector<32xbf16>
      %parallel_loop3A_114 = arith.subf %parallel_loop3A_112, %parallel_loop3A_113 : vector<32xbf16>
      %parallel_loop3A_115 = vector.bitcast %parallel_loop3A_114 : vector<32xbf16> to vector<16xi32>
      %parallel_loop3A_116 = arith.constant 16 : i32
      %parallel_loop3A_117 = vector.broadcast %parallel_loop3A_116 : i32 to vector<16xi32>
      %parallel_loop3A_118 = arith.shli %parallel_loop3A_115, %parallel_loop3A_117 : vector<16xi32>
      %parallel_loop3A_119 = vector.bitcast %parallel_loop3A_118 : vector<16xi32> to vector<16xf32>
      %parallel_loop3A_120 = arith.constant -65536 : i32
      %parallel_loop3A_121 = vector.broadcast %parallel_loop3A_120 : i32 to vector<16xi32>
      %parallel_loop3A_122 = arith.andi %parallel_loop3A_115, %parallel_loop3A_121 : vector<16xi32>
      %parallel_loop3A_123 = vector.bitcast %parallel_loop3A_122 : vector<16xi32> to vector<16xf32>
      %parallel_loop3A_124 = arith.mulf %parallel_loop3A_119, %parallel_loop3A_119 : vector<16xf32>
      %parallel_loop3A_125 = arith.mulf %parallel_loop3A_123, %parallel_loop3A_123 : vector<16xf32>
      %parallel_loop3A_126 = arith.addf %parallel_loop3A_124, %parallel_loop3A_125 : vector<16xf32>
      %parallel_loop3A_127 = arith.constant 1.000000e-30 : f32
      %parallel_loop3A_128 = vector.broadcast %parallel_loop3A_127 : f32 to vector<16xf32>
      %parallel_loop3A_129 = arith.maximumf %parallel_loop3A_126, %parallel_loop3A_128 : vector<16xf32>
      %parallel_loop3A_130 = arith.addf %parallel_loop3A_98, %parallel_loop3A_126 : vector<16xf32>
      %parallel_loop3A_131 = vector.bitcast %parallel_loop3A_129 : vector<16xf32> to vector<16xi32>
      %parallel_loop3A_132 = arith.constant 1 : i32
      %parallel_loop3A_133 = vector.broadcast %parallel_loop3A_132 : i32 to vector<16xi32>
      %parallel_loop3A_134 = arith.shrsi %parallel_loop3A_131, %parallel_loop3A_133 : vector<16xi32>
      %parallel_loop3A_135 = arith.constant 1597463007 : i32
      %parallel_loop3A_136 = vector.broadcast %parallel_loop3A_135 : i32 to vector<16xi32>
      %parallel_loop3A_137 = arith.subi %parallel_loop3A_136, %parallel_loop3A_134 : vector<16xi32>
      %parallel_loop3A_138 = vector.bitcast %parallel_loop3A_137 : vector<16xi32> to vector<16xf32>
      %parallel_loop3A_139 = arith.constant 5.000000e-01 : f32
      %parallel_loop3A_140 = vector.broadcast %parallel_loop3A_139 : f32 to vector<16xf32>
      %parallel_loop3A_141 = arith.mulf %parallel_loop3A_129, %parallel_loop3A_140 : vector<16xf32>
      %parallel_loop3A_142 = arith.mulf %parallel_loop3A_141, %parallel_loop3A_138 : vector<16xf32>
      %parallel_loop3A_143 = arith.mulf %parallel_loop3A_142, %parallel_loop3A_138 : vector<16xf32>
      %parallel_loop3A_144 = arith.constant 1.500000e+00 : f32
      %parallel_loop3A_145 = vector.broadcast %parallel_loop3A_144 : f32 to vector<16xf32>
      %parallel_loop3A_146 = arith.subf %parallel_loop3A_145, %parallel_loop3A_143 : vector<16xf32>
      %parallel_loop3A_147 = arith.mulf %parallel_loop3A_138, %parallel_loop3A_146 : vector<16xf32>
      %parallel_loop3A_148 = arith.mulf %parallel_loop3A_141, %parallel_loop3A_147 : vector<16xf32>
      %parallel_loop3A_149 = arith.mulf %parallel_loop3A_148, %parallel_loop3A_147 : vector<16xf32>
      %parallel_loop3A_150 = arith.constant 1.500000e+00 : f32
      %parallel_loop3A_151 = vector.broadcast %parallel_loop3A_150 : f32 to vector<16xf32>
      %parallel_loop3A_152 = arith.subf %parallel_loop3A_151, %parallel_loop3A_149 : vector<16xf32>
      %parallel_loop3A_153 = arith.mulf %parallel_loop3A_147, %parallel_loop3A_152 : vector<16xf32>
      %parallel_loop3A_154 = arith.mulf %parallel_loop3A_126, %parallel_loop3A_153 : vector<16xf32>
      %parallel_loop3A_155 = arith.addf %parallel_loop3A_99, %parallel_loop3A_154 : vector<16xf32>
      %parallel_loop3A_156 = arith.constant 16 : i32
      %parallel_loop3A_157 = arith.addi %parallel_loop3A_97, %parallel_loop3A_156 : i32
      %parallel_loop3A_158 = arith.constant 0 : i32
      %parallel_loop3A_159 = arith.index_cast %parallel_loop3A_158 : i32 to index
      %parallel_loop3A_160 = arith.index_cast %parallel_loop3A_157 : i32 to index
      %parallel_loop3A_161 = tpu.vector_load %arg7[%parallel_loop3A_159, %parallel_loop3A_160] {strides = array<i32>} : memref<2x9984xi32, #tpu.memory_space<vmem>>, vector<16xi32>,
      %parallel_loop3A_162 = arith.constant 1 : i32
      %parallel_loop3A_163 = arith.index_cast %parallel_loop3A_162 : i32 to index
      %parallel_loop3A_164 = arith.index_cast %parallel_loop3A_157 : i32 to index
      %parallel_loop3A_165 = tpu.vector_load %arg7[%parallel_loop3A_163, %parallel_loop3A_164] {strides = array<i32>} : memref<2x9984xi32, #tpu.memory_space<vmem>>, vector<16xi32>,
      %parallel_loop3A_166 = tpu.vector_load_idx %arg6[%parallel_loop3A_161] : memref<50000xi32, #tpu.memory_space<vmem>>[vector<16xi32>], vector<16xi32>,
      %parallel_loop3A_167 = tpu.vector_load_idx %arg6[%parallel_loop3A_165] : memref<50000xi32, #tpu.memory_space<vmem>>[vector<16xi32>], vector<16xi32>,
      %parallel_loop3A_168 = vector.bitcast %parallel_loop3A_166 : vector<16xi32> to vector<32xbf16>
      %parallel_loop3A_169 = vector.bitcast %parallel_loop3A_167 : vector<16xi32> to vector<32xbf16>
      %parallel_loop3A_170 = arith.subf %parallel_loop3A_168, %parallel_loop3A_169 : vector<32xbf16>
      %parallel_loop3A_171 = vector.bitcast %parallel_loop3A_170 : vector<32xbf16> to vector<16xi32>
      %parallel_loop3A_172 = arith.constant 16 : i32
      %parallel_loop3A_173 = vector.broadcast %parallel_loop3A_172 : i32 to vector<16xi32>
      %parallel_loop3A_174 = arith.shli %parallel_loop3A_171, %parallel_loop3A_173 : vector<16xi32>
      %parallel_loop3A_175 = vector.bitcast %parallel_loop3A_174 : vector<16xi32> to vector<16xf32>
      %parallel_loop3A_176 = arith.constant -65536 : i32
      %parallel_loop3A_177 = vector.broadcast %parallel_loop3A_176 : i32 to vector<16xi32>
      %parallel_loop3A_178 = arith.andi %parallel_loop3A_171, %parallel_loop3A_177 : vector<16xi32>
      %parallel_loop3A_179 = vector.bitcast %parallel_loop3A_178 : vector<16xi32> to vector<16xf32>
      %parallel_loop3A_180 = arith.mulf %parallel_loop3A_175, %parallel_loop3A_175 : vector<16xf32>
      %parallel_loop3A_181 = arith.mulf %parallel_loop3A_179, %parallel_loop3A_179 : vector<16xf32>
      %parallel_loop3A_182 = arith.addf %parallel_loop3A_180, %parallel_loop3A_181 : vector<16xf32>
      %parallel_loop3A_183 = arith.constant 1.000000e-30 : f32
      %parallel_loop3A_184 = vector.broadcast %parallel_loop3A_183 : f32 to vector<16xf32>
      %parallel_loop3A_185 = arith.maximumf %parallel_loop3A_182, %parallel_loop3A_184 : vector<16xf32>
      %parallel_loop3A_186 = arith.addf %parallel_loop3A_130, %parallel_loop3A_182 : vector<16xf32>
      %parallel_loop3A_187 = vector.bitcast %parallel_loop3A_185 : vector<16xf32> to vector<16xi32>
      %parallel_loop3A_188 = arith.constant 1 : i32
      %parallel_loop3A_189 = vector.broadcast %parallel_loop3A_188 : i32 to vector<16xi32>
      %parallel_loop3A_190 = arith.shrsi %parallel_loop3A_187, %parallel_loop3A_189 : vector<16xi32>
      %parallel_loop3A_191 = arith.constant 1597463007 : i32
      %parallel_loop3A_192 = vector.broadcast %parallel_loop3A_191 : i32 to vector<16xi32>
      %parallel_loop3A_193 = arith.subi %parallel_loop3A_192, %parallel_loop3A_190 : vector<16xi32>
      %parallel_loop3A_194 = vector.bitcast %parallel_loop3A_193 : vector<16xi32> to vector<16xf32>
      %parallel_loop3A_195 = arith.constant 5.000000e-01 : f32
      %parallel_loop3A_196 = vector.broadcast %parallel_loop3A_195 : f32 to vector<16xf32>
      %parallel_loop3A_197 = arith.mulf %parallel_loop3A_185, %parallel_loop3A_196 : vector<16xf32>
      %parallel_loop3A_198 = arith.mulf %parallel_loop3A_197, %parallel_loop3A_194 : vector<16xf32>
      %parallel_loop3A_199 = arith.mulf %parallel_loop3A_198, %parallel_loop3A_194 : vector<16xf32>
      %parallel_loop3A_200 = arith.constant 1.500000e+00 : f32
      %parallel_loop3A_201 = vector.broadcast %parallel_loop3A_200 : f32 to vector<16xf32>
      %parallel_loop3A_202 = arith.subf %parallel_loop3A_201, %parallel_loop3A_199 : vector<16xf32>
      %parallel_loop3A_203 = arith.mulf %parallel_loop3A_194, %parallel_loop3A_202 : vector<16xf32>
      %parallel_loop3A_204 = arith.mulf %parallel_loop3A_197, %parallel_loop3A_203 : vector<16xf32>
      %parallel_loop3A_205 = arith.mulf %parallel_loop3A_204, %parallel_loop3A_203 : vector<16xf32>
      %parallel_loop3A_206 = arith.constant 1.500000e+00 : f32
      %parallel_loop3A_207 = vector.broadcast %parallel_loop3A_206 : f32 to vector<16xf32>
      %parallel_loop3A_208 = arith.subf %parallel_loop3A_207, %parallel_loop3A_205 : vector<16xf32>
      %parallel_loop3A_209 = arith.mulf %parallel_loop3A_203, %parallel_loop3A_208 : vector<16xf32>
      %parallel_loop3A_210 = arith.mulf %parallel_loop3A_182, %parallel_loop3A_209 : vector<16xf32>
      %parallel_loop3A_211 = arith.addf %parallel_loop3A_155, %parallel_loop3A_210 : vector<16xf32>
      %parallel_loop3A_212 = arith.constant 32 : i32
      %parallel_loop3A_213 = arith.addi %parallel_loop3A_97, %parallel_loop3A_212 : i32
      %parallel_loop3A_214 = arith.constant 0 : i32
      %parallel_loop3A_215 = arith.index_cast %parallel_loop3A_214 : i32 to index
      %parallel_loop3A_216 = arith.index_cast %parallel_loop3A_213 : i32 to index
      %parallel_loop3A_217 = tpu.vector_load %arg7[%parallel_loop3A_215, %parallel_loop3A_216] {strides = array<i32>} : memref<2x9984xi32, #tpu.memory_space<vmem>>, vector<16xi32>,
      %parallel_loop3A_218 = arith.constant 1 : i32
      %parallel_loop3A_219 = arith.index_cast %parallel_loop3A_218 : i32 to index
      %parallel_loop3A_220 = arith.index_cast %parallel_loop3A_213 : i32 to index
      %parallel_loop3A_221 = tpu.vector_load %arg7[%parallel_loop3A_219, %parallel_loop3A_220] {strides = array<i32>} : memref<2x9984xi32, #tpu.memory_space<vmem>>, vector<16xi32>,
      %parallel_loop3A_222 = tpu.vector_load_idx %arg6[%parallel_loop3A_217] : memref<50000xi32, #tpu.memory_space<vmem>>[vector<16xi32>], vector<16xi32>,
      %parallel_loop3A_223 = tpu.vector_load_idx %arg6[%parallel_loop3A_221] : memref<50000xi32, #tpu.memory_space<vmem>>[vector<16xi32>], vector<16xi32>,
      %parallel_loop3A_224 = vector.bitcast %parallel_loop3A_222 : vector<16xi32> to vector<32xbf16>
      %parallel_loop3A_225 = vector.bitcast %parallel_loop3A_223 : vector<16xi32> to vector<32xbf16>
      %parallel_loop3A_226 = arith.subf %parallel_loop3A_224, %parallel_loop3A_225 : vector<32xbf16>
      %parallel_loop3A_227 = vector.bitcast %parallel_loop3A_226 : vector<32xbf16> to vector<16xi32>
      %parallel_loop3A_228 = arith.constant 16 : i32
      %parallel_loop3A_229 = vector.broadcast %parallel_loop3A_228 : i32 to vector<16xi32>
      %parallel_loop3A_230 = arith.shli %parallel_loop3A_227, %parallel_loop3A_229 : vector<16xi32>
      %parallel_loop3A_231 = vector.bitcast %parallel_loop3A_230 : vector<16xi32> to vector<16xf32>
      %parallel_loop3A_232 = arith.constant -65536 : i32
      %parallel_loop3A_233 = vector.broadcast %parallel_loop3A_232 : i32 to vector<16xi32>
      %parallel_loop3A_234 = arith.andi %parallel_loop3A_227, %parallel_loop3A_233 : vector<16xi32>
      %parallel_loop3A_235 = vector.bitcast %parallel_loop3A_234 : vector<16xi32> to vector<16xf32>
      %parallel_loop3A_236 = arith.mulf %parallel_loop3A_231, %parallel_loop3A_231 : vector<16xf32>
      %parallel_loop3A_237 = arith.mulf %parallel_loop3A_235, %parallel_loop3A_235 : vector<16xf32>
      %parallel_loop3A_238 = arith.addf %parallel_loop3A_236, %parallel_loop3A_237 : vector<16xf32>
      %parallel_loop3A_239 = arith.constant 1.000000e-30 : f32
      %parallel_loop3A_240 = vector.broadcast %parallel_loop3A_239 : f32 to vector<16xf32>
      %parallel_loop3A_241 = arith.maximumf %parallel_loop3A_238, %parallel_loop3A_240 : vector<16xf32>
      %parallel_loop3A_242 = arith.addf %parallel_loop3A_186, %parallel_loop3A_238 : vector<16xf32>
      %parallel_loop3A_243 = vector.bitcast %parallel_loop3A_241 : vector<16xf32> to vector<16xi32>
      %parallel_loop3A_244 = arith.constant 1 : i32
      %parallel_loop3A_245 = vector.broadcast %parallel_loop3A_244 : i32 to vector<16xi32>
      %parallel_loop3A_246 = arith.shrsi %parallel_loop3A_243, %parallel_loop3A_245 : vector<16xi32>
      %parallel_loop3A_247 = arith.constant 1597463007 : i32
      %parallel_loop3A_248 = vector.broadcast %parallel_loop3A_247 : i32 to vector<16xi32>
      %parallel_loop3A_249 = arith.subi %parallel_loop3A_248, %parallel_loop3A_246 : vector<16xi32>
      %parallel_loop3A_250 = vector.bitcast %parallel_loop3A_249 : vector<16xi32> to vector<16xf32>
      %parallel_loop3A_251 = arith.constant 5.000000e-01 : f32
      %parallel_loop3A_252 = vector.broadcast %parallel_loop3A_251 : f32 to vector<16xf32>
      %parallel_loop3A_253 = arith.mulf %parallel_loop3A_241, %parallel_loop3A_252 : vector<16xf32>
      %parallel_loop3A_254 = arith.mulf %parallel_loop3A_253, %parallel_loop3A_250 : vector<16xf32>
      %parallel_loop3A_255 = arith.mulf %parallel_loop3A_254, %parallel_loop3A_250 : vector<16xf32>
      %parallel_loop3A_256 = arith.constant 1.500000e+00 : f32
      %parallel_loop3A_257 = vector.broadcast %parallel_loop3A_256 : f32 to vector<16xf32>
      %parallel_loop3A_258 = arith.subf %parallel_loop3A_257, %parallel_loop3A_255 : vector<16xf32>
      %parallel_loop3A_259 = arith.mulf %parallel_loop3A_250, %parallel_loop3A_258 : vector<16xf32>
      %parallel_loop3A_260 = arith.mulf %parallel_loop3A_253, %parallel_loop3A_259 : vector<16xf32>
      %parallel_loop3A_261 = arith.mulf %parallel_loop3A_260, %parallel_loop3A_259 : vector<16xf32>
      %parallel_loop3A_262 = arith.constant 1.500000e+00 : f32
      %parallel_loop3A_263 = vector.broadcast %parallel_loop3A_262 : f32 to vector<16xf32>
      %parallel_loop3A_264 = arith.subf %parallel_loop3A_263, %parallel_loop3A_261 : vector<16xf32>
      %parallel_loop3A_265 = arith.mulf %parallel_loop3A_259, %parallel_loop3A_264 : vector<16xf32>
      %parallel_loop3A_266 = arith.mulf %parallel_loop3A_238, %parallel_loop3A_265 : vector<16xf32>
      %parallel_loop3A_267 = arith.addf %parallel_loop3A_211, %parallel_loop3A_266 : vector<16xf32>
      %parallel_loop3A_268 = arith.constant 48 : i32
      %parallel_loop3A_269 = arith.addi %parallel_loop3A_97, %parallel_loop3A_268 : i32
      %parallel_loop3A_270 = arith.constant 0 : i32
      %parallel_loop3A_271 = arith.index_cast %parallel_loop3A_270 : i32 to index
      %parallel_loop3A_272 = arith.index_cast %parallel_loop3A_269 : i32 to index
      %parallel_loop3A_273 = tpu.vector_load %arg7[%parallel_loop3A_271, %parallel_loop3A_272] {strides = array<i32>} : memref<2x9984xi32, #tpu.memory_space<vmem>>, vector<16xi32>,
      %parallel_loop3A_274 = arith.constant 1 : i32
      %parallel_loop3A_275 = arith.index_cast %parallel_loop3A_274 : i32 to index
      %parallel_loop3A_276 = arith.index_cast %parallel_loop3A_269 : i32 to index
      %parallel_loop3A_277 = tpu.vector_load %arg7[%parallel_loop3A_275, %parallel_loop3A_276] {strides = array<i32>} : memref<2x9984xi32, #tpu.memory_space<vmem>>, vector<16xi32>,
      %parallel_loop3A_278 = tpu.vector_load_idx %arg6[%parallel_loop3A_273] : memref<50000xi32, #tpu.memory_space<vmem>>[vector<16xi32>], vector<16xi32>,
      %parallel_loop3A_279 = tpu.vector_load_idx %arg6[%parallel_loop3A_277] : memref<50000xi32, #tpu.memory_space<vmem>>[vector<16xi32>], vector<16xi32>,
      %parallel_loop3A_280 = vector.bitcast %parallel_loop3A_278 : vector<16xi32> to vector<32xbf16>
      %parallel_loop3A_281 = vector.bitcast %parallel_loop3A_279 : vector<16xi32> to vector<32xbf16>
      %parallel_loop3A_282 = arith.subf %parallel_loop3A_280, %parallel_loop3A_281 : vector<32xbf16>
      %parallel_loop3A_283 = vector.bitcast %parallel_loop3A_282 : vector<32xbf16> to vector<16xi32>
      %parallel_loop3A_284 = arith.constant 16 : i32
      %parallel_loop3A_285 = vector.broadcast %parallel_loop3A_284 : i32 to vector<16xi32>
      %parallel_loop3A_286 = arith.shli %parallel_loop3A_283, %parallel_loop3A_285 : vector<16xi32>
      %parallel_loop3A_287 = vector.bitcast %parallel_loop3A_286 : vector<16xi32> to vector<16xf32>
      %parallel_loop3A_288 = arith.constant -65536 : i32
      %parallel_loop3A_289 = vector.broadcast %parallel_loop3A_288 : i32 to vector<16xi32>
      %parallel_loop3A_290 = arith.andi %parallel_loop3A_283, %parallel_loop3A_289 : vector<16xi32>
      %parallel_loop3A_291 = vector.bitcast %parallel_loop3A_290 : vector<16xi32> to vector<16xf32>
      %parallel_loop3A_292 = arith.mulf %parallel_loop3A_287, %parallel_loop3A_287 : vector<16xf32>
      %parallel_loop3A_293 = arith.mulf %parallel_loop3A_291, %parallel_loop3A_291 : vector<16xf32>
      %parallel_loop3A_294 = arith.addf %parallel_loop3A_292, %parallel_loop3A_293 : vector<16xf32>
      %parallel_loop3A_295 = arith.constant 1.000000e-30 : f32
      %parallel_loop3A_296 = vector.broadcast %parallel_loop3A_295 : f32 to vector<16xf32>
      %parallel_loop3A_297 = arith.maximumf %parallel_loop3A_294, %parallel_loop3A_296 : vector<16xf32>
      %parallel_loop3A_298 = arith.addf %parallel_loop3A_242, %parallel_loop3A_294 : vector<16xf32>
      %parallel_loop3A_299 = vector.bitcast %parallel_loop3A_297 : vector<16xf32> to vector<16xi32>
      %parallel_loop3A_300 = arith.constant 1 : i32
      %parallel_loop3A_301 = vector.broadcast %parallel_loop3A_300 : i32 to vector<16xi32>
      %parallel_loop3A_302 = arith.shrsi %parallel_loop3A_299, %parallel_loop3A_301 : vector<16xi32>
      %parallel_loop3A_303 = arith.constant 1597463007 : i32
      %parallel_loop3A_304 = vector.broadcast %parallel_loop3A_303 : i32 to vector<16xi32>
      %parallel_loop3A_305 = arith.subi %parallel_loop3A_304, %parallel_loop3A_302 : vector<16xi32>
      %parallel_loop3A_306 = vector.bitcast %parallel_loop3A_305 : vector<16xi32> to vector<16xf32>
      %parallel_loop3A_307 = arith.constant 5.000000e-01 : f32
      %parallel_loop3A_308 = vector.broadcast %parallel_loop3A_307 : f32 to vector<16xf32>
      %parallel_loop3A_309 = arith.mulf %parallel_loop3A_297, %parallel_loop3A_308 : vector<16xf32>
      %parallel_loop3A_310 = arith.mulf %parallel_loop3A_309, %parallel_loop3A_306 : vector<16xf32>
      %parallel_loop3A_311 = arith.mulf %parallel_loop3A_310, %parallel_loop3A_306 : vector<16xf32>
      %parallel_loop3A_312 = arith.constant 1.500000e+00 : f32
      %parallel_loop3A_313 = vector.broadcast %parallel_loop3A_312 : f32 to vector<16xf32>
      %parallel_loop3A_314 = arith.subf %parallel_loop3A_313, %parallel_loop3A_311 : vector<16xf32>
      %parallel_loop3A_315 = arith.mulf %parallel_loop3A_306, %parallel_loop3A_314 : vector<16xf32>
      %parallel_loop3A_316 = arith.mulf %parallel_loop3A_309, %parallel_loop3A_315 : vector<16xf32>
      %parallel_loop3A_317 = arith.mulf %parallel_loop3A_316, %parallel_loop3A_315 : vector<16xf32>
      %parallel_loop3A_318 = arith.constant 1.500000e+00 : f32
      %parallel_loop3A_319 = vector.broadcast %parallel_loop3A_318 : f32 to vector<16xf32>
      %parallel_loop3A_320 = arith.subf %parallel_loop3A_319, %parallel_loop3A_317 : vector<16xf32>
      %parallel_loop3A_321 = arith.mulf %parallel_loop3A_315, %parallel_loop3A_320 : vector<16xf32>
      %parallel_loop3A_322 = arith.mulf %parallel_loop3A_294, %parallel_loop3A_321 : vector<16xf32>
      %parallel_loop3A_323 = arith.addf %parallel_loop3A_267, %parallel_loop3A_322 : vector<16xf32>
      scf.yield %parallel_loop3A_298, %parallel_loop3A_323 : vector<16xf32>, vector<16xf32>
    } {sc.loop_unroll_factor = 1 : i64, sc.parallel_access}
    %add3A_32 = arith.constant 156 : i32
    %add3A_33 = arith.addi %add3A_4, %add3A_32 : i32
    %mul3A_34 = arith.constant 128 : i32
    %mul3A_35 = arith.muli %add3A_33, %mul3A_34 : i32
    %multiple_of3A_36 = tpu.assume_multiple %mul3A_35, 128 : i32
    %dma_start3A_37 = arith.constant 0 : i32
    %dma_start3A_38 = tpu.memref_slice %arg3[%dma_start3A_37, %multiple_of3A_36] : memref<2x1600000xi32, #tpu.memory_space<hbm>> -> memref<2x9984xi32, #tpu.memory_space<hbm>>
    %dma_start3A_39 = arith.constant 0 : i32
    %dma_start3A_40 = tpu.memref_slice %arg3[%dma_start3A_39, %multiple_of3A_36] : memref<2x1600000xi32, #tpu.memory_space<hbm>> -> memref<2x9984xi32, #tpu.memory_space<hbm>>
    tpu.enqueue_dma source(%dma_start3A_40 : memref<2x9984xi32, #tpu.memory_space<hbm>>) target(%arg7 : memref<2x9984xi32, #tpu.memory_space<vmem>>) target_semaphore(%arg13 : memref<!tpu.dma_semaphore, #tpu.memory_space<semaphore_mem>>)
    %dma_wait3A_41 = arith.constant 0 : i32
    %dma_wait3A_42 = tpu.memref_slice %arg3[%dma_wait3A_41, %multiple_of3A_21] : memref<2x1600000xi32, #tpu.memory_space<hbm>> -> memref<2x9984xi32, #tpu.memory_space<hbm>>
    %dma_wait3A_43 = arith.constant 0 : i32
    %dma_wait3A_44 = tpu.memref_slice %arg3[%dma_wait3A_43, %multiple_of3A_21] : memref<2x1600000xi32, #tpu.memory_space<hbm>> -> memref<2x9984xi32, #tpu.memory_space<hbm>>
    tpu.wait_dma2 semaphore(%arg14 : memref<!tpu.dma_semaphore, #tpu.memory_space<semaphore_mem>>) src(%dma_wait3A_44 : memref<2x9984xi32, #tpu.memory_space<hbm>>) dst(%arg8 : memref<2x9984xi32, #tpu.memory_space<vmem>>)
    %parallel_loop3A_45 = arith.constant 0 : i32
    %parallel_loop3A_46 = arith.constant 9984 : i32
    %parallel_loop3A_47 = arith.constant 64 : i32
    %parallel_loop3A_48:2 = scf.for %parallel_loop3A_97 = %parallel_loop3A_45 to %parallel_loop3A_46 step %parallel_loop3A_47 iter_args(%parallel_loop3A_98 = %parallel_loop3A_31#0, %parallel_loop3A_99 = %parallel_loop3A_31#1) -> (vector<16xf32>, vector<16xf32>)  : i32 {
      %parallel_loop3A_100 = arith.constant 0 : i32
      %parallel_loop3A_101 = arith.addi %parallel_loop3A_97, %parallel_loop3A_100 : i32
      %parallel_loop3A_102 = arith.constant 0 : i32
      %parallel_loop3A_103 = arith.index_cast %parallel_loop3A_102 : i32 to index
      %parallel_loop3A_104 = arith.index_cast %parallel_loop3A_101 : i32 to index
      %parallel_loop3A_105 = tpu.vector_load %arg8[%parallel_loop3A_103, %parallel_loop3A_104] {strides = array<i32>} : memref<2x9984xi32, #tpu.memory_space<vmem>>, vector<16xi32>,
      %parallel_loop3A_106 = arith.constant 1 : i32
      %parallel_loop3A_107 = arith.index_cast %parallel_loop3A_106 : i32 to index
      %parallel_loop3A_108 = arith.index_cast %parallel_loop3A_101 : i32 to index
      %parallel_loop3A_109 = tpu.vector_load %arg8[%parallel_loop3A_107, %parallel_loop3A_108] {strides = array<i32>} : memref<2x9984xi32, #tpu.memory_space<vmem>>, vector<16xi32>,
      %parallel_loop3A_110 = tpu.vector_load_idx %arg6[%parallel_loop3A_105] : memref<50000xi32, #tpu.memory_space<vmem>>[vector<16xi32>], vector<16xi32>,
      %parallel_loop3A_111 = tpu.vector_load_idx %arg6[%parallel_loop3A_109] : memref<50000xi32, #tpu.memory_space<vmem>>[vector<16xi32>], vector<16xi32>,
      %parallel_loop3A_112 = vector.bitcast %parallel_loop3A_110 : vector<16xi32> to vector<32xbf16>
      %parallel_loop3A_113 = vector.bitcast %parallel_loop3A_111 : vector<16xi32> to vector<32xbf16>
      %parallel_loop3A_114 = arith.subf %parallel_loop3A_112, %parallel_loop3A_113 : vector<32xbf16>
      %parallel_loop3A_115 = vector.bitcast %parallel_loop3A_114 : vector<32xbf16> to vector<16xi32>
      %parallel_loop3A_116 = arith.constant 16 : i32
      %parallel_loop3A_117 = vector.broadcast %parallel_loop3A_116 : i32 to vector<16xi32>
      %parallel_loop3A_118 = arith.shli %parallel_loop3A_115, %parallel_loop3A_117 : vector<16xi32>
      %parallel_loop3A_119 = vector.bitcast %parallel_loop3A_118 : vector<16xi32> to vector<16xf32>
      %parallel_loop3A_120 = arith.constant -65536 : i32
      %parallel_loop3A_121 = vector.broadcast %parallel_loop3A_120 : i32 to vector<16xi32>
      %parallel_loop3A_122 = arith.andi %parallel_loop3A_115, %parallel_loop3A_121 : vector<16xi32>
      %parallel_loop3A_123 = vector.bitcast %parallel_loop3A_122 : vector<16xi32> to vector<16xf32>
      %parallel_loop3A_124 = arith.mulf %parallel_loop3A_119, %parallel_loop3A_119 : vector<16xf32>
      %parallel_loop3A_125 = arith.mulf %parallel_loop3A_123, %parallel_loop3A_123 : vector<16xf32>
      %parallel_loop3A_126 = arith.addf %parallel_loop3A_124, %parallel_loop3A_125 : vector<16xf32>
      %parallel_loop3A_127 = arith.constant 1.000000e-30 : f32
      %parallel_loop3A_128 = vector.broadcast %parallel_loop3A_127 : f32 to vector<16xf32>
      %parallel_loop3A_129 = arith.maximumf %parallel_loop3A_126, %parallel_loop3A_128 : vector<16xf32>
      %parallel_loop3A_130 = arith.addf %parallel_loop3A_98, %parallel_loop3A_126 : vector<16xf32>
      %parallel_loop3A_131 = vector.bitcast %parallel_loop3A_129 : vector<16xf32> to vector<16xi32>
      %parallel_loop3A_132 = arith.constant 1 : i32
      %parallel_loop3A_133 = vector.broadcast %parallel_loop3A_132 : i32 to vector<16xi32>
      %parallel_loop3A_134 = arith.shrsi %parallel_loop3A_131, %parallel_loop3A_133 : vector<16xi32>
      %parallel_loop3A_135 = arith.constant 1597463007 : i32
      %parallel_loop3A_136 = vector.broadcast %parallel_loop3A_135 : i32 to vector<16xi32>
      %parallel_loop3A_137 = arith.subi %parallel_loop3A_136, %parallel_loop3A_134 : vector<16xi32>
      %parallel_loop3A_138 = vector.bitcast %parallel_loop3A_137 : vector<16xi32> to vector<16xf32>
      %parallel_loop3A_139 = arith.constant 5.000000e-01 : f32
      %parallel_loop3A_140 = vector.broadcast %parallel_loop3A_139 : f32 to vector<16xf32>
      %parallel_loop3A_141 = arith.mulf %parallel_loop3A_129, %parallel_loop3A_140 : vector<16xf32>
      %parallel_loop3A_142 = arith.mulf %parallel_loop3A_141, %parallel_loop3A_138 : vector<16xf32>
      %parallel_loop3A_143 = arith.mulf %parallel_loop3A_142, %parallel_loop3A_138 : vector<16xf32>
      %parallel_loop3A_144 = arith.constant 1.500000e+00 : f32
      %parallel_loop3A_145 = vector.broadcast %parallel_loop3A_144 : f32 to vector<16xf32>
      %parallel_loop3A_146 = arith.subf %parallel_loop3A_145, %parallel_loop3A_143 : vector<16xf32>
      %parallel_loop3A_147 = arith.mulf %parallel_loop3A_138, %parallel_loop3A_146 : vector<16xf32>
      %parallel_loop3A_148 = arith.mulf %parallel_loop3A_141, %parallel_loop3A_147 : vector<16xf32>
      %parallel_loop3A_149 = arith.mulf %parallel_loop3A_148, %parallel_loop3A_147 : vector<16xf32>
      %parallel_loop3A_150 = arith.constant 1.500000e+00 : f32
      %parallel_loop3A_151 = vector.broadcast %parallel_loop3A_150 : f32 to vector<16xf32>
      %parallel_loop3A_152 = arith.subf %parallel_loop3A_151, %parallel_loop3A_149 : vector<16xf32>
      %parallel_loop3A_153 = arith.mulf %parallel_loop3A_147, %parallel_loop3A_152 : vector<16xf32>
      %parallel_loop3A_154 = arith.mulf %parallel_loop3A_126, %parallel_loop3A_153 : vector<16xf32>
      %parallel_loop3A_155 = arith.addf %parallel_loop3A_99, %parallel_loop3A_154 : vector<16xf32>
      %parallel_loop3A_156 = arith.constant 16 : i32
      %parallel_loop3A_157 = arith.addi %parallel_loop3A_97, %parallel_loop3A_156 : i32
      %parallel_loop3A_158 = arith.constant 0 : i32
      %parallel_loop3A_159 = arith.index_cast %parallel_loop3A_158 : i32 to index
      %parallel_loop3A_160 = arith.index_cast %parallel_loop3A_157 : i32 to index
      %parallel_loop3A_161 = tpu.vector_load %arg8[%parallel_loop3A_159, %parallel_loop3A_160] {strides = array<i32>} : memref<2x9984xi32, #tpu.memory_space<vmem>>, vector<16xi32>,
      %parallel_loop3A_162 = arith.constant 1 : i32
      %parallel_loop3A_163 = arith.index_cast %parallel_loop3A_162 : i32 to index
      %parallel_loop3A_164 = arith.index_cast %parallel_loop3A_157 : i32 to index
      %parallel_loop3A_165 = tpu.vector_load %arg8[%parallel_loop3A_163, %parallel_loop3A_164] {strides = array<i32>} : memref<2x9984xi32, #tpu.memory_space<vmem>>, vector<16xi32>,
      %parallel_loop3A_166 = tpu.vector_load_idx %arg6[%parallel_loop3A_161] : memref<50000xi32, #tpu.memory_space<vmem>>[vector<16xi32>], vector<16xi32>,
      %parallel_loop3A_167 = tpu.vector_load_idx %arg6[%parallel_loop3A_165] : memref<50000xi32, #tpu.memory_space<vmem>>[vector<16xi32>], vector<16xi32>,
      %parallel_loop3A_168 = vector.bitcast %parallel_loop3A_166 : vector<16xi32> to vector<32xbf16>
      %parallel_loop3A_169 = vector.bitcast %parallel_loop3A_167 : vector<16xi32> to vector<32xbf16>
      %parallel_loop3A_170 = arith.subf %parallel_loop3A_168, %parallel_loop3A_169 : vector<32xbf16>
      %parallel_loop3A_171 = vector.bitcast %parallel_loop3A_170 : vector<32xbf16> to vector<16xi32>
      %parallel_loop3A_172 = arith.constant 16 : i32
      %parallel_loop3A_173 = vector.broadcast %parallel_loop3A_172 : i32 to vector<16xi32>
      %parallel_loop3A_174 = arith.shli %parallel_loop3A_171, %parallel_loop3A_173 : vector<16xi32>
      %parallel_loop3A_175 = vector.bitcast %parallel_loop3A_174 : vector<16xi32> to vector<16xf32>
      %parallel_loop3A_176 = arith.constant -65536 : i32
      %parallel_loop3A_177 = vector.broadcast %parallel_loop3A_176 : i32 to vector<16xi32>
      %parallel_loop3A_178 = arith.andi %parallel_loop3A_171, %parallel_loop3A_177 : vector<16xi32>
      %parallel_loop3A_179 = vector.bitcast %parallel_loop3A_178 : vector<16xi32> to vector<16xf32>
      %parallel_loop3A_180 = arith.mulf %parallel_loop3A_175, %parallel_loop3A_175 : vector<16xf32>
      %parallel_loop3A_181 = arith.mulf %parallel_loop3A_179, %parallel_loop3A_179 : vector<16xf32>
      %parallel_loop3A_182 = arith.addf %parallel_loop3A_180, %parallel_loop3A_181 : vector<16xf32>
      %parallel_loop3A_183 = arith.constant 1.000000e-30 : f32
      %parallel_loop3A_184 = vector.broadcast %parallel_loop3A_183 : f32 to vector<16xf32>
      %parallel_loop3A_185 = arith.maximumf %parallel_loop3A_182, %parallel_loop3A_184 : vector<16xf32>
      %parallel_loop3A_186 = arith.addf %parallel_loop3A_130, %parallel_loop3A_182 : vector<16xf32>
      %parallel_loop3A_187 = vector.bitcast %parallel_loop3A_185 : vector<16xf32> to vector<16xi32>
      %parallel_loop3A_188 = arith.constant 1 : i32
      %parallel_loop3A_189 = vector.broadcast %parallel_loop3A_188 : i32 to vector<16xi32>
      %parallel_loop3A_190 = arith.shrsi %parallel_loop3A_187, %parallel_loop3A_189 : vector<16xi32>
      %parallel_loop3A_191 = arith.constant 1597463007 : i32
      %parallel_loop3A_192 = vector.broadcast %parallel_loop3A_191 : i32 to vector<16xi32>
      %parallel_loop3A_193 = arith.subi %parallel_loop3A_192, %parallel_loop3A_190 : vector<16xi32>
      %parallel_loop3A_194 = vector.bitcast %parallel_loop3A_193 : vector<16xi32> to vector<16xf32>
      %parallel_loop3A_195 = arith.constant 5.000000e-01 : f32
      %parallel_loop3A_196 = vector.broadcast %parallel_loop3A_195 : f32 to vector<16xf32>
      %parallel_loop3A_197 = arith.mulf %parallel_loop3A_185, %parallel_loop3A_196 : vector<16xf32>
      %parallel_loop3A_198 = arith.mulf %parallel_loop3A_197, %parallel_loop3A_194 : vector<16xf32>
      %parallel_loop3A_199 = arith.mulf %parallel_loop3A_198, %parallel_loop3A_194 : vector<16xf32>
      %parallel_loop3A_200 = arith.constant 1.500000e+00 : f32
      %parallel_loop3A_201 = vector.broadcast %parallel_loop3A_200 : f32 to vector<16xf32>
      %parallel_loop3A_202 = arith.subf %parallel_loop3A_201, %parallel_loop3A_199 : vector<16xf32>
      %parallel_loop3A_203 = arith.mulf %parallel_loop3A_194, %parallel_loop3A_202 : vector<16xf32>
      %parallel_loop3A_204 = arith.mulf %parallel_loop3A_197, %parallel_loop3A_203 : vector<16xf32>
      %parallel_loop3A_205 = arith.mulf %parallel_loop3A_204, %parallel_loop3A_203 : vector<16xf32>
      %parallel_loop3A_206 = arith.constant 1.500000e+00 : f32
      %parallel_loop3A_207 = vector.broadcast %parallel_loop3A_206 : f32 to vector<16xf32>
      %parallel_loop3A_208 = arith.subf %parallel_loop3A_207, %parallel_loop3A_205 : vector<16xf32>
      %parallel_loop3A_209 = arith.mulf %parallel_loop3A_203, %parallel_loop3A_208 : vector<16xf32>
      %parallel_loop3A_210 = arith.mulf %parallel_loop3A_182, %parallel_loop3A_209 : vector<16xf32>
      %parallel_loop3A_211 = arith.addf %parallel_loop3A_155, %parallel_loop3A_210 : vector<16xf32>
      %parallel_loop3A_212 = arith.constant 32 : i32
      %parallel_loop3A_213 = arith.addi %parallel_loop3A_97, %parallel_loop3A_212 : i32
      %parallel_loop3A_214 = arith.constant 0 : i32
      %parallel_loop3A_215 = arith.index_cast %parallel_loop3A_214 : i32 to index
      %parallel_loop3A_216 = arith.index_cast %parallel_loop3A_213 : i32 to index
      %parallel_loop3A_217 = tpu.vector_load %arg8[%parallel_loop3A_215, %parallel_loop3A_216] {strides = array<i32>} : memref<2x9984xi32, #tpu.memory_space<vmem>>, vector<16xi32>,
      %parallel_loop3A_218 = arith.constant 1 : i32
      %parallel_loop3A_219 = arith.index_cast %parallel_loop3A_218 : i32 to index
      %parallel_loop3A_220 = arith.index_cast %parallel_loop3A_213 : i32 to index
      %parallel_loop3A_221 = tpu.vector_load %arg8[%parallel_loop3A_219, %parallel_loop3A_220] {strides = array<i32>} : memref<2x9984xi32, #tpu.memory_space<vmem>>, vector<16xi32>,
      %parallel_loop3A_222 = tpu.vector_load_idx %arg6[%parallel_loop3A_217] : memref<50000xi32, #tpu.memory_space<vmem>>[vector<16xi32>], vector<16xi32>,
      %parallel_loop3A_223 = tpu.vector_load_idx %arg6[%parallel_loop3A_221] : memref<50000xi32, #tpu.memory_space<vmem>>[vector<16xi32>], vector<16xi32>,
      %parallel_loop3A_224 = vector.bitcast %parallel_loop3A_222 : vector<16xi32> to vector<32xbf16>
      %parallel_loop3A_225 = vector.bitcast %parallel_loop3A_223 : vector<16xi32> to vector<32xbf16>
      %parallel_loop3A_226 = arith.subf %parallel_loop3A_224, %parallel_loop3A_225 : vector<32xbf16>
      %parallel_loop3A_227 = vector.bitcast %parallel_loop3A_226 : vector<32xbf16> to vector<16xi32>
      %parallel_loop3A_228 = arith.constant 16 : i32
      %parallel_loop3A_229 = vector.broadcast %parallel_loop3A_228 : i32 to vector<16xi32>
      %parallel_loop3A_230 = arith.shli %parallel_loop3A_227, %parallel_loop3A_229 : vector<16xi32>
      %parallel_loop3A_231 = vector.bitcast %parallel_loop3A_230 : vector<16xi32> to vector<16xf32>
      %parallel_loop3A_232 = arith.constant -65536 : i32
      %parallel_loop3A_233 = vector.broadcast %parallel_loop3A_232 : i32 to vector<16xi32>
      %parallel_loop3A_234 = arith.andi %parallel_loop3A_227, %parallel_loop3A_233 : vector<16xi32>
      %parallel_loop3A_235 = vector.bitcast %parallel_loop3A_234 : vector<16xi32> to vector<16xf32>
      %parallel_loop3A_236 = arith.mulf %parallel_loop3A_231, %parallel_loop3A_231 : vector<16xf32>
      %parallel_loop3A_237 = arith.mulf %parallel_loop3A_235, %parallel_loop3A_235 : vector<16xf32>
      %parallel_loop3A_238 = arith.addf %parallel_loop3A_236, %parallel_loop3A_237 : vector<16xf32>
      %parallel_loop3A_239 = arith.constant 1.000000e-30 : f32
      %parallel_loop3A_240 = vector.broadcast %parallel_loop3A_239 : f32 to vector<16xf32>
      %parallel_loop3A_241 = arith.maximumf %parallel_loop3A_238, %parallel_loop3A_240 : vector<16xf32>
      %parallel_loop3A_242 = arith.addf %parallel_loop3A_186, %parallel_loop3A_238 : vector<16xf32>
      %parallel_loop3A_243 = vector.bitcast %parallel_loop3A_241 : vector<16xf32> to vector<16xi32>
      %parallel_loop3A_244 = arith.constant 1 : i32
      %parallel_loop3A_245 = vector.broadcast %parallel_loop3A_244 : i32 to vector<16xi32>
      %parallel_loop3A_246 = arith.shrsi %parallel_loop3A_243, %parallel_loop3A_245 : vector<16xi32>
      %parallel_loop3A_247 = arith.constant 1597463007 : i32
      %parallel_loop3A_248 = vector.broadcast %parallel_loop3A_247 : i32 to vector<16xi32>
      %parallel_loop3A_249 = arith.subi %parallel_loop3A_248, %parallel_loop3A_246 : vector<16xi32>
      %parallel_loop3A_250 = vector.bitcast %parallel_loop3A_249 : vector<16xi32> to vector<16xf32>
      %parallel_loop3A_251 = arith.constant 5.000000e-01 : f32
      %parallel_loop3A_252 = vector.broadcast %parallel_loop3A_251 : f32 to vector<16xf32>
      %parallel_loop3A_253 = arith.mulf %parallel_loop3A_241, %parallel_loop3A_252 : vector<16xf32>
      %parallel_loop3A_254 = arith.mulf %parallel_loop3A_253, %parallel_loop3A_250 : vector<16xf32>
      %parallel_loop3A_255 = arith.mulf %parallel_loop3A_254, %parallel_loop3A_250 : vector<16xf32>
      %parallel_loop3A_256 = arith.constant 1.500000e+00 : f32
      %parallel_loop3A_257 = vector.broadcast %parallel_loop3A_256 : f32 to vector<16xf32>
      %parallel_loop3A_258 = arith.subf %parallel_loop3A_257, %parallel_loop3A_255 : vector<16xf32>
      %parallel_loop3A_259 = arith.mulf %parallel_loop3A_250, %parallel_loop3A_258 : vector<16xf32>
      %parallel_loop3A_260 = arith.mulf %parallel_loop3A_253, %parallel_loop3A_259 : vector<16xf32>
      %parallel_loop3A_261 = arith.mulf %parallel_loop3A_260, %parallel_loop3A_259 : vector<16xf32>
      %parallel_loop3A_262 = arith.constant 1.500000e+00 : f32
      %parallel_loop3A_263 = vector.broadcast %parallel_loop3A_262 : f32 to vector<16xf32>
      %parallel_loop3A_264 = arith.subf %parallel_loop3A_263, %parallel_loop3A_261 : vector<16xf32>
      %parallel_loop3A_265 = arith.mulf %parallel_loop3A_259, %parallel_loop3A_264 : vector<16xf32>
      %parallel_loop3A_266 = arith.mulf %parallel_loop3A_238, %parallel_loop3A_265 : vector<16xf32>
      %parallel_loop3A_267 = arith.addf %parallel_loop3A_211, %parallel_loop3A_266 : vector<16xf32>
      %parallel_loop3A_268 = arith.constant 48 : i32
      %parallel_loop3A_269 = arith.addi %parallel_loop3A_97, %parallel_loop3A_268 : i32
      %parallel_loop3A_270 = arith.constant 0 : i32
      %parallel_loop3A_271 = arith.index_cast %parallel_loop3A_270 : i32 to index
      %parallel_loop3A_272 = arith.index_cast %parallel_loop3A_269 : i32 to index
      %parallel_loop3A_273 = tpu.vector_load %arg8[%parallel_loop3A_271, %parallel_loop3A_272] {strides = array<i32>} : memref<2x9984xi32, #tpu.memory_space<vmem>>, vector<16xi32>,
      %parallel_loop3A_274 = arith.constant 1 : i32
      %parallel_loop3A_275 = arith.index_cast %parallel_loop3A_274 : i32 to index
      %parallel_loop3A_276 = arith.index_cast %parallel_loop3A_269 : i32 to index
      %parallel_loop3A_277 = tpu.vector_load %arg8[%parallel_loop3A_275, %parallel_loop3A_276] {strides = array<i32>} : memref<2x9984xi32, #tpu.memory_space<vmem>>, vector<16xi32>,
      %parallel_loop3A_278 = tpu.vector_load_idx %arg6[%parallel_loop3A_273] : memref<50000xi32, #tpu.memory_space<vmem>>[vector<16xi32>], vector<16xi32>,
      %parallel_loop3A_279 = tpu.vector_load_idx %arg6[%parallel_loop3A_277] : memref<50000xi32, #tpu.memory_space<vmem>>[vector<16xi32>], vector<16xi32>,
      %parallel_loop3A_280 = vector.bitcast %parallel_loop3A_278 : vector<16xi32> to vector<32xbf16>
      %parallel_loop3A_281 = vector.bitcast %parallel_loop3A_279 : vector<16xi32> to vector<32xbf16>
      %parallel_loop3A_282 = arith.subf %parallel_loop3A_280, %parallel_loop3A_281 : vector<32xbf16>
      %parallel_loop3A_283 = vector.bitcast %parallel_loop3A_282 : vector<32xbf16> to vector<16xi32>
      %parallel_loop3A_284 = arith.constant 16 : i32
      %parallel_loop3A_285 = vector.broadcast %parallel_loop3A_284 : i32 to vector<16xi32>
      %parallel_loop3A_286 = arith.shli %parallel_loop3A_283, %parallel_loop3A_285 : vector<16xi32>
      %parallel_loop3A_287 = vector.bitcast %parallel_loop3A_286 : vector<16xi32> to vector<16xf32>
      %parallel_loop3A_288 = arith.constant -65536 : i32
      %parallel_loop3A_289 = vector.broadcast %parallel_loop3A_288 : i32 to vector<16xi32>
      %parallel_loop3A_290 = arith.andi %parallel_loop3A_283, %parallel_loop3A_289 : vector<16xi32>
      %parallel_loop3A_291 = vector.bitcast %parallel_loop3A_290 : vector<16xi32> to vector<16xf32>
      %parallel_loop3A_292 = arith.mulf %parallel_loop3A_287, %parallel_loop3A_287 : vector<16xf32>
      %parallel_loop3A_293 = arith.mulf %parallel_loop3A_291, %parallel_loop3A_291 : vector<16xf32>
      %parallel_loop3A_294 = arith.addf %parallel_loop3A_292, %parallel_loop3A_293 : vector<16xf32>
      %parallel_loop3A_295 = arith.constant 1.000000e-30 : f32
      %parallel_loop3A_296 = vector.broadcast %parallel_loop3A_295 : f32 to vector<16xf32>
      %parallel_loop3A_297 = arith.maximumf %parallel_loop3A_294, %parallel_loop3A_296 : vector<16xf32>
      %parallel_loop3A_298 = arith.addf %parallel_loop3A_242, %parallel_loop3A_294 : vector<16xf32>
      %parallel_loop3A_299 = vector.bitcast %parallel_loop3A_297 : vector<16xf32> to vector<16xi32>
      %parallel_loop3A_300 = arith.constant 1 : i32
      %parallel_loop3A_301 = vector.broadcast %parallel_loop3A_300 : i32 to vector<16xi32>
      %parallel_loop3A_302 = arith.shrsi %parallel_loop3A_299, %parallel_loop3A_301 : vector<16xi32>
      %parallel_loop3A_303 = arith.constant 1597463007 : i32
      %parallel_loop3A_304 = vector.broadcast %parallel_loop3A_303 : i32 to vector<16xi32>
      %parallel_loop3A_305 = arith.subi %parallel_loop3A_304, %parallel_loop3A_302 : vector<16xi32>
      %parallel_loop3A_306 = vector.bitcast %parallel_loop3A_305 : vector<16xi32> to vector<16xf32>
      %parallel_loop3A_307 = arith.constant 5.000000e-01 : f32
      %parallel_loop3A_308 = vector.broadcast %parallel_loop3A_307 : f32 to vector<16xf32>
      %parallel_loop3A_309 = arith.mulf %parallel_loop3A_297, %parallel_loop3A_308 : vector<16xf32>
      %parallel_loop3A_310 = arith.mulf %parallel_loop3A_309, %parallel_loop3A_306 : vector<16xf32>
      %parallel_loop3A_311 = arith.mulf %parallel_loop3A_310, %parallel_loop3A_306 : vector<16xf32>
      %parallel_loop3A_312 = arith.constant 1.500000e+00 : f32
      %parallel_loop3A_313 = vector.broadcast %parallel_loop3A_312 : f32 to vector<16xf32>
      %parallel_loop3A_314 = arith.subf %parallel_loop3A_313, %parallel_loop3A_311 : vector<16xf32>
      %parallel_loop3A_315 = arith.mulf %parallel_loop3A_306, %parallel_loop3A_314 : vector<16xf32>
      %parallel_loop3A_316 = arith.mulf %parallel_loop3A_309, %parallel_loop3A_315 : vector<16xf32>
      %parallel_loop3A_317 = arith.mulf %parallel_loop3A_316, %parallel_loop3A_315 : vector<16xf32>
      %parallel_loop3A_318 = arith.constant 1.500000e+00 : f32
      %parallel_loop3A_319 = vector.broadcast %parallel_loop3A_318 : f32 to vector<16xf32>
      %parallel_loop3A_320 = arith.subf %parallel_loop3A_319, %parallel_loop3A_317 : vector<16xf32>
      %parallel_loop3A_321 = arith.mulf %parallel_loop3A_315, %parallel_loop3A_320 : vector<16xf32>
      %parallel_loop3A_322 = arith.mulf %parallel_loop3A_294, %parallel_loop3A_321 : vector<16xf32>
      %parallel_loop3A_323 = arith.addf %parallel_loop3A_267, %parallel_loop3A_322 : vector<16xf32>
      scf.yield %parallel_loop3A_298, %parallel_loop3A_323 : vector<16xf32>, vector<16xf32>
    } {sc.loop_unroll_factor = 1 : i64, sc.parallel_access}
    %add3A_49 = arith.constant 234 : i32
    %add3A_50 = arith.addi %add3A_4, %add3A_49 : i32
    %mul3A_51 = arith.constant 128 : i32
    %mul3A_52 = arith.muli %add3A_50, %mul3A_51 : i32
    %multiple_of3A_53 = tpu.assume_multiple %mul3A_52, 128 : i32
    %dma_start3A_54 = arith.constant 0 : i32
    %dma_start3A_55 = tpu.memref_slice %arg3[%dma_start3A_54, %multiple_of3A_53] : memref<2x1600000xi32, #tpu.memory_space<hbm>> -> memref<2x9984xi32, #tpu.memory_space<hbm>>
    %dma_start3A_56 = arith.constant 0 : i32
    %dma_start3A_57 = tpu.memref_slice %arg3[%dma_start3A_56, %multiple_of3A_53] : memref<2x1600000xi32, #tpu.memory_space<hbm>> -> memref<2x9984xi32, #tpu.memory_space<hbm>>
    tpu.enqueue_dma source(%dma_start3A_57 : memref<2x9984xi32, #tpu.memory_space<hbm>>) target(%arg8 : memref<2x9984xi32, #tpu.memory_space<vmem>>) target_semaphore(%arg14 : memref<!tpu.dma_semaphore, #tpu.memory_space<semaphore_mem>>)
    %dma_wait3A_58 = arith.constant 0 : i32
    %dma_wait3A_59 = tpu.memref_slice %arg3[%dma_wait3A_58, %multiple_of3A_36] : memref<2x1600000xi32, #tpu.memory_space<hbm>> -> memref<2x9984xi32, #tpu.memory_space<hbm>>
    %dma_wait3A_60 = arith.constant 0 : i32
    %dma_wait3A_61 = tpu.memref_slice %arg3[%dma_wait3A_60, %multiple_of3A_36] : memref<2x1600000xi32, #tpu.memory_space<hbm>> -> memref<2x9984xi32, #tpu.memory_space<hbm>>
    tpu.wait_dma2 semaphore(%arg13 : memref<!tpu.dma_semaphore, #tpu.memory_space<semaphore_mem>>) src(%dma_wait3A_61 : memref<2x9984xi32, #tpu.memory_space<hbm>>) dst(%arg7 : memref<2x9984xi32, #tpu.memory_space<vmem>>)
    %parallel_loop3A_62 = arith.constant 0 : i32
    %parallel_loop3A_63 = arith.constant 9984 : i32
    %parallel_loop3A_64 = arith.constant 64 : i32
    %parallel_loop3A_65:2 = scf.for %parallel_loop3A_97 = %parallel_loop3A_62 to %parallel_loop3A_63 step %parallel_loop3A_64 iter_args(%parallel_loop3A_98 = %parallel_loop3A_48#0, %parallel_loop3A_99 = %parallel_loop3A_48#1) -> (vector<16xf32>, vector<16xf32>)  : i32 {
      %parallel_loop3A_100 = arith.constant 0 : i32
      %parallel_loop3A_101 = arith.addi %parallel_loop3A_97, %parallel_loop3A_100 : i32
      %parallel_loop3A_102 = arith.constant 0 : i32
      %parallel_loop3A_103 = arith.index_cast %parallel_loop3A_102 : i32 to index
      %parallel_loop3A_104 = arith.index_cast %parallel_loop3A_101 : i32 to index
      %parallel_loop3A_105 = tpu.vector_load %arg7[%parallel_loop3A_103, %parallel_loop3A_104] {strides = array<i32>} : memref<2x9984xi32, #tpu.memory_space<vmem>>, vector<16xi32>,
      %parallel_loop3A_106 = arith.constant 1 : i32
      %parallel_loop3A_107 = arith.index_cast %parallel_loop3A_106 : i32 to index
      %parallel_loop3A_108 = arith.index_cast %parallel_loop3A_101 : i32 to index
      %parallel_loop3A_109 = tpu.vector_load %arg7[%parallel_loop3A_107, %parallel_loop3A_108] {strides = array<i32>} : memref<2x9984xi32, #tpu.memory_space<vmem>>, vector<16xi32>,
      %parallel_loop3A_110 = tpu.vector_load_idx %arg6[%parallel_loop3A_105] : memref<50000xi32, #tpu.memory_space<vmem>>[vector<16xi32>], vector<16xi32>,
      %parallel_loop3A_111 = tpu.vector_load_idx %arg6[%parallel_loop3A_109] : memref<50000xi32, #tpu.memory_space<vmem>>[vector<16xi32>], vector<16xi32>,
      %parallel_loop3A_112 = vector.bitcast %parallel_loop3A_110 : vector<16xi32> to vector<32xbf16>
      %parallel_loop3A_113 = vector.bitcast %parallel_loop3A_111 : vector<16xi32> to vector<32xbf16>
      %parallel_loop3A_114 = arith.subf %parallel_loop3A_112, %parallel_loop3A_113 : vector<32xbf16>
      %parallel_loop3A_115 = vector.bitcast %parallel_loop3A_114 : vector<32xbf16> to vector<16xi32>
      %parallel_loop3A_116 = arith.constant 16 : i32
      %parallel_loop3A_117 = vector.broadcast %parallel_loop3A_116 : i32 to vector<16xi32>
      %parallel_loop3A_118 = arith.shli %parallel_loop3A_115, %parallel_loop3A_117 : vector<16xi32>
      %parallel_loop3A_119 = vector.bitcast %parallel_loop3A_118 : vector<16xi32> to vector<16xf32>
      %parallel_loop3A_120 = arith.constant -65536 : i32
      %parallel_loop3A_121 = vector.broadcast %parallel_loop3A_120 : i32 to vector<16xi32>
      %parallel_loop3A_122 = arith.andi %parallel_loop3A_115, %parallel_loop3A_121 : vector<16xi32>
      %parallel_loop3A_123 = vector.bitcast %parallel_loop3A_122 : vector<16xi32> to vector<16xf32>
      %parallel_loop3A_124 = arith.mulf %parallel_loop3A_119, %parallel_loop3A_119 : vector<16xf32>
      %parallel_loop3A_125 = arith.mulf %parallel_loop3A_123, %parallel_loop3A_123 : vector<16xf32>
      %parallel_loop3A_126 = arith.addf %parallel_loop3A_124, %parallel_loop3A_125 : vector<16xf32>
      %parallel_loop3A_127 = arith.constant 1.000000e-30 : f32
      %parallel_loop3A_128 = vector.broadcast %parallel_loop3A_127 : f32 to vector<16xf32>
      %parallel_loop3A_129 = arith.maximumf %parallel_loop3A_126, %parallel_loop3A_128 : vector<16xf32>
      %parallel_loop3A_130 = arith.addf %parallel_loop3A_98, %parallel_loop3A_126 : vector<16xf32>
      %parallel_loop3A_131 = vector.bitcast %parallel_loop3A_129 : vector<16xf32> to vector<16xi32>
      %parallel_loop3A_132 = arith.constant 1 : i32
      %parallel_loop3A_133 = vector.broadcast %parallel_loop3A_132 : i32 to vector<16xi32>
      %parallel_loop3A_134 = arith.shrsi %parallel_loop3A_131, %parallel_loop3A_133 : vector<16xi32>
      %parallel_loop3A_135 = arith.constant 1597463007 : i32
      %parallel_loop3A_136 = vector.broadcast %parallel_loop3A_135 : i32 to vector<16xi32>
      %parallel_loop3A_137 = arith.subi %parallel_loop3A_136, %parallel_loop3A_134 : vector<16xi32>
      %parallel_loop3A_138 = vector.bitcast %parallel_loop3A_137 : vector<16xi32> to vector<16xf32>
      %parallel_loop3A_139 = arith.constant 5.000000e-01 : f32
      %parallel_loop3A_140 = vector.broadcast %parallel_loop3A_139 : f32 to vector<16xf32>
      %parallel_loop3A_141 = arith.mulf %parallel_loop3A_129, %parallel_loop3A_140 : vector<16xf32>
      %parallel_loop3A_142 = arith.mulf %parallel_loop3A_141, %parallel_loop3A_138 : vector<16xf32>
      %parallel_loop3A_143 = arith.mulf %parallel_loop3A_142, %parallel_loop3A_138 : vector<16xf32>
      %parallel_loop3A_144 = arith.constant 1.500000e+00 : f32
      %parallel_loop3A_145 = vector.broadcast %parallel_loop3A_144 : f32 to vector<16xf32>
      %parallel_loop3A_146 = arith.subf %parallel_loop3A_145, %parallel_loop3A_143 : vector<16xf32>
      %parallel_loop3A_147 = arith.mulf %parallel_loop3A_138, %parallel_loop3A_146 : vector<16xf32>
      %parallel_loop3A_148 = arith.mulf %parallel_loop3A_141, %parallel_loop3A_147 : vector<16xf32>
      %parallel_loop3A_149 = arith.mulf %parallel_loop3A_148, %parallel_loop3A_147 : vector<16xf32>
      %parallel_loop3A_150 = arith.constant 1.500000e+00 : f32
      %parallel_loop3A_151 = vector.broadcast %parallel_loop3A_150 : f32 to vector<16xf32>
      %parallel_loop3A_152 = arith.subf %parallel_loop3A_151, %parallel_loop3A_149 : vector<16xf32>
      %parallel_loop3A_153 = arith.mulf %parallel_loop3A_147, %parallel_loop3A_152 : vector<16xf32>
      %parallel_loop3A_154 = arith.mulf %parallel_loop3A_126, %parallel_loop3A_153 : vector<16xf32>
      %parallel_loop3A_155 = arith.addf %parallel_loop3A_99, %parallel_loop3A_154 : vector<16xf32>
      %parallel_loop3A_156 = arith.constant 16 : i32
      %parallel_loop3A_157 = arith.addi %parallel_loop3A_97, %parallel_loop3A_156 : i32
      %parallel_loop3A_158 = arith.constant 0 : i32
      %parallel_loop3A_159 = arith.index_cast %parallel_loop3A_158 : i32 to index
      %parallel_loop3A_160 = arith.index_cast %parallel_loop3A_157 : i32 to index
      %parallel_loop3A_161 = tpu.vector_load %arg7[%parallel_loop3A_159, %parallel_loop3A_160] {strides = array<i32>} : memref<2x9984xi32, #tpu.memory_space<vmem>>, vector<16xi32>,
      %parallel_loop3A_162 = arith.constant 1 : i32
      %parallel_loop3A_163 = arith.index_cast %parallel_loop3A_162 : i32 to index
      %parallel_loop3A_164 = arith.index_cast %parallel_loop3A_157 : i32 to index
      %parallel_loop3A_165 = tpu.vector_load %arg7[%parallel_loop3A_163, %parallel_loop3A_164] {strides = array<i32>} : memref<2x9984xi32, #tpu.memory_space<vmem>>, vector<16xi32>,
      %parallel_loop3A_166 = tpu.vector_load_idx %arg6[%parallel_loop3A_161] : memref<50000xi32, #tpu.memory_space<vmem>>[vector<16xi32>], vector<16xi32>,
      %parallel_loop3A_167 = tpu.vector_load_idx %arg6[%parallel_loop3A_165] : memref<50000xi32, #tpu.memory_space<vmem>>[vector<16xi32>], vector<16xi32>,
      %parallel_loop3A_168 = vector.bitcast %parallel_loop3A_166 : vector<16xi32> to vector<32xbf16>
      %parallel_loop3A_169 = vector.bitcast %parallel_loop3A_167 : vector<16xi32> to vector<32xbf16>
      %parallel_loop3A_170 = arith.subf %parallel_loop3A_168, %parallel_loop3A_169 : vector<32xbf16>
      %parallel_loop3A_171 = vector.bitcast %parallel_loop3A_170 : vector<32xbf16> to vector<16xi32>
      %parallel_loop3A_172 = arith.constant 16 : i32
      %parallel_loop3A_173 = vector.broadcast %parallel_loop3A_172 : i32 to vector<16xi32>
      %parallel_loop3A_174 = arith.shli %parallel_loop3A_171, %parallel_loop3A_173 : vector<16xi32>
      %parallel_loop3A_175 = vector.bitcast %parallel_loop3A_174 : vector<16xi32> to vector<16xf32>
      %parallel_loop3A_176 = arith.constant -65536 : i32
      %parallel_loop3A_177 = vector.broadcast %parallel_loop3A_176 : i32 to vector<16xi32>
      %parallel_loop3A_178 = arith.andi %parallel_loop3A_171, %parallel_loop3A_177 : vector<16xi32>
      %parallel_loop3A_179 = vector.bitcast %parallel_loop3A_178 : vector<16xi32> to vector<16xf32>
      %parallel_loop3A_180 = arith.mulf %parallel_loop3A_175, %parallel_loop3A_175 : vector<16xf32>
      %parallel_loop3A_181 = arith.mulf %parallel_loop3A_179, %parallel_loop3A_179 : vector<16xf32>
      %parallel_loop3A_182 = arith.addf %parallel_loop3A_180, %parallel_loop3A_181 : vector<16xf32>
      %parallel_loop3A_183 = arith.constant 1.000000e-30 : f32
      %parallel_loop3A_184 = vector.broadcast %parallel_loop3A_183 : f32 to vector<16xf32>
      %parallel_loop3A_185 = arith.maximumf %parallel_loop3A_182, %parallel_loop3A_184 : vector<16xf32>
      %parallel_loop3A_186 = arith.addf %parallel_loop3A_130, %parallel_loop3A_182 : vector<16xf32>
      %parallel_loop3A_187 = vector.bitcast %parallel_loop3A_185 : vector<16xf32> to vector<16xi32>
      %parallel_loop3A_188 = arith.constant 1 : i32
      %parallel_loop3A_189 = vector.broadcast %parallel_loop3A_188 : i32 to vector<16xi32>
      %parallel_loop3A_190 = arith.shrsi %parallel_loop3A_187, %parallel_loop3A_189 : vector<16xi32>
      %parallel_loop3A_191 = arith.constant 1597463007 : i32
      %parallel_loop3A_192 = vector.broadcast %parallel_loop3A_191 : i32 to vector<16xi32>
      %parallel_loop3A_193 = arith.subi %parallel_loop3A_192, %parallel_loop3A_190 : vector<16xi32>
      %parallel_loop3A_194 = vector.bitcast %parallel_loop3A_193 : vector<16xi32> to vector<16xf32>
      %parallel_loop3A_195 = arith.constant 5.000000e-01 : f32
      %parallel_loop3A_196 = vector.broadcast %parallel_loop3A_195 : f32 to vector<16xf32>
      %parallel_loop3A_197 = arith.mulf %parallel_loop3A_185, %parallel_loop3A_196 : vector<16xf32>
      %parallel_loop3A_198 = arith.mulf %parallel_loop3A_197, %parallel_loop3A_194 : vector<16xf32>
      %parallel_loop3A_199 = arith.mulf %parallel_loop3A_198, %parallel_loop3A_194 : vector<16xf32>
      %parallel_loop3A_200 = arith.constant 1.500000e+00 : f32
      %parallel_loop3A_201 = vector.broadcast %parallel_loop3A_200 : f32 to vector<16xf32>
      %parallel_loop3A_202 = arith.subf %parallel_loop3A_201, %parallel_loop3A_199 : vector<16xf32>
      %parallel_loop3A_203 = arith.mulf %parallel_loop3A_194, %parallel_loop3A_202 : vector<16xf32>
      %parallel_loop3A_204 = arith.mulf %parallel_loop3A_197, %parallel_loop3A_203 : vector<16xf32>
      %parallel_loop3A_205 = arith.mulf %parallel_loop3A_204, %parallel_loop3A_203 : vector<16xf32>
      %parallel_loop3A_206 = arith.constant 1.500000e+00 : f32
      %parallel_loop3A_207 = vector.broadcast %parallel_loop3A_206 : f32 to vector<16xf32>
      %parallel_loop3A_208 = arith.subf %parallel_loop3A_207, %parallel_loop3A_205 : vector<16xf32>
      %parallel_loop3A_209 = arith.mulf %parallel_loop3A_203, %parallel_loop3A_208 : vector<16xf32>
      %parallel_loop3A_210 = arith.mulf %parallel_loop3A_182, %parallel_loop3A_209 : vector<16xf32>
      %parallel_loop3A_211 = arith.addf %parallel_loop3A_155, %parallel_loop3A_210 : vector<16xf32>
      %parallel_loop3A_212 = arith.constant 32 : i32
      %parallel_loop3A_213 = arith.addi %parallel_loop3A_97, %parallel_loop3A_212 : i32
      %parallel_loop3A_214 = arith.constant 0 : i32
      %parallel_loop3A_215 = arith.index_cast %parallel_loop3A_214 : i32 to index
      %parallel_loop3A_216 = arith.index_cast %parallel_loop3A_213 : i32 to index
      %parallel_loop3A_217 = tpu.vector_load %arg7[%parallel_loop3A_215, %parallel_loop3A_216] {strides = array<i32>} : memref<2x9984xi32, #tpu.memory_space<vmem>>, vector<16xi32>,
      %parallel_loop3A_218 = arith.constant 1 : i32
      %parallel_loop3A_219 = arith.index_cast %parallel_loop3A_218 : i32 to index
      %parallel_loop3A_220 = arith.index_cast %parallel_loop3A_213 : i32 to index
      %parallel_loop3A_221 = tpu.vector_load %arg7[%parallel_loop3A_219, %parallel_loop3A_220] {strides = array<i32>} : memref<2x9984xi32, #tpu.memory_space<vmem>>, vector<16xi32>,
      %parallel_loop3A_222 = tpu.vector_load_idx %arg6[%parallel_loop3A_217] : memref<50000xi32, #tpu.memory_space<vmem>>[vector<16xi32>], vector<16xi32>,
      %parallel_loop3A_223 = tpu.vector_load_idx %arg6[%parallel_loop3A_221] : memref<50000xi32, #tpu.memory_space<vmem>>[vector<16xi32>], vector<16xi32>,
      %parallel_loop3A_224 = vector.bitcast %parallel_loop3A_222 : vector<16xi32> to vector<32xbf16>
      %parallel_loop3A_225 = vector.bitcast %parallel_loop3A_223 : vector<16xi32> to vector<32xbf16>
      %parallel_loop3A_226 = arith.subf %parallel_loop3A_224, %parallel_loop3A_225 : vector<32xbf16>
      %parallel_loop3A_227 = vector.bitcast %parallel_loop3A_226 : vector<32xbf16> to vector<16xi32>
      %parallel_loop3A_228 = arith.constant 16 : i32
      %parallel_loop3A_229 = vector.broadcast %parallel_loop3A_228 : i32 to vector<16xi32>
      %parallel_loop3A_230 = arith.shli %parallel_loop3A_227, %parallel_loop3A_229 : vector<16xi32>
      %parallel_loop3A_231 = vector.bitcast %parallel_loop3A_230 : vector<16xi32> to vector<16xf32>
      %parallel_loop3A_232 = arith.constant -65536 : i32
      %parallel_loop3A_233 = vector.broadcast %parallel_loop3A_232 : i32 to vector<16xi32>
      %parallel_loop3A_234 = arith.andi %parallel_loop3A_227, %parallel_loop3A_233 : vector<16xi32>
      %parallel_loop3A_235 = vector.bitcast %parallel_loop3A_234 : vector<16xi32> to vector<16xf32>
      %parallel_loop3A_236 = arith.mulf %parallel_loop3A_231, %parallel_loop3A_231 : vector<16xf32>
      %parallel_loop3A_237 = arith.mulf %parallel_loop3A_235, %parallel_loop3A_235 : vector<16xf32>
      %parallel_loop3A_238 = arith.addf %parallel_loop3A_236, %parallel_loop3A_237 : vector<16xf32>
      %parallel_loop3A_239 = arith.constant 1.000000e-30 : f32
      %parallel_loop3A_240 = vector.broadcast %parallel_loop3A_239 : f32 to vector<16xf32>
      %parallel_loop3A_241 = arith.maximumf %parallel_loop3A_238, %parallel_loop3A_240 : vector<16xf32>
      %parallel_loop3A_242 = arith.addf %parallel_loop3A_186, %parallel_loop3A_238 : vector<16xf32>
      %parallel_loop3A_243 = vector.bitcast %parallel_loop3A_241 : vector<16xf32> to vector<16xi32>
      %parallel_loop3A_244 = arith.constant 1 : i32
      %parallel_loop3A_245 = vector.broadcast %parallel_loop3A_244 : i32 to vector<16xi32>
      %parallel_loop3A_246 = arith.shrsi %parallel_loop3A_243, %parallel_loop3A_245 : vector<16xi32>
      %parallel_loop3A_247 = arith.constant 1597463007 : i32
      %parallel_loop3A_248 = vector.broadcast %parallel_loop3A_247 : i32 to vector<16xi32>
      %parallel_loop3A_249 = arith.subi %parallel_loop3A_248, %parallel_loop3A_246 : vector<16xi32>
      %parallel_loop3A_250 = vector.bitcast %parallel_loop3A_249 : vector<16xi32> to vector<16xf32>
      %parallel_loop3A_251 = arith.constant 5.000000e-01 : f32
      %parallel_loop3A_252 = vector.broadcast %parallel_loop3A_251 : f32 to vector<16xf32>
      %parallel_loop3A_253 = arith.mulf %parallel_loop3A_241, %parallel_loop3A_252 : vector<16xf32>
      %parallel_loop3A_254 = arith.mulf %parallel_loop3A_253, %parallel_loop3A_250 : vector<16xf32>
      %parallel_loop3A_255 = arith.mulf %parallel_loop3A_254, %parallel_loop3A_250 : vector<16xf32>
      %parallel_loop3A_256 = arith.constant 1.500000e+00 : f32
      %parallel_loop3A_257 = vector.broadcast %parallel_loop3A_256 : f32 to vector<16xf32>
      %parallel_loop3A_258 = arith.subf %parallel_loop3A_257, %parallel_loop3A_255 : vector<16xf32>
      %parallel_loop3A_259 = arith.mulf %parallel_loop3A_250, %parallel_loop3A_258 : vector<16xf32>
      %parallel_loop3A_260 = arith.mulf %parallel_loop3A_253, %parallel_loop3A_259 : vector<16xf32>
      %parallel_loop3A_261 = arith.mulf %parallel_loop3A_260, %parallel_loop3A_259 : vector<16xf32>
      %parallel_loop3A_262 = arith.constant 1.500000e+00 : f32
      %parallel_loop3A_263 = vector.broadcast %parallel_loop3A_262 : f32 to vector<16xf32>
      %parallel_loop3A_264 = arith.subf %parallel_loop3A_263, %parallel_loop3A_261 : vector<16xf32>
      %parallel_loop3A_265 = arith.mulf %parallel_loop3A_259, %parallel_loop3A_264 : vector<16xf32>
      %parallel_loop3A_266 = arith.mulf %parallel_loop3A_238, %parallel_loop3A_265 : vector<16xf32>
      %parallel_loop3A_267 = arith.addf %parallel_loop3A_211, %parallel_loop3A_266 : vector<16xf32>
      %parallel_loop3A_268 = arith.constant 48 : i32
      %parallel_loop3A_269 = arith.addi %parallel_loop3A_97, %parallel_loop3A_268 : i32
      %parallel_loop3A_270 = arith.constant 0 : i32
      %parallel_loop3A_271 = arith.index_cast %parallel_loop3A_270 : i32 to index
      %parallel_loop3A_272 = arith.index_cast %parallel_loop3A_269 : i32 to index
      %parallel_loop3A_273 = tpu.vector_load %arg7[%parallel_loop3A_271, %parallel_loop3A_272] {strides = array<i32>} : memref<2x9984xi32, #tpu.memory_space<vmem>>, vector<16xi32>,
      %parallel_loop3A_274 = arith.constant 1 : i32
      %parallel_loop3A_275 = arith.index_cast %parallel_loop3A_274 : i32 to index
      %parallel_loop3A_276 = arith.index_cast %parallel_loop3A_269 : i32 to index
      %parallel_loop3A_277 = tpu.vector_load %arg7[%parallel_loop3A_275, %parallel_loop3A_276] {strides = array<i32>} : memref<2x9984xi32, #tpu.memory_space<vmem>>, vector<16xi32>,
      %parallel_loop3A_278 = tpu.vector_load_idx %arg6[%parallel_loop3A_273] : memref<50000xi32, #tpu.memory_space<vmem>>[vector<16xi32>], vector<16xi32>,
      %parallel_loop3A_279 = tpu.vector_load_idx %arg6[%parallel_loop3A_277] : memref<50000xi32, #tpu.memory_space<vmem>>[vector<16xi32>], vector<16xi32>,
      %parallel_loop3A_280 = vector.bitcast %parallel_loop3A_278 : vector<16xi32> to vector<32xbf16>
      %parallel_loop3A_281 = vector.bitcast %parallel_loop3A_279 : vector<16xi32> to vector<32xbf16>
      %parallel_loop3A_282 = arith.subf %parallel_loop3A_280, %parallel_loop3A_281 : vector<32xbf16>
      %parallel_loop3A_283 = vector.bitcast %parallel_loop3A_282 : vector<32xbf16> to vector<16xi32>
      %parallel_loop3A_284 = arith.constant 16 : i32
      %parallel_loop3A_285 = vector.broadcast %parallel_loop3A_284 : i32 to vector<16xi32>
      %parallel_loop3A_286 = arith.shli %parallel_loop3A_283, %parallel_loop3A_285 : vector<16xi32>
      %parallel_loop3A_287 = vector.bitcast %parallel_loop3A_286 : vector<16xi32> to vector<16xf32>
      %parallel_loop3A_288 = arith.constant -65536 : i32
      %parallel_loop3A_289 = vector.broadcast %parallel_loop3A_288 : i32 to vector<16xi32>
      %parallel_loop3A_290 = arith.andi %parallel_loop3A_283, %parallel_loop3A_289 : vector<16xi32>
      %parallel_loop3A_291 = vector.bitcast %parallel_loop3A_290 : vector<16xi32> to vector<16xf32>
      %parallel_loop3A_292 = arith.mulf %parallel_loop3A_287, %parallel_loop3A_287 : vector<16xf32>
      %parallel_loop3A_293 = arith.mulf %parallel_loop3A_291, %parallel_loop3A_291 : vector<16xf32>
      %parallel_loop3A_294 = arith.addf %parallel_loop3A_292, %parallel_loop3A_293 : vector<16xf32>
      %parallel_loop3A_295 = arith.constant 1.000000e-30 : f32
      %parallel_loop3A_296 = vector.broadcast %parallel_loop3A_295 : f32 to vector<16xf32>
      %parallel_loop3A_297 = arith.maximumf %parallel_loop3A_294, %parallel_loop3A_296 : vector<16xf32>
      %parallel_loop3A_298 = arith.addf %parallel_loop3A_242, %parallel_loop3A_294 : vector<16xf32>
      %parallel_loop3A_299 = vector.bitcast %parallel_loop3A_297 : vector<16xf32> to vector<16xi32>
      %parallel_loop3A_300 = arith.constant 1 : i32
      %parallel_loop3A_301 = vector.broadcast %parallel_loop3A_300 : i32 to vector<16xi32>
      %parallel_loop3A_302 = arith.shrsi %parallel_loop3A_299, %parallel_loop3A_301 : vector<16xi32>
      %parallel_loop3A_303 = arith.constant 1597463007 : i32
      %parallel_loop3A_304 = vector.broadcast %parallel_loop3A_303 : i32 to vector<16xi32>
      %parallel_loop3A_305 = arith.subi %parallel_loop3A_304, %parallel_loop3A_302 : vector<16xi32>
      %parallel_loop3A_306 = vector.bitcast %parallel_loop3A_305 : vector<16xi32> to vector<16xf32>
      %parallel_loop3A_307 = arith.constant 5.000000e-01 : f32
      %parallel_loop3A_308 = vector.broadcast %parallel_loop3A_307 : f32 to vector<16xf32>
      %parallel_loop3A_309 = arith.mulf %parallel_loop3A_297, %parallel_loop3A_308 : vector<16xf32>
      %parallel_loop3A_310 = arith.mulf %parallel_loop3A_309, %parallel_loop3A_306 : vector<16xf32>
      %parallel_loop3A_311 = arith.mulf %parallel_loop3A_310, %parallel_loop3A_306 : vector<16xf32>
      %parallel_loop3A_312 = arith.constant 1.500000e+00 : f32
      %parallel_loop3A_313 = vector.broadcast %parallel_loop3A_312 : f32 to vector<16xf32>
      %parallel_loop3A_314 = arith.subf %parallel_loop3A_313, %parallel_loop3A_311 : vector<16xf32>
      %parallel_loop3A_315 = arith.mulf %parallel_loop3A_306, %parallel_loop3A_314 : vector<16xf32>
      %parallel_loop3A_316 = arith.mulf %parallel_loop3A_309, %parallel_loop3A_315 : vector<16xf32>
      %parallel_loop3A_317 = arith.mulf %parallel_loop3A_316, %parallel_loop3A_315 : vector<16xf32>
      %parallel_loop3A_318 = arith.constant 1.500000e+00 : f32
      %parallel_loop3A_319 = vector.broadcast %parallel_loop3A_318 : f32 to vector<16xf32>
      %parallel_loop3A_320 = arith.subf %parallel_loop3A_319, %parallel_loop3A_317 : vector<16xf32>
      %parallel_loop3A_321 = arith.mulf %parallel_loop3A_315, %parallel_loop3A_320 : vector<16xf32>
      %parallel_loop3A_322 = arith.mulf %parallel_loop3A_294, %parallel_loop3A_321 : vector<16xf32>
      %parallel_loop3A_323 = arith.addf %parallel_loop3A_267, %parallel_loop3A_322 : vector<16xf32>
      scf.yield %parallel_loop3A_298, %parallel_loop3A_323 : vector<16xf32>, vector<16xf32>
    } {sc.loop_unroll_factor = 1 : i64, sc.parallel_access}
    %add3A_66 = arith.constant 312 : i32
    %add3A_67 = arith.addi %add3A_4, %add3A_66 : i32
    %mul3A_68 = arith.constant 128 : i32
    %mul3A_69 = arith.muli %add3A_67, %mul3A_68 : i32
    %multiple_of3A_70 = tpu.assume_multiple %mul3A_69, 128 : i32
    %dma_start3A_71 = arith.constant 0 : i32
    %dma_start3A_72 = tpu.memref_slice %arg3[%dma_start3A_71, %multiple_of3A_70] : memref<2x1600000xi32, #tpu.memory_space<hbm>> -> memref<2x9984xi32, #tpu.memory_space<hbm>>
    %dma_start3A_73 = arith.constant 0 : i32
    %dma_start3A_74 = tpu.memref_slice %arg3[%dma_start3A_73, %multiple_of3A_70] : memref<2x1600000xi32, #tpu.memory_space<hbm>> -> memref<2x9984xi32, #tpu.memory_space<hbm>>
    tpu.enqueue_dma source(%dma_start3A_74 : memref<2x9984xi32, #tpu.memory_space<hbm>>) target(%arg7 : memref<2x9984xi32, #tpu.memory_space<vmem>>) target_semaphore(%arg13 : memref<!tpu.dma_semaphore, #tpu.memory_space<semaphore_mem>>)
    %dma_wait3A_75 = arith.constant 0 : i32
    %dma_wait3A_76 = tpu.memref_slice %arg3[%dma_wait3A_75, %multiple_of3A_53] : memref<2x1600000xi32, #tpu.memory_space<hbm>> -> memref<2x9984xi32, #tpu.memory_space<hbm>>
    %dma_wait3A_77 = arith.constant 0 : i32
    %dma_wait3A_78 = tpu.memref_slice %arg3[%dma_wait3A_77, %multiple_of3A_53] : memref<2x1600000xi32, #tpu.memory_space<hbm>> -> memref<2x9984xi32, #tpu.memory_space<hbm>>
    tpu.wait_dma2 semaphore(%arg14 : memref<!tpu.dma_semaphore, #tpu.memory_space<semaphore_mem>>) src(%dma_wait3A_78 : memref<2x9984xi32, #tpu.memory_space<hbm>>) dst(%arg8 : memref<2x9984xi32, #tpu.memory_space<vmem>>)
    %parallel_loop3A_79 = arith.constant 0 : i32
    %parallel_loop3A_80 = arith.constant 9984 : i32
    %parallel_loop3A_81 = arith.constant 64 : i32
    %parallel_loop3A_82:2 = scf.for %parallel_loop3A_97 = %parallel_loop3A_79 to %parallel_loop3A_80 step %parallel_loop3A_81 iter_args(%parallel_loop3A_98 = %parallel_loop3A_65#0, %parallel_loop3A_99 = %parallel_loop3A_65#1) -> (vector<16xf32>, vector<16xf32>)  : i32 {
      %parallel_loop3A_100 = arith.constant 0 : i32
      %parallel_loop3A_101 = arith.addi %parallel_loop3A_97, %parallel_loop3A_100 : i32
      %parallel_loop3A_102 = arith.constant 0 : i32
      %parallel_loop3A_103 = arith.index_cast %parallel_loop3A_102 : i32 to index
      %parallel_loop3A_104 = arith.index_cast %parallel_loop3A_101 : i32 to index
      %parallel_loop3A_105 = tpu.vector_load %arg8[%parallel_loop3A_103, %parallel_loop3A_104] {strides = array<i32>} : memref<2x9984xi32, #tpu.memory_space<vmem>>, vector<16xi32>,
      %parallel_loop3A_106 = arith.constant 1 : i32
      %parallel_loop3A_107 = arith.index_cast %parallel_loop3A_106 : i32 to index
      %parallel_loop3A_108 = arith.index_cast %parallel_loop3A_101 : i32 to index
      %parallel_loop3A_109 = tpu.vector_load %arg8[%parallel_loop3A_107, %parallel_loop3A_108] {strides = array<i32>} : memref<2x9984xi32, #tpu.memory_space<vmem>>, vector<16xi32>,
      %parallel_loop3A_110 = tpu.vector_load_idx %arg6[%parallel_loop3A_105] : memref<50000xi32, #tpu.memory_space<vmem>>[vector<16xi32>], vector<16xi32>,
      %parallel_loop3A_111 = tpu.vector_load_idx %arg6[%parallel_loop3A_109] : memref<50000xi32, #tpu.memory_space<vmem>>[vector<16xi32>], vector<16xi32>,
      %parallel_loop3A_112 = vector.bitcast %parallel_loop3A_110 : vector<16xi32> to vector<32xbf16>
      %parallel_loop3A_113 = vector.bitcast %parallel_loop3A_111 : vector<16xi32> to vector<32xbf16>
      %parallel_loop3A_114 = arith.subf %parallel_loop3A_112, %parallel_loop3A_113 : vector<32xbf16>
      %parallel_loop3A_115 = vector.bitcast %parallel_loop3A_114 : vector<32xbf16> to vector<16xi32>
      %parallel_loop3A_116 = arith.constant 16 : i32
      %parallel_loop3A_117 = vector.broadcast %parallel_loop3A_116 : i32 to vector<16xi32>
      %parallel_loop3A_118 = arith.shli %parallel_loop3A_115, %parallel_loop3A_117 : vector<16xi32>
      %parallel_loop3A_119 = vector.bitcast %parallel_loop3A_118 : vector<16xi32> to vector<16xf32>
      %parallel_loop3A_120 = arith.constant -65536 : i32
      %parallel_loop3A_121 = vector.broadcast %parallel_loop3A_120 : i32 to vector<16xi32>
      %parallel_loop3A_122 = arith.andi %parallel_loop3A_115, %parallel_loop3A_121 : vector<16xi32>
      %parallel_loop3A_123 = vector.bitcast %parallel_loop3A_122 : vector<16xi32> to vector<16xf32>
      %parallel_loop3A_124 = arith.mulf %parallel_loop3A_119, %parallel_loop3A_119 : vector<16xf32>
      %parallel_loop3A_125 = arith.mulf %parallel_loop3A_123, %parallel_loop3A_123 : vector<16xf32>
      %parallel_loop3A_126 = arith.addf %parallel_loop3A_124, %parallel_loop3A_125 : vector<16xf32>
      %parallel_loop3A_127 = arith.constant 1.000000e-30 : f32
      %parallel_loop3A_128 = vector.broadcast %parallel_loop3A_127 : f32 to vector<16xf32>
      %parallel_loop3A_129 = arith.maximumf %parallel_loop3A_126, %parallel_loop3A_128 : vector<16xf32>
      %parallel_loop3A_130 = arith.addf %parallel_loop3A_98, %parallel_loop3A_126 : vector<16xf32>
      %parallel_loop3A_131 = vector.bitcast %parallel_loop3A_129 : vector<16xf32> to vector<16xi32>
      %parallel_loop3A_132 = arith.constant 1 : i32
      %parallel_loop3A_133 = vector.broadcast %parallel_loop3A_132 : i32 to vector<16xi32>
      %parallel_loop3A_134 = arith.shrsi %parallel_loop3A_131, %parallel_loop3A_133 : vector<16xi32>
      %parallel_loop3A_135 = arith.constant 1597463007 : i32
      %parallel_loop3A_136 = vector.broadcast %parallel_loop3A_135 : i32 to vector<16xi32>
      %parallel_loop3A_137 = arith.subi %parallel_loop3A_136, %parallel_loop3A_134 : vector<16xi32>
      %parallel_loop3A_138 = vector.bitcast %parallel_loop3A_137 : vector<16xi32> to vector<16xf32>
      %parallel_loop3A_139 = arith.constant 5.000000e-01 : f32
      %parallel_loop3A_140 = vector.broadcast %parallel_loop3A_139 : f32 to vector<16xf32>
      %parallel_loop3A_141 = arith.mulf %parallel_loop3A_129, %parallel_loop3A_140 : vector<16xf32>
      %parallel_loop3A_142 = arith.mulf %parallel_loop3A_141, %parallel_loop3A_138 : vector<16xf32>
      %parallel_loop3A_143 = arith.mulf %parallel_loop3A_142, %parallel_loop3A_138 : vector<16xf32>
      %parallel_loop3A_144 = arith.constant 1.500000e+00 : f32
      %parallel_loop3A_145 = vector.broadcast %parallel_loop3A_144 : f32 to vector<16xf32>
      %parallel_loop3A_146 = arith.subf %parallel_loop3A_145, %parallel_loop3A_143 : vector<16xf32>
      %parallel_loop3A_147 = arith.mulf %parallel_loop3A_138, %parallel_loop3A_146 : vector<16xf32>
      %parallel_loop3A_148 = arith.mulf %parallel_loop3A_141, %parallel_loop3A_147 : vector<16xf32>
      %parallel_loop3A_149 = arith.mulf %parallel_loop3A_148, %parallel_loop3A_147 : vector<16xf32>
      %parallel_loop3A_150 = arith.constant 1.500000e+00 : f32
      %parallel_loop3A_151 = vector.broadcast %parallel_loop3A_150 : f32 to vector<16xf32>
      %parallel_loop3A_152 = arith.subf %parallel_loop3A_151, %parallel_loop3A_149 : vector<16xf32>
      %parallel_loop3A_153 = arith.mulf %parallel_loop3A_147, %parallel_loop3A_152 : vector<16xf32>
      %parallel_loop3A_154 = arith.mulf %parallel_loop3A_126, %parallel_loop3A_153 : vector<16xf32>
      %parallel_loop3A_155 = arith.addf %parallel_loop3A_99, %parallel_loop3A_154 : vector<16xf32>
      %parallel_loop3A_156 = arith.constant 16 : i32
      %parallel_loop3A_157 = arith.addi %parallel_loop3A_97, %parallel_loop3A_156 : i32
      %parallel_loop3A_158 = arith.constant 0 : i32
      %parallel_loop3A_159 = arith.index_cast %parallel_loop3A_158 : i32 to index
      %parallel_loop3A_160 = arith.index_cast %parallel_loop3A_157 : i32 to index
      %parallel_loop3A_161 = tpu.vector_load %arg8[%parallel_loop3A_159, %parallel_loop3A_160] {strides = array<i32>} : memref<2x9984xi32, #tpu.memory_space<vmem>>, vector<16xi32>,
      %parallel_loop3A_162 = arith.constant 1 : i32
      %parallel_loop3A_163 = arith.index_cast %parallel_loop3A_162 : i32 to index
      %parallel_loop3A_164 = arith.index_cast %parallel_loop3A_157 : i32 to index
      %parallel_loop3A_165 = tpu.vector_load %arg8[%parallel_loop3A_163, %parallel_loop3A_164] {strides = array<i32>} : memref<2x9984xi32, #tpu.memory_space<vmem>>, vector<16xi32>,
      %parallel_loop3A_166 = tpu.vector_load_idx %arg6[%parallel_loop3A_161] : memref<50000xi32, #tpu.memory_space<vmem>>[vector<16xi32>], vector<16xi32>,
      %parallel_loop3A_167 = tpu.vector_load_idx %arg6[%parallel_loop3A_165] : memref<50000xi32, #tpu.memory_space<vmem>>[vector<16xi32>], vector<16xi32>,
      %parallel_loop3A_168 = vector.bitcast %parallel_loop3A_166 : vector<16xi32> to vector<32xbf16>
      %parallel_loop3A_169 = vector.bitcast %parallel_loop3A_167 : vector<16xi32> to vector<32xbf16>
      %parallel_loop3A_170 = arith.subf %parallel_loop3A_168, %parallel_loop3A_169 : vector<32xbf16>
      %parallel_loop3A_171 = vector.bitcast %parallel_loop3A_170 : vector<32xbf16> to vector<16xi32>
      %parallel_loop3A_172 = arith.constant 16 : i32
      %parallel_loop3A_173 = vector.broadcast %parallel_loop3A_172 : i32 to vector<16xi32>
      %parallel_loop3A_174 = arith.shli %parallel_loop3A_171, %parallel_loop3A_173 : vector<16xi32>
      %parallel_loop3A_175 = vector.bitcast %parallel_loop3A_174 : vector<16xi32> to vector<16xf32>
      %parallel_loop3A_176 = arith.constant -65536 : i32
      %parallel_loop3A_177 = vector.broadcast %parallel_loop3A_176 : i32 to vector<16xi32>
      %parallel_loop3A_178 = arith.andi %parallel_loop3A_171, %parallel_loop3A_177 : vector<16xi32>
      %parallel_loop3A_179 = vector.bitcast %parallel_loop3A_178 : vector<16xi32> to vector<16xf32>
      %parallel_loop3A_180 = arith.mulf %parallel_loop3A_175, %parallel_loop3A_175 : vector<16xf32>
      %parallel_loop3A_181 = arith.mulf %parallel_loop3A_179, %parallel_loop3A_179 : vector<16xf32>
      %parallel_loop3A_182 = arith.addf %parallel_loop3A_180, %parallel_loop3A_181 : vector<16xf32>
      %parallel_loop3A_183 = arith.constant 1.000000e-30 : f32
      %parallel_loop3A_184 = vector.broadcast %parallel_loop3A_183 : f32 to vector<16xf32>
      %parallel_loop3A_185 = arith.maximumf %parallel_loop3A_182, %parallel_loop3A_184 : vector<16xf32>
      %parallel_loop3A_186 = arith.addf %parallel_loop3A_130, %parallel_loop3A_182 : vector<16xf32>
      %parallel_loop3A_187 = vector.bitcast %parallel_loop3A_185 : vector<16xf32> to vector<16xi32>
      %parallel_loop3A_188 = arith.constant 1 : i32
      %parallel_loop3A_189 = vector.broadcast %parallel_loop3A_188 : i32 to vector<16xi32>
      %parallel_loop3A_190 = arith.shrsi %parallel_loop3A_187, %parallel_loop3A_189 : vector<16xi32>
      %parallel_loop3A_191 = arith.constant 1597463007 : i32
      %parallel_loop3A_192 = vector.broadcast %parallel_loop3A_191 : i32 to vector<16xi32>
      %parallel_loop3A_193 = arith.subi %parallel_loop3A_192, %parallel_loop3A_190 : vector<16xi32>
      %parallel_loop3A_194 = vector.bitcast %parallel_loop3A_193 : vector<16xi32> to vector<16xf32>
      %parallel_loop3A_195 = arith.constant 5.000000e-01 : f32
      %parallel_loop3A_196 = vector.broadcast %parallel_loop3A_195 : f32 to vector<16xf32>
      %parallel_loop3A_197 = arith.mulf %parallel_loop3A_185, %parallel_loop3A_196 : vector<16xf32>
      %parallel_loop3A_198 = arith.mulf %parallel_loop3A_197, %parallel_loop3A_194 : vector<16xf32>
      %parallel_loop3A_199 = arith.mulf %parallel_loop3A_198, %parallel_loop3A_194 : vector<16xf32>
      %parallel_loop3A_200 = arith.constant 1.500000e+00 : f32
      %parallel_loop3A_201 = vector.broadcast %parallel_loop3A_200 : f32 to vector<16xf32>
      %parallel_loop3A_202 = arith.subf %parallel_loop3A_201, %parallel_loop3A_199 : vector<16xf32>
      %parallel_loop3A_203 = arith.mulf %parallel_loop3A_194, %parallel_loop3A_202 : vector<16xf32>
      %parallel_loop3A_204 = arith.mulf %parallel_loop3A_197, %parallel_loop3A_203 : vector<16xf32>
      %parallel_loop3A_205 = arith.mulf %parallel_loop3A_204, %parallel_loop3A_203 : vector<16xf32>
      %parallel_loop3A_206 = arith.constant 1.500000e+00 : f32
      %parallel_loop3A_207 = vector.broadcast %parallel_loop3A_206 : f32 to vector<16xf32>
      %parallel_loop3A_208 = arith.subf %parallel_loop3A_207, %parallel_loop3A_205 : vector<16xf32>
      %parallel_loop3A_209 = arith.mulf %parallel_loop3A_203, %parallel_loop3A_208 : vector<16xf32>
      %parallel_loop3A_210 = arith.mulf %parallel_loop3A_182, %parallel_loop3A_209 : vector<16xf32>
      %parallel_loop3A_211 = arith.addf %parallel_loop3A_155, %parallel_loop3A_210 : vector<16xf32>
      %parallel_loop3A_212 = arith.constant 32 : i32
      %parallel_loop3A_213 = arith.addi %parallel_loop3A_97, %parallel_loop3A_212 : i32
      %parallel_loop3A_214 = arith.constant 0 : i32
      %parallel_loop3A_215 = arith.index_cast %parallel_loop3A_214 : i32 to index
      %parallel_loop3A_216 = arith.index_cast %parallel_loop3A_213 : i32 to index
      %parallel_loop3A_217 = tpu.vector_load %arg8[%parallel_loop3A_215, %parallel_loop3A_216] {strides = array<i32>} : memref<2x9984xi32, #tpu.memory_space<vmem>>, vector<16xi32>,
      %parallel_loop3A_218 = arith.constant 1 : i32
      %parallel_loop3A_219 = arith.index_cast %parallel_loop3A_218 : i32 to index
      %parallel_loop3A_220 = arith.index_cast %parallel_loop3A_213 : i32 to index
      %parallel_loop3A_221 = tpu.vector_load %arg8[%parallel_loop3A_219, %parallel_loop3A_220] {strides = array<i32>} : memref<2x9984xi32, #tpu.memory_space<vmem>>, vector<16xi32>,
      %parallel_loop3A_222 = tpu.vector_load_idx %arg6[%parallel_loop3A_217] : memref<50000xi32, #tpu.memory_space<vmem>>[vector<16xi32>], vector<16xi32>,
      %parallel_loop3A_223 = tpu.vector_load_idx %arg6[%parallel_loop3A_221] : memref<50000xi32, #tpu.memory_space<vmem>>[vector<16xi32>], vector<16xi32>,
      %parallel_loop3A_224 = vector.bitcast %parallel_loop3A_222 : vector<16xi32> to vector<32xbf16>
      %parallel_loop3A_225 = vector.bitcast %parallel_loop3A_223 : vector<16xi32> to vector<32xbf16>
      %parallel_loop3A_226 = arith.subf %parallel_loop3A_224, %parallel_loop3A_225 : vector<32xbf16>
      %parallel_loop3A_227 = vector.bitcast %parallel_loop3A_226 : vector<32xbf16> to vector<16xi32>
      %parallel_loop3A_228 = arith.constant 16 : i32
      %parallel_loop3A_229 = vector.broadcast %parallel_loop3A_228 : i32 to vector<16xi32>
      %parallel_loop3A_230 = arith.shli %parallel_loop3A_227, %parallel_loop3A_229 : vector<16xi32>
      %parallel_loop3A_231 = vector.bitcast %parallel_loop3A_230 : vector<16xi32> to vector<16xf32>
      %parallel_loop3A_232 = arith.constant -65536 : i32
      %parallel_loop3A_233 = vector.broadcast %parallel_loop3A_232 : i32 to vector<16xi32>
      %parallel_loop3A_234 = arith.andi %parallel_loop3A_227, %parallel_loop3A_233 : vector<16xi32>
      %parallel_loop3A_235 = vector.bitcast %parallel_loop3A_234 : vector<16xi32> to vector<16xf32>
      %parallel_loop3A_236 = arith.mulf %parallel_loop3A_231, %parallel_loop3A_231 : vector<16xf32>
      %parallel_loop3A_237 = arith.mulf %parallel_loop3A_235, %parallel_loop3A_235 : vector<16xf32>
      %parallel_loop3A_238 = arith.addf %parallel_loop3A_236, %parallel_loop3A_237 : vector<16xf32>
      %parallel_loop3A_239 = arith.constant 1.000000e-30 : f32
      %parallel_loop3A_240 = vector.broadcast %parallel_loop3A_239 : f32 to vector<16xf32>
      %parallel_loop3A_241 = arith.maximumf %parallel_loop3A_238, %parallel_loop3A_240 : vector<16xf32>
      %parallel_loop3A_242 = arith.addf %parallel_loop3A_186, %parallel_loop3A_238 : vector<16xf32>
      %parallel_loop3A_243 = vector.bitcast %parallel_loop3A_241 : vector<16xf32> to vector<16xi32>
      %parallel_loop3A_244 = arith.constant 1 : i32
      %parallel_loop3A_245 = vector.broadcast %parallel_loop3A_244 : i32 to vector<16xi32>
      %parallel_loop3A_246 = arith.shrsi %parallel_loop3A_243, %parallel_loop3A_245 : vector<16xi32>
      %parallel_loop3A_247 = arith.constant 1597463007 : i32
      %parallel_loop3A_248 = vector.broadcast %parallel_loop3A_247 : i32 to vector<16xi32>
      %parallel_loop3A_249 = arith.subi %parallel_loop3A_248, %parallel_loop3A_246 : vector<16xi32>
      %parallel_loop3A_250 = vector.bitcast %parallel_loop3A_249 : vector<16xi32> to vector<16xf32>
      %parallel_loop3A_251 = arith.constant 5.000000e-01 : f32
      %parallel_loop3A_252 = vector.broadcast %parallel_loop3A_251 : f32 to vector<16xf32>
      %parallel_loop3A_253 = arith.mulf %parallel_loop3A_241, %parallel_loop3A_252 : vector<16xf32>
      %parallel_loop3A_254 = arith.mulf %parallel_loop3A_253, %parallel_loop3A_250 : vector<16xf32>
      %parallel_loop3A_255 = arith.mulf %parallel_loop3A_254, %parallel_loop3A_250 : vector<16xf32>
      %parallel_loop3A_256 = arith.constant 1.500000e+00 : f32
      %parallel_loop3A_257 = vector.broadcast %parallel_loop3A_256 : f32 to vector<16xf32>
      %parallel_loop3A_258 = arith.subf %parallel_loop3A_257, %parallel_loop3A_255 : vector<16xf32>
      %parallel_loop3A_259 = arith.mulf %parallel_loop3A_250, %parallel_loop3A_258 : vector<16xf32>
      %parallel_loop3A_260 = arith.mulf %parallel_loop3A_253, %parallel_loop3A_259 : vector<16xf32>
      %parallel_loop3A_261 = arith.mulf %parallel_loop3A_260, %parallel_loop3A_259 : vector<16xf32>
      %parallel_loop3A_262 = arith.constant 1.500000e+00 : f32
      %parallel_loop3A_263 = vector.broadcast %parallel_loop3A_262 : f32 to vector<16xf32>
      %parallel_loop3A_264 = arith.subf %parallel_loop3A_263, %parallel_loop3A_261 : vector<16xf32>
      %parallel_loop3A_265 = arith.mulf %parallel_loop3A_259, %parallel_loop3A_264 : vector<16xf32>
      %parallel_loop3A_266 = arith.mulf %parallel_loop3A_238, %parallel_loop3A_265 : vector<16xf32>
      %parallel_loop3A_267 = arith.addf %parallel_loop3A_211, %parallel_loop3A_266 : vector<16xf32>
      %parallel_loop3A_268 = arith.constant 48 : i32
      %parallel_loop3A_269 = arith.addi %parallel_loop3A_97, %parallel_loop3A_268 : i32
      %parallel_loop3A_270 = arith.constant 0 : i32
      %parallel_loop3A_271 = arith.index_cast %parallel_loop3A_270 : i32 to index
      %parallel_loop3A_272 = arith.index_cast %parallel_loop3A_269 : i32 to index
      %parallel_loop3A_273 = tpu.vector_load %arg8[%parallel_loop3A_271, %parallel_loop3A_272] {strides = array<i32>} : memref<2x9984xi32, #tpu.memory_space<vmem>>, vector<16xi32>,
      %parallel_loop3A_274 = arith.constant 1 : i32
      %parallel_loop3A_275 = arith.index_cast %parallel_loop3A_274 : i32 to index
      %parallel_loop3A_276 = arith.index_cast %parallel_loop3A_269 : i32 to index
      %parallel_loop3A_277 = tpu.vector_load %arg8[%parallel_loop3A_275, %parallel_loop3A_276] {strides = array<i32>} : memref<2x9984xi32, #tpu.memory_space<vmem>>, vector<16xi32>,
      %parallel_loop3A_278 = tpu.vector_load_idx %arg6[%parallel_loop3A_273] : memref<50000xi32, #tpu.memory_space<vmem>>[vector<16xi32>], vector<16xi32>,
      %parallel_loop3A_279 = tpu.vector_load_idx %arg6[%parallel_loop3A_277] : memref<50000xi32, #tpu.memory_space<vmem>>[vector<16xi32>], vector<16xi32>,
      %parallel_loop3A_280 = vector.bitcast %parallel_loop3A_278 : vector<16xi32> to vector<32xbf16>
      %parallel_loop3A_281 = vector.bitcast %parallel_loop3A_279 : vector<16xi32> to vector<32xbf16>
      %parallel_loop3A_282 = arith.subf %parallel_loop3A_280, %parallel_loop3A_281 : vector<32xbf16>
      %parallel_loop3A_283 = vector.bitcast %parallel_loop3A_282 : vector<32xbf16> to vector<16xi32>
      %parallel_loop3A_284 = arith.constant 16 : i32
      %parallel_loop3A_285 = vector.broadcast %parallel_loop3A_284 : i32 to vector<16xi32>
      %parallel_loop3A_286 = arith.shli %parallel_loop3A_283, %parallel_loop3A_285 : vector<16xi32>
      %parallel_loop3A_287 = vector.bitcast %parallel_loop3A_286 : vector<16xi32> to vector<16xf32>
      %parallel_loop3A_288 = arith.constant -65536 : i32
      %parallel_loop3A_289 = vector.broadcast %parallel_loop3A_288 : i32 to vector<16xi32>
      %parallel_loop3A_290 = arith.andi %parallel_loop3A_283, %parallel_loop3A_289 : vector<16xi32>
      %parallel_loop3A_291 = vector.bitcast %parallel_loop3A_290 : vector<16xi32> to vector<16xf32>
      %parallel_loop3A_292 = arith.mulf %parallel_loop3A_287, %parallel_loop3A_287 : vector<16xf32>
      %parallel_loop3A_293 = arith.mulf %parallel_loop3A_291, %parallel_loop3A_291 : vector<16xf32>
      %parallel_loop3A_294 = arith.addf %parallel_loop3A_292, %parallel_loop3A_293 : vector<16xf32>
      %parallel_loop3A_295 = arith.constant 1.000000e-30 : f32
      %parallel_loop3A_296 = vector.broadcast %parallel_loop3A_295 : f32 to vector<16xf32>
      %parallel_loop3A_297 = arith.maximumf %parallel_loop3A_294, %parallel_loop3A_296 : vector<16xf32>
      %parallel_loop3A_298 = arith.addf %parallel_loop3A_242, %parallel_loop3A_294 : vector<16xf32>
      %parallel_loop3A_299 = vector.bitcast %parallel_loop3A_297 : vector<16xf32> to vector<16xi32>
      %parallel_loop3A_300 = arith.constant 1 : i32
      %parallel_loop3A_301 = vector.broadcast %parallel_loop3A_300 : i32 to vector<16xi32>
      %parallel_loop3A_302 = arith.shrsi %parallel_loop3A_299, %parallel_loop3A_301 : vector<16xi32>
      %parallel_loop3A_303 = arith.constant 1597463007 : i32
      %parallel_loop3A_304 = vector.broadcast %parallel_loop3A_303 : i32 to vector<16xi32>
      %parallel_loop3A_305 = arith.subi %parallel_loop3A_304, %parallel_loop3A_302 : vector<16xi32>
      %parallel_loop3A_306 = vector.bitcast %parallel_loop3A_305 : vector<16xi32> to vector<16xf32>
      %parallel_loop3A_307 = arith.constant 5.000000e-01 : f32
      %parallel_loop3A_308 = vector.broadcast %parallel_loop3A_307 : f32 to vector<16xf32>
      %parallel_loop3A_309 = arith.mulf %parallel_loop3A_297, %parallel_loop3A_308 : vector<16xf32>
      %parallel_loop3A_310 = arith.mulf %parallel_loop3A_309, %parallel_loop3A_306 : vector<16xf32>
      %parallel_loop3A_311 = arith.mulf %parallel_loop3A_310, %parallel_loop3A_306 : vector<16xf32>
      %parallel_loop3A_312 = arith.constant 1.500000e+00 : f32
      %parallel_loop3A_313 = vector.broadcast %parallel_loop3A_312 : f32 to vector<16xf32>
      %parallel_loop3A_314 = arith.subf %parallel_loop3A_313, %parallel_loop3A_311 : vector<16xf32>
      %parallel_loop3A_315 = arith.mulf %parallel_loop3A_306, %parallel_loop3A_314 : vector<16xf32>
      %parallel_loop3A_316 = arith.mulf %parallel_loop3A_309, %parallel_loop3A_315 : vector<16xf32>
      %parallel_loop3A_317 = arith.mulf %parallel_loop3A_316, %parallel_loop3A_315 : vector<16xf32>
      %parallel_loop3A_318 = arith.constant 1.500000e+00 : f32
      %parallel_loop3A_319 = vector.broadcast %parallel_loop3A_318 : f32 to vector<16xf32>
      %parallel_loop3A_320 = arith.subf %parallel_loop3A_319, %parallel_loop3A_317 : vector<16xf32>
      %parallel_loop3A_321 = arith.mulf %parallel_loop3A_315, %parallel_loop3A_320 : vector<16xf32>
      %parallel_loop3A_322 = arith.mulf %parallel_loop3A_294, %parallel_loop3A_321 : vector<16xf32>
      %parallel_loop3A_323 = arith.addf %parallel_loop3A_267, %parallel_loop3A_322 : vector<16xf32>
      scf.yield %parallel_loop3A_298, %parallel_loop3A_323 : vector<16xf32>, vector<16xf32>
    } {sc.loop_unroll_factor = 1 : i64, sc.parallel_access}
    %dma_wait3A_83 = arith.constant 0 : i32
    %dma_wait3A_84 = tpu.memref_slice %arg3[%dma_wait3A_83, %multiple_of3A_70] : memref<2x1600000xi32, #tpu.memory_space<hbm>> -> memref<2x9984xi32, #tpu.memory_space<hbm>>
    %dma_wait3A_85 = arith.constant 0 : i32
    %dma_wait3A_86 = tpu.memref_slice %arg3[%dma_wait3A_85, %multiple_of3A_70] : memref<2x1600000xi32, #tpu.memory_space<hbm>> -> memref<2x9984xi32, #tpu.memory_space<hbm>>
    tpu.wait_dma2 semaphore(%arg13 : memref<!tpu.dma_semaphore, #tpu.memory_space<semaphore_mem>>) src(%dma_wait3A_86 : memref<2x9984xi32, #tpu.memory_space<hbm>>) dst(%arg7 : memref<2x9984xi32, #tpu.memory_space<vmem>>)
    %parallel_loop3A_87 = arith.constant 0 : i32
    %parallel_loop3A_88 = arith.constant 9984 : i32
    %parallel_loop3A_89 = arith.constant 64 : i32
    %parallel_loop3A_90:2 = scf.for %parallel_loop3A_97 = %parallel_loop3A_87 to %parallel_loop3A_88 step %parallel_loop3A_89 iter_args(%parallel_loop3A_98 = %parallel_loop3A_82#0, %parallel_loop3A_99 = %parallel_loop3A_82#1) -> (vector<16xf32>, vector<16xf32>)  : i32 {
      %parallel_loop3A_100 = arith.constant 0 : i32
      %parallel_loop3A_101 = arith.addi %parallel_loop3A_97, %parallel_loop3A_100 : i32
      %parallel_loop3A_102 = arith.constant 0 : i32
      %parallel_loop3A_103 = arith.index_cast %parallel_loop3A_102 : i32 to index
      %parallel_loop3A_104 = arith.index_cast %parallel_loop3A_101 : i32 to index
      %parallel_loop3A_105 = tpu.vector_load %arg7[%parallel_loop3A_103, %parallel_loop3A_104] {strides = array<i32>} : memref<2x9984xi32, #tpu.memory_space<vmem>>, vector<16xi32>,
      %parallel_loop3A_106 = arith.constant 1 : i32
      %parallel_loop3A_107 = arith.index_cast %parallel_loop3A_106 : i32 to index
      %parallel_loop3A_108 = arith.index_cast %parallel_loop3A_101 : i32 to index
      %parallel_loop3A_109 = tpu.vector_load %arg7[%parallel_loop3A_107, %parallel_loop3A_108] {strides = array<i32>} : memref<2x9984xi32, #tpu.memory_space<vmem>>, vector<16xi32>,
      %parallel_loop3A_110 = tpu.vector_load_idx %arg6[%parallel_loop3A_105] : memref<50000xi32, #tpu.memory_space<vmem>>[vector<16xi32>], vector<16xi32>,
      %parallel_loop3A_111 = tpu.vector_load_idx %arg6[%parallel_loop3A_109] : memref<50000xi32, #tpu.memory_space<vmem>>[vector<16xi32>], vector<16xi32>,
      %parallel_loop3A_112 = vector.bitcast %parallel_loop3A_110 : vector<16xi32> to vector<32xbf16>
      %parallel_loop3A_113 = vector.bitcast %parallel_loop3A_111 : vector<16xi32> to vector<32xbf16>
      %parallel_loop3A_114 = arith.subf %parallel_loop3A_112, %parallel_loop3A_113 : vector<32xbf16>
      %parallel_loop3A_115 = vector.bitcast %parallel_loop3A_114 : vector<32xbf16> to vector<16xi32>
      %parallel_loop3A_116 = arith.constant 16 : i32
      %parallel_loop3A_117 = vector.broadcast %parallel_loop3A_116 : i32 to vector<16xi32>
      %parallel_loop3A_118 = arith.shli %parallel_loop3A_115, %parallel_loop3A_117 : vector<16xi32>
      %parallel_loop3A_119 = vector.bitcast %parallel_loop3A_118 : vector<16xi32> to vector<16xf32>
      %parallel_loop3A_120 = arith.constant -65536 : i32
      %parallel_loop3A_121 = vector.broadcast %parallel_loop3A_120 : i32 to vector<16xi32>
      %parallel_loop3A_122 = arith.andi %parallel_loop3A_115, %parallel_loop3A_121 : vector<16xi32>
      %parallel_loop3A_123 = vector.bitcast %parallel_loop3A_122 : vector<16xi32> to vector<16xf32>
      %parallel_loop3A_124 = arith.mulf %parallel_loop3A_119, %parallel_loop3A_119 : vector<16xf32>
      %parallel_loop3A_125 = arith.mulf %parallel_loop3A_123, %parallel_loop3A_123 : vector<16xf32>
      %parallel_loop3A_126 = arith.addf %parallel_loop3A_124, %parallel_loop3A_125 : vector<16xf32>
      %parallel_loop3A_127 = arith.constant 1.000000e-30 : f32
      %parallel_loop3A_128 = vector.broadcast %parallel_loop3A_127 : f32 to vector<16xf32>
      %parallel_loop3A_129 = arith.maximumf %parallel_loop3A_126, %parallel_loop3A_128 : vector<16xf32>
      %parallel_loop3A_130 = arith.addf %parallel_loop3A_98, %parallel_loop3A_126 : vector<16xf32>
      %parallel_loop3A_131 = vector.bitcast %parallel_loop3A_129 : vector<16xf32> to vector<16xi32>
      %parallel_loop3A_132 = arith.constant 1 : i32
      %parallel_loop3A_133 = vector.broadcast %parallel_loop3A_132 : i32 to vector<16xi32>
      %parallel_loop3A_134 = arith.shrsi %parallel_loop3A_131, %parallel_loop3A_133 : vector<16xi32>
      %parallel_loop3A_135 = arith.constant 1597463007 : i32
      %parallel_loop3A_136 = vector.broadcast %parallel_loop3A_135 : i32 to vector<16xi32>
      %parallel_loop3A_137 = arith.subi %parallel_loop3A_136, %parallel_loop3A_134 : vector<16xi32>
      %parallel_loop3A_138 = vector.bitcast %parallel_loop3A_137 : vector<16xi32> to vector<16xf32>
      %parallel_loop3A_139 = arith.constant 5.000000e-01 : f32
      %parallel_loop3A_140 = vector.broadcast %parallel_loop3A_139 : f32 to vector<16xf32>
      %parallel_loop3A_141 = arith.mulf %parallel_loop3A_129, %parallel_loop3A_140 : vector<16xf32>
      %parallel_loop3A_142 = arith.mulf %parallel_loop3A_141, %parallel_loop3A_138 : vector<16xf32>
      %parallel_loop3A_143 = arith.mulf %parallel_loop3A_142, %parallel_loop3A_138 : vector<16xf32>
      %parallel_loop3A_144 = arith.constant 1.500000e+00 : f32
      %parallel_loop3A_145 = vector.broadcast %parallel_loop3A_144 : f32 to vector<16xf32>
      %parallel_loop3A_146 = arith.subf %parallel_loop3A_145, %parallel_loop3A_143 : vector<16xf32>
      %parallel_loop3A_147 = arith.mulf %parallel_loop3A_138, %parallel_loop3A_146 : vector<16xf32>
      %parallel_loop3A_148 = arith.mulf %parallel_loop3A_141, %parallel_loop3A_147 : vector<16xf32>
      %parallel_loop3A_149 = arith.mulf %parallel_loop3A_148, %parallel_loop3A_147 : vector<16xf32>
      %parallel_loop3A_150 = arith.constant 1.500000e+00 : f32
      %parallel_loop3A_151 = vector.broadcast %parallel_loop3A_150 : f32 to vector<16xf32>
      %parallel_loop3A_152 = arith.subf %parallel_loop3A_151, %parallel_loop3A_149 : vector<16xf32>
      %parallel_loop3A_153 = arith.mulf %parallel_loop3A_147, %parallel_loop3A_152 : vector<16xf32>
      %parallel_loop3A_154 = arith.mulf %parallel_loop3A_126, %parallel_loop3A_153 : vector<16xf32>
      %parallel_loop3A_155 = arith.addf %parallel_loop3A_99, %parallel_loop3A_154 : vector<16xf32>
      %parallel_loop3A_156 = arith.constant 16 : i32
      %parallel_loop3A_157 = arith.addi %parallel_loop3A_97, %parallel_loop3A_156 : i32
      %parallel_loop3A_158 = arith.constant 0 : i32
      %parallel_loop3A_159 = arith.index_cast %parallel_loop3A_158 : i32 to index
      %parallel_loop3A_160 = arith.index_cast %parallel_loop3A_157 : i32 to index
      %parallel_loop3A_161 = tpu.vector_load %arg7[%parallel_loop3A_159, %parallel_loop3A_160] {strides = array<i32>} : memref<2x9984xi32, #tpu.memory_space<vmem>>, vector<16xi32>,
      %parallel_loop3A_162 = arith.constant 1 : i32
      %parallel_loop3A_163 = arith.index_cast %parallel_loop3A_162 : i32 to index
      %parallel_loop3A_164 = arith.index_cast %parallel_loop3A_157 : i32 to index
      %parallel_loop3A_165 = tpu.vector_load %arg7[%parallel_loop3A_163, %parallel_loop3A_164] {strides = array<i32>} : memref<2x9984xi32, #tpu.memory_space<vmem>>, vector<16xi32>,
      %parallel_loop3A_166 = tpu.vector_load_idx %arg6[%parallel_loop3A_161] : memref<50000xi32, #tpu.memory_space<vmem>>[vector<16xi32>], vector<16xi32>,
      %parallel_loop3A_167 = tpu.vector_load_idx %arg6[%parallel_loop3A_165] : memref<50000xi32, #tpu.memory_space<vmem>>[vector<16xi32>], vector<16xi32>,
      %parallel_loop3A_168 = vector.bitcast %parallel_loop3A_166 : vector<16xi32> to vector<32xbf16>
      %parallel_loop3A_169 = vector.bitcast %parallel_loop3A_167 : vector<16xi32> to vector<32xbf16>
      %parallel_loop3A_170 = arith.subf %parallel_loop3A_168, %parallel_loop3A_169 : vector<32xbf16>
      %parallel_loop3A_171 = vector.bitcast %parallel_loop3A_170 : vector<32xbf16> to vector<16xi32>
      %parallel_loop3A_172 = arith.constant 16 : i32
      %parallel_loop3A_173 = vector.broadcast %parallel_loop3A_172 : i32 to vector<16xi32>
      %parallel_loop3A_174 = arith.shli %parallel_loop3A_171, %parallel_loop3A_173 : vector<16xi32>
      %parallel_loop3A_175 = vector.bitcast %parallel_loop3A_174 : vector<16xi32> to vector<16xf32>
      %parallel_loop3A_176 = arith.constant -65536 : i32
      %parallel_loop3A_177 = vector.broadcast %parallel_loop3A_176 : i32 to vector<16xi32>
      %parallel_loop3A_178 = arith.andi %parallel_loop3A_171, %parallel_loop3A_177 : vector<16xi32>
      %parallel_loop3A_179 = vector.bitcast %parallel_loop3A_178 : vector<16xi32> to vector<16xf32>
      %parallel_loop3A_180 = arith.mulf %parallel_loop3A_175, %parallel_loop3A_175 : vector<16xf32>
      %parallel_loop3A_181 = arith.mulf %parallel_loop3A_179, %parallel_loop3A_179 : vector<16xf32>
      %parallel_loop3A_182 = arith.addf %parallel_loop3A_180, %parallel_loop3A_181 : vector<16xf32>
      %parallel_loop3A_183 = arith.constant 1.000000e-30 : f32
      %parallel_loop3A_184 = vector.broadcast %parallel_loop3A_183 : f32 to vector<16xf32>
      %parallel_loop3A_185 = arith.maximumf %parallel_loop3A_182, %parallel_loop3A_184 : vector<16xf32>
      %parallel_loop3A_186 = arith.addf %parallel_loop3A_130, %parallel_loop3A_182 : vector<16xf32>
      %parallel_loop3A_187 = vector.bitcast %parallel_loop3A_185 : vector<16xf32> to vector<16xi32>
      %parallel_loop3A_188 = arith.constant 1 : i32
      %parallel_loop3A_189 = vector.broadcast %parallel_loop3A_188 : i32 to vector<16xi32>
      %parallel_loop3A_190 = arith.shrsi %parallel_loop3A_187, %parallel_loop3A_189 : vector<16xi32>
      %parallel_loop3A_191 = arith.constant 1597463007 : i32
      %parallel_loop3A_192 = vector.broadcast %parallel_loop3A_191 : i32 to vector<16xi32>
      %parallel_loop3A_193 = arith.subi %parallel_loop3A_192, %parallel_loop3A_190 : vector<16xi32>
      %parallel_loop3A_194 = vector.bitcast %parallel_loop3A_193 : vector<16xi32> to vector<16xf32>
      %parallel_loop3A_195 = arith.constant 5.000000e-01 : f32
      %parallel_loop3A_196 = vector.broadcast %parallel_loop3A_195 : f32 to vector<16xf32>
      %parallel_loop3A_197 = arith.mulf %parallel_loop3A_185, %parallel_loop3A_196 : vector<16xf32>
      %parallel_loop3A_198 = arith.mulf %parallel_loop3A_197, %parallel_loop3A_194 : vector<16xf32>
      %parallel_loop3A_199 = arith.mulf %parallel_loop3A_198, %parallel_loop3A_194 : vector<16xf32>
      %parallel_loop3A_200 = arith.constant 1.500000e+00 : f32
      %parallel_loop3A_201 = vector.broadcast %parallel_loop3A_200 : f32 to vector<16xf32>
      %parallel_loop3A_202 = arith.subf %parallel_loop3A_201, %parallel_loop3A_199 : vector<16xf32>
      %parallel_loop3A_203 = arith.mulf %parallel_loop3A_194, %parallel_loop3A_202 : vector<16xf32>
      %parallel_loop3A_204 = arith.mulf %parallel_loop3A_197, %parallel_loop3A_203 : vector<16xf32>
      %parallel_loop3A_205 = arith.mulf %parallel_loop3A_204, %parallel_loop3A_203 : vector<16xf32>
      %parallel_loop3A_206 = arith.constant 1.500000e+00 : f32
      %parallel_loop3A_207 = vector.broadcast %parallel_loop3A_206 : f32 to vector<16xf32>
      %parallel_loop3A_208 = arith.subf %parallel_loop3A_207, %parallel_loop3A_205 : vector<16xf32>
      %parallel_loop3A_209 = arith.mulf %parallel_loop3A_203, %parallel_loop3A_208 : vector<16xf32>
      %parallel_loop3A_210 = arith.mulf %parallel_loop3A_182, %parallel_loop3A_209 : vector<16xf32>
      %parallel_loop3A_211 = arith.addf %parallel_loop3A_155, %parallel_loop3A_210 : vector<16xf32>
      %parallel_loop3A_212 = arith.constant 32 : i32
      %parallel_loop3A_213 = arith.addi %parallel_loop3A_97, %parallel_loop3A_212 : i32
      %parallel_loop3A_214 = arith.constant 0 : i32
      %parallel_loop3A_215 = arith.index_cast %parallel_loop3A_214 : i32 to index
      %parallel_loop3A_216 = arith.index_cast %parallel_loop3A_213 : i32 to index
      %parallel_loop3A_217 = tpu.vector_load %arg7[%parallel_loop3A_215, %parallel_loop3A_216] {strides = array<i32>} : memref<2x9984xi32, #tpu.memory_space<vmem>>, vector<16xi32>,
      %parallel_loop3A_218 = arith.constant 1 : i32
      %parallel_loop3A_219 = arith.index_cast %parallel_loop3A_218 : i32 to index
      %parallel_loop3A_220 = arith.index_cast %parallel_loop3A_213 : i32 to index
      %parallel_loop3A_221 = tpu.vector_load %arg7[%parallel_loop3A_219, %parallel_loop3A_220] {strides = array<i32>} : memref<2x9984xi32, #tpu.memory_space<vmem>>, vector<16xi32>,
      %parallel_loop3A_222 = tpu.vector_load_idx %arg6[%parallel_loop3A_217] : memref<50000xi32, #tpu.memory_space<vmem>>[vector<16xi32>], vector<16xi32>,
      %parallel_loop3A_223 = tpu.vector_load_idx %arg6[%parallel_loop3A_221] : memref<50000xi32, #tpu.memory_space<vmem>>[vector<16xi32>], vector<16xi32>,
      %parallel_loop3A_224 = vector.bitcast %parallel_loop3A_222 : vector<16xi32> to vector<32xbf16>
      %parallel_loop3A_225 = vector.bitcast %parallel_loop3A_223 : vector<16xi32> to vector<32xbf16>
      %parallel_loop3A_226 = arith.subf %parallel_loop3A_224, %parallel_loop3A_225 : vector<32xbf16>
      %parallel_loop3A_227 = vector.bitcast %parallel_loop3A_226 : vector<32xbf16> to vector<16xi32>
      %parallel_loop3A_228 = arith.constant 16 : i32
      %parallel_loop3A_229 = vector.broadcast %parallel_loop3A_228 : i32 to vector<16xi32>
      %parallel_loop3A_230 = arith.shli %parallel_loop3A_227, %parallel_loop3A_229 : vector<16xi32>
      %parallel_loop3A_231 = vector.bitcast %parallel_loop3A_230 : vector<16xi32> to vector<16xf32>
      %parallel_loop3A_232 = arith.constant -65536 : i32
      %parallel_loop3A_233 = vector.broadcast %parallel_loop3A_232 : i32 to vector<16xi32>
      %parallel_loop3A_234 = arith.andi %parallel_loop3A_227, %parallel_loop3A_233 : vector<16xi32>
      %parallel_loop3A_235 = vector.bitcast %parallel_loop3A_234 : vector<16xi32> to vector<16xf32>
      %parallel_loop3A_236 = arith.mulf %parallel_loop3A_231, %parallel_loop3A_231 : vector<16xf32>
      %parallel_loop3A_237 = arith.mulf %parallel_loop3A_235, %parallel_loop3A_235 : vector<16xf32>
      %parallel_loop3A_238 = arith.addf %parallel_loop3A_236, %parallel_loop3A_237 : vector<16xf32>
      %parallel_loop3A_239 = arith.constant 1.000000e-30 : f32
      %parallel_loop3A_240 = vector.broadcast %parallel_loop3A_239 : f32 to vector<16xf32>
      %parallel_loop3A_241 = arith.maximumf %parallel_loop3A_238, %parallel_loop3A_240 : vector<16xf32>
      %parallel_loop3A_242 = arith.addf %parallel_loop3A_186, %parallel_loop3A_238 : vector<16xf32>
      %parallel_loop3A_243 = vector.bitcast %parallel_loop3A_241 : vector<16xf32> to vector<16xi32>
      %parallel_loop3A_244 = arith.constant 1 : i32
      %parallel_loop3A_245 = vector.broadcast %parallel_loop3A_244 : i32 to vector<16xi32>
      %parallel_loop3A_246 = arith.shrsi %parallel_loop3A_243, %parallel_loop3A_245 : vector<16xi32>
      %parallel_loop3A_247 = arith.constant 1597463007 : i32
      %parallel_loop3A_248 = vector.broadcast %parallel_loop3A_247 : i32 to vector<16xi32>
      %parallel_loop3A_249 = arith.subi %parallel_loop3A_248, %parallel_loop3A_246 : vector<16xi32>
      %parallel_loop3A_250 = vector.bitcast %parallel_loop3A_249 : vector<16xi32> to vector<16xf32>
      %parallel_loop3A_251 = arith.constant 5.000000e-01 : f32
      %parallel_loop3A_252 = vector.broadcast %parallel_loop3A_251 : f32 to vector<16xf32>
      %parallel_loop3A_253 = arith.mulf %parallel_loop3A_241, %parallel_loop3A_252 : vector<16xf32>
      %parallel_loop3A_254 = arith.mulf %parallel_loop3A_253, %parallel_loop3A_250 : vector<16xf32>
      %parallel_loop3A_255 = arith.mulf %parallel_loop3A_254, %parallel_loop3A_250 : vector<16xf32>
      %parallel_loop3A_256 = arith.constant 1.500000e+00 : f32
      %parallel_loop3A_257 = vector.broadcast %parallel_loop3A_256 : f32 to vector<16xf32>
      %parallel_loop3A_258 = arith.subf %parallel_loop3A_257, %parallel_loop3A_255 : vector<16xf32>
      %parallel_loop3A_259 = arith.mulf %parallel_loop3A_250, %parallel_loop3A_258 : vector<16xf32>
      %parallel_loop3A_260 = arith.mulf %parallel_loop3A_253, %parallel_loop3A_259 : vector<16xf32>
      %parallel_loop3A_261 = arith.mulf %parallel_loop3A_260, %parallel_loop3A_259 : vector<16xf32>
      %parallel_loop3A_262 = arith.constant 1.500000e+00 : f32
      %parallel_loop3A_263 = vector.broadcast %parallel_loop3A_262 : f32 to vector<16xf32>
      %parallel_loop3A_264 = arith.subf %parallel_loop3A_263, %parallel_loop3A_261 : vector<16xf32>
      %parallel_loop3A_265 = arith.mulf %parallel_loop3A_259, %parallel_loop3A_264 : vector<16xf32>
      %parallel_loop3A_266 = arith.mulf %parallel_loop3A_238, %parallel_loop3A_265 : vector<16xf32>
      %parallel_loop3A_267 = arith.addf %parallel_loop3A_211, %parallel_loop3A_266 : vector<16xf32>
      %parallel_loop3A_268 = arith.constant 48 : i32
      %parallel_loop3A_269 = arith.addi %parallel_loop3A_97, %parallel_loop3A_268 : i32
      %parallel_loop3A_270 = arith.constant 0 : i32
      %parallel_loop3A_271 = arith.index_cast %parallel_loop3A_270 : i32 to index
      %parallel_loop3A_272 = arith.index_cast %parallel_loop3A_269 : i32 to index
      %parallel_loop3A_273 = tpu.vector_load %arg7[%parallel_loop3A_271, %parallel_loop3A_272] {strides = array<i32>} : memref<2x9984xi32, #tpu.memory_space<vmem>>, vector<16xi32>,
      %parallel_loop3A_274 = arith.constant 1 : i32
      %parallel_loop3A_275 = arith.index_cast %parallel_loop3A_274 : i32 to index
      %parallel_loop3A_276 = arith.index_cast %parallel_loop3A_269 : i32 to index
      %parallel_loop3A_277 = tpu.vector_load %arg7[%parallel_loop3A_275, %parallel_loop3A_276] {strides = array<i32>} : memref<2x9984xi32, #tpu.memory_space<vmem>>, vector<16xi32>,
      %parallel_loop3A_278 = tpu.vector_load_idx %arg6[%parallel_loop3A_273] : memref<50000xi32, #tpu.memory_space<vmem>>[vector<16xi32>], vector<16xi32>,
      %parallel_loop3A_279 = tpu.vector_load_idx %arg6[%parallel_loop3A_277] : memref<50000xi32, #tpu.memory_space<vmem>>[vector<16xi32>], vector<16xi32>,
      %parallel_loop3A_280 = vector.bitcast %parallel_loop3A_278 : vector<16xi32> to vector<32xbf16>
      %parallel_loop3A_281 = vector.bitcast %parallel_loop3A_279 : vector<16xi32> to vector<32xbf16>
      %parallel_loop3A_282 = arith.subf %parallel_loop3A_280, %parallel_loop3A_281 : vector<32xbf16>
      %parallel_loop3A_283 = vector.bitcast %parallel_loop3A_282 : vector<32xbf16> to vector<16xi32>
      %parallel_loop3A_284 = arith.constant 16 : i32
      %parallel_loop3A_285 = vector.broadcast %parallel_loop3A_284 : i32 to vector<16xi32>
      %parallel_loop3A_286 = arith.shli %parallel_loop3A_283, %parallel_loop3A_285 : vector<16xi32>
      %parallel_loop3A_287 = vector.bitcast %parallel_loop3A_286 : vector<16xi32> to vector<16xf32>
      %parallel_loop3A_288 = arith.constant -65536 : i32
      %parallel_loop3A_289 = vector.broadcast %parallel_loop3A_288 : i32 to vector<16xi32>
      %parallel_loop3A_290 = arith.andi %parallel_loop3A_283, %parallel_loop3A_289 : vector<16xi32>
      %parallel_loop3A_291 = vector.bitcast %parallel_loop3A_290 : vector<16xi32> to vector<16xf32>
      %parallel_loop3A_292 = arith.mulf %parallel_loop3A_287, %parallel_loop3A_287 : vector<16xf32>
      %parallel_loop3A_293 = arith.mulf %parallel_loop3A_291, %parallel_loop3A_291 : vector<16xf32>
      %parallel_loop3A_294 = arith.addf %parallel_loop3A_292, %parallel_loop3A_293 : vector<16xf32>
      %parallel_loop3A_295 = arith.constant 1.000000e-30 : f32
      %parallel_loop3A_296 = vector.broadcast %parallel_loop3A_295 : f32 to vector<16xf32>
      %parallel_loop3A_297 = arith.maximumf %parallel_loop3A_294, %parallel_loop3A_296 : vector<16xf32>
      %parallel_loop3A_298 = arith.addf %parallel_loop3A_242, %parallel_loop3A_294 : vector<16xf32>
      %parallel_loop3A_299 = vector.bitcast %parallel_loop3A_297 : vector<16xf32> to vector<16xi32>
      %parallel_loop3A_300 = arith.constant 1 : i32
      %parallel_loop3A_301 = vector.broadcast %parallel_loop3A_300 : i32 to vector<16xi32>
      %parallel_loop3A_302 = arith.shrsi %parallel_loop3A_299, %parallel_loop3A_301 : vector<16xi32>
      %parallel_loop3A_303 = arith.constant 1597463007 : i32
      %parallel_loop3A_304 = vector.broadcast %parallel_loop3A_303 : i32 to vector<16xi32>
      %parallel_loop3A_305 = arith.subi %parallel_loop3A_304, %parallel_loop3A_302 : vector<16xi32>
      %parallel_loop3A_306 = vector.bitcast %parallel_loop3A_305 : vector<16xi32> to vector<16xf32>
      %parallel_loop3A_307 = arith.constant 5.000000e-01 : f32
      %parallel_loop3A_308 = vector.broadcast %parallel_loop3A_307 : f32 to vector<16xf32>
      %parallel_loop3A_309 = arith.mulf %parallel_loop3A_297, %parallel_loop3A_308 : vector<16xf32>
      %parallel_loop3A_310 = arith.mulf %parallel_loop3A_309, %parallel_loop3A_306 : vector<16xf32>
      %parallel_loop3A_311 = arith.mulf %parallel_loop3A_310, %parallel_loop3A_306 : vector<16xf32>
      %parallel_loop3A_312 = arith.constant 1.500000e+00 : f32
      %parallel_loop3A_313 = vector.broadcast %parallel_loop3A_312 : f32 to vector<16xf32>
      %parallel_loop3A_314 = arith.subf %parallel_loop3A_313, %parallel_loop3A_311 : vector<16xf32>
      %parallel_loop3A_315 = arith.mulf %parallel_loop3A_306, %parallel_loop3A_314 : vector<16xf32>
      %parallel_loop3A_316 = arith.mulf %parallel_loop3A_309, %parallel_loop3A_315 : vector<16xf32>
      %parallel_loop3A_317 = arith.mulf %parallel_loop3A_316, %parallel_loop3A_315 : vector<16xf32>
      %parallel_loop3A_318 = arith.constant 1.500000e+00 : f32
      %parallel_loop3A_319 = vector.broadcast %parallel_loop3A_318 : f32 to vector<16xf32>
      %parallel_loop3A_320 = arith.subf %parallel_loop3A_319, %parallel_loop3A_317 : vector<16xf32>
      %parallel_loop3A_321 = arith.mulf %parallel_loop3A_315, %parallel_loop3A_320 : vector<16xf32>
      %parallel_loop3A_322 = arith.mulf %parallel_loop3A_294, %parallel_loop3A_321 : vector<16xf32>
      %parallel_loop3A_323 = arith.addf %parallel_loop3A_267, %parallel_loop3A_322 : vector<16xf32>
      scf.yield %parallel_loop3A_298, %parallel_loop3A_323 : vector<16xf32>, vector<16xf32>
    } {sc.loop_unroll_factor = 1 : i64, sc.parallel_access}
    %swap3A = arith.constant 0 : index
    %swap3A_91 = tpu.vector_load %arg10[%swap3A] {strides = array<i32>} : memref<16xf32, #tpu.memory_space<vmem>>, vector<16xf32>,
    tpu.vector_store %arg10[%swap3A], %parallel_loop3A_90#0 {strides = array<i32>} : memref<16xf32, #tpu.memory_space<vmem>>, vector<16xf32>,
    %swap3A_92 = arith.constant 0 : index
    %swap3A_93 = tpu.vector_load %arg11[%swap3A_92] {strides = array<i32>} : memref<16xf32, #tpu.memory_space<vmem>>, vector<16xf32>,
    tpu.vector_store %arg11[%swap3A_92], %parallel_loop3A_90#1 {strides = array<i32>} : memref<16xf32, #tpu.memory_space<vmem>>, vector<16xf32>,
    %convert_element_type3A_94 = arith.extui %lt3A_5 : i1 to i32
    %cond3A_95 = arith.constant 0 : i32
    %cond3A_96 = arith.cmpi ne, %convert_element_type3A_94, %cond3A_95 : i32
    scf.if %cond3A_96 {
      %dma_wait3A_97 = arith.constant 0 : i32
      %dma_wait3A_98 = arith.constant 0 : i32
      %dma_wait3A_99 = tpu.memref_slice %arg3[%dma_wait3A_97, %dma_wait3A_98] : memref<2x1600000xi32, #tpu.memory_space<hbm>> -> memref<2x128xi32, #tpu.memory_space<hbm>>
      %dma_wait3A_100 = arith.constant 0 : i32
      %dma_wait3A_101 = arith.constant 0 : i32
      %dma_wait3A_102 = tpu.memref_slice %arg3[%dma_wait3A_100, %dma_wait3A_101] : memref<2x1600000xi32, #tpu.memory_space<hbm>> -> memref<2x128xi32, #tpu.memory_space<hbm>>
      tpu.wait_dma2 semaphore(%arg15 : memref<!tpu.dma_semaphore, #tpu.memory_space<semaphore_mem>>) src(%dma_wait3A_102 : memref<2x128xi32, #tpu.memory_space<hbm>>) dst(%arg9 : memref<2x128xi32, #tpu.memory_space<vmem>>)
      %broadcast_in_dim3A_103 = arith.constant 0.000000e+00 : f32
      %broadcast_in_dim3A_104 = vector.broadcast %broadcast_in_dim3A_103 : f32 to vector<16xf32>
      %broadcast_in_dim3A_105 = arith.constant 0.000000e+00 : f32
      %broadcast_in_dim3A_106 = vector.broadcast %broadcast_in_dim3A_105 : f32 to vector<16xf32>
      %get3A = arith.constant 0 : i32
      %get3A_107 = arith.index_cast %get3A : i32 to index
      %get3A_108 = arith.constant 0 : index
      %get3A_109 = tpu.vector_load %arg9[%get3A_107, %get3A_108] {strides = array<i32>} : memref<2x128xi32, #tpu.memory_space<vmem>>, vector<16xi32>,
      %get3A_110 = arith.constant 1 : i32
      %get3A_111 = arith.index_cast %get3A_110 : i32 to index
      %get3A_112 = arith.constant 0 : index
      %get3A_113 = tpu.vector_load %arg9[%get3A_111, %get3A_112] {strides = array<i32>} : memref<2x128xi32, #tpu.memory_space<vmem>>, vector<16xi32>,
      %gather3A = tpu.vector_load_idx %arg6[%get3A_109] : memref<50000xi32, #tpu.memory_space<vmem>>[vector<16xi32>], vector<16xi32>,
      %gather3A_114 = tpu.vector_load_idx %arg6[%get3A_113] : memref<50000xi32, #tpu.memory_space<vmem>>[vector<16xi32>], vector<16xi32>,
      %bitcast3A = vector.bitcast %gather3A : vector<16xi32> to vector<32xbf16>
      %bitcast3A_115 = vector.bitcast %gather3A_114 : vector<16xi32> to vector<32xbf16>
      %sub3A = arith.subf %bitcast3A, %bitcast3A_115 : vector<32xbf16>
      %bitcast3A_116 = vector.bitcast %sub3A : vector<32xbf16> to vector<16xi32>
      %shift_left3A = arith.constant 16 : i32
      %shift_left3A_117 = vector.broadcast %shift_left3A : i32 to vector<16xi32>
      %shift_left3A_118 = arith.shli %bitcast3A_116, %shift_left3A_117 : vector<16xi32>
      %bitcast3A_119 = vector.bitcast %shift_left3A_118 : vector<16xi32> to vector<16xf32>
      %and3A = arith.constant -65536 : i32
      %and3A_120 = vector.broadcast %and3A : i32 to vector<16xi32>
      %and3A_121 = arith.andi %bitcast3A_116, %and3A_120 : vector<16xi32>
      %bitcast3A_122 = vector.bitcast %and3A_121 : vector<16xi32> to vector<16xf32>
      %mul3A_123 = arith.mulf %bitcast3A_119, %bitcast3A_119 : vector<16xf32>
      %mul3A_124 = arith.mulf %bitcast3A_122, %bitcast3A_122 : vector<16xf32>
      %add3A_125 = arith.addf %mul3A_123, %mul3A_124 : vector<16xf32>
      %max3A = arith.constant 1.000000e-30 : f32
      %max3A_126 = vector.broadcast %max3A : f32 to vector<16xf32>
      %max3A_127 = arith.maximumf %add3A_125, %max3A_126 : vector<16xf32>
      %add3A_128 = arith.addf %broadcast_in_dim3A_104, %add3A_125 : vector<16xf32>
      %bitcast3A_129 = vector.bitcast %max3A_127 : vector<16xf32> to vector<16xi32>
      %shift_right_arithmetic3A = arith.constant 1 : i32
      %shift_right_arithmetic3A_130 = vector.broadcast %shift_right_arithmetic3A : i32 to vector<16xi32>
      %shift_right_arithmetic3A_131 = arith.shrsi %bitcast3A_129, %shift_right_arithmetic3A_130 : vector<16xi32>
      %sub3A_132 = arith.constant 1597463007 : i32
      %sub3A_133 = vector.broadcast %sub3A_132 : i32 to vector<16xi32>
      %sub3A_134 = arith.subi %sub3A_133, %shift_right_arithmetic3A_131 : vector<16xi32>
      %bitcast3A_135 = vector.bitcast %sub3A_134 : vector<16xi32> to vector<16xf32>
      %mul3A_136 = arith.constant 5.000000e-01 : f32
      %mul3A_137 = vector.broadcast %mul3A_136 : f32 to vector<16xf32>
      %mul3A_138 = arith.mulf %max3A_127, %mul3A_137 : vector<16xf32>
      %mul3A_139 = arith.mulf %mul3A_138, %bitcast3A_135 : vector<16xf32>
      %mul3A_140 = arith.mulf %mul3A_139, %bitcast3A_135 : vector<16xf32>
      %sub3A_141 = arith.constant 1.500000e+00 : f32
      %sub3A_142 = vector.broadcast %sub3A_141 : f32 to vector<16xf32>
      %sub3A_143 = arith.subf %sub3A_142, %mul3A_140 : vector<16xf32>
      %mul3A_144 = arith.mulf %bitcast3A_135, %sub3A_143 : vector<16xf32>
      %mul3A_145 = arith.mulf %mul3A_138, %mul3A_144 : vector<16xf32>
      %mul3A_146 = arith.mulf %mul3A_145, %mul3A_144 : vector<16xf32>
      %sub3A_147 = arith.constant 1.500000e+00 : f32
      %sub3A_148 = vector.broadcast %sub3A_147 : f32 to vector<16xf32>
      %sub3A_149 = arith.subf %sub3A_148, %mul3A_146 : vector<16xf32>
      %mul3A_150 = arith.mulf %mul3A_144, %sub3A_149 : vector<16xf32>
      %mul3A_151 = arith.mulf %add3A_125, %mul3A_150 : vector<16xf32>
      %add3A_152 = arith.addf %broadcast_in_dim3A_106, %mul3A_151 : vector<16xf32>
      %get3A_153 = arith.constant 0 : i32
      %get3A_154 = arith.index_cast %get3A_153 : i32 to index
      %get3A_155 = arith.constant 16 : index
      %get3A_156 = tpu.vector_load %arg9[%get3A_154, %get3A_155] {strides = array<i32>} : memref<2x128xi32, #tpu.memory_space<vmem>>, vector<16xi32>,
      %get3A_157 = arith.constant 1 : i32
      %get3A_158 = arith.index_cast %get3A_157 : i32 to index
      %get3A_159 = arith.constant 16 : index
      %get3A_160 = tpu.vector_load %arg9[%get3A_158, %get3A_159] {strides = array<i32>} : memref<2x128xi32, #tpu.memory_space<vmem>>, vector<16xi32>,
      %gather3A_161 = tpu.vector_load_idx %arg6[%get3A_156] : memref<50000xi32, #tpu.memory_space<vmem>>[vector<16xi32>], vector<16xi32>,
      %gather3A_162 = tpu.vector_load_idx %arg6[%get3A_160] : memref<50000xi32, #tpu.memory_space<vmem>>[vector<16xi32>], vector<16xi32>,
      %bitcast3A_163 = vector.bitcast %gather3A_161 : vector<16xi32> to vector<32xbf16>
      %bitcast3A_164 = vector.bitcast %gather3A_162 : vector<16xi32> to vector<32xbf16>
      %sub3A_165 = arith.subf %bitcast3A_163, %bitcast3A_164 : vector<32xbf16>
      %bitcast3A_166 = vector.bitcast %sub3A_165 : vector<32xbf16> to vector<16xi32>
      %shift_left3A_167 = arith.constant 16 : i32
      %shift_left3A_168 = vector.broadcast %shift_left3A_167 : i32 to vector<16xi32>
      %shift_left3A_169 = arith.shli %bitcast3A_166, %shift_left3A_168 : vector<16xi32>
      %bitcast3A_170 = vector.bitcast %shift_left3A_169 : vector<16xi32> to vector<16xf32>
      %and3A_171 = arith.constant -65536 : i32
      %and3A_172 = vector.broadcast %and3A_171 : i32 to vector<16xi32>
      %and3A_173 = arith.andi %bitcast3A_166, %and3A_172 : vector<16xi32>
      %bitcast3A_174 = vector.bitcast %and3A_173 : vector<16xi32> to vector<16xf32>
      %mul3A_175 = arith.mulf %bitcast3A_170, %bitcast3A_170 : vector<16xf32>
      %mul3A_176 = arith.mulf %bitcast3A_174, %bitcast3A_174 : vector<16xf32>
      %add3A_177 = arith.addf %mul3A_175, %mul3A_176 : vector<16xf32>
      %max3A_178 = arith.constant 1.000000e-30 : f32
      %max3A_179 = vector.broadcast %max3A_178 : f32 to vector<16xf32>
      %max3A_180 = arith.maximumf %add3A_177, %max3A_179 : vector<16xf32>
      %add3A_181 = arith.addf %add3A_128, %add3A_177 : vector<16xf32>
      %bitcast3A_182 = vector.bitcast %max3A_180 : vector<16xf32> to vector<16xi32>
      %shift_right_arithmetic3A_183 = arith.constant 1 : i32
      %shift_right_arithmetic3A_184 = vector.broadcast %shift_right_arithmetic3A_183 : i32 to vector<16xi32>
      %shift_right_arithmetic3A_185 = arith.shrsi %bitcast3A_182, %shift_right_arithmetic3A_184 : vector<16xi32>
      %sub3A_186 = arith.constant 1597463007 : i32
      %sub3A_187 = vector.broadcast %sub3A_186 : i32 to vector<16xi32>
      %sub3A_188 = arith.subi %sub3A_187, %shift_right_arithmetic3A_185 : vector<16xi32>
      %bitcast3A_189 = vector.bitcast %sub3A_188 : vector<16xi32> to vector<16xf32>
      %mul3A_190 = arith.constant 5.000000e-01 : f32
      %mul3A_191 = vector.broadcast %mul3A_190 : f32 to vector<16xf32>
      %mul3A_192 = arith.mulf %max3A_180, %mul3A_191 : vector<16xf32>
      %mul3A_193 = arith.mulf %mul3A_192, %bitcast3A_189 : vector<16xf32>
      %mul3A_194 = arith.mulf %mul3A_193, %bitcast3A_189 : vector<16xf32>
      %sub3A_195 = arith.constant 1.500000e+00 : f32
      %sub3A_196 = vector.broadcast %sub3A_195 : f32 to vector<16xf32>
      %sub3A_197 = arith.subf %sub3A_196, %mul3A_194 : vector<16xf32>
      %mul3A_198 = arith.mulf %bitcast3A_189, %sub3A_197 : vector<16xf32>
      %mul3A_199 = arith.mulf %mul3A_192, %mul3A_198 : vector<16xf32>
      %mul3A_200 = arith.mulf %mul3A_199, %mul3A_198 : vector<16xf32>
      %sub3A_201 = arith.constant 1.500000e+00 : f32
      %sub3A_202 = vector.broadcast %sub3A_201 : f32 to vector<16xf32>
      %sub3A_203 = arith.subf %sub3A_202, %mul3A_200 : vector<16xf32>
      %mul3A_204 = arith.mulf %mul3A_198, %sub3A_203 : vector<16xf32>
      %mul3A_205 = arith.mulf %add3A_177, %mul3A_204 : vector<16xf32>
      %add3A_206 = arith.addf %add3A_152, %mul3A_205 : vector<16xf32>
      %get3A_207 = arith.constant 0 : i32
      %get3A_208 = arith.index_cast %get3A_207 : i32 to index
      %get3A_209 = arith.constant 32 : index
      %get3A_210 = tpu.vector_load %arg9[%get3A_208, %get3A_209] {strides = array<i32>} : memref<2x128xi32, #tpu.memory_space<vmem>>, vector<16xi32>,
      %get3A_211 = arith.constant 1 : i32
      %get3A_212 = arith.index_cast %get3A_211 : i32 to index
      %get3A_213 = arith.constant 32 : index
      %get3A_214 = tpu.vector_load %arg9[%get3A_212, %get3A_213] {strides = array<i32>} : memref<2x128xi32, #tpu.memory_space<vmem>>, vector<16xi32>,
      %gather3A_215 = tpu.vector_load_idx %arg6[%get3A_210] : memref<50000xi32, #tpu.memory_space<vmem>>[vector<16xi32>], vector<16xi32>,
      %gather3A_216 = tpu.vector_load_idx %arg6[%get3A_214] : memref<50000xi32, #tpu.memory_space<vmem>>[vector<16xi32>], vector<16xi32>,
      %bitcast3A_217 = vector.bitcast %gather3A_215 : vector<16xi32> to vector<32xbf16>
      %bitcast3A_218 = vector.bitcast %gather3A_216 : vector<16xi32> to vector<32xbf16>
      %sub3A_219 = arith.subf %bitcast3A_217, %bitcast3A_218 : vector<32xbf16>
      %bitcast3A_220 = vector.bitcast %sub3A_219 : vector<32xbf16> to vector<16xi32>
      %shift_left3A_221 = arith.constant 16 : i32
      %shift_left3A_222 = vector.broadcast %shift_left3A_221 : i32 to vector<16xi32>
      %shift_left3A_223 = arith.shli %bitcast3A_220, %shift_left3A_222 : vector<16xi32>
      %bitcast3A_224 = vector.bitcast %shift_left3A_223 : vector<16xi32> to vector<16xf32>
      %and3A_225 = arith.constant -65536 : i32
      %and3A_226 = vector.broadcast %and3A_225 : i32 to vector<16xi32>
      %and3A_227 = arith.andi %bitcast3A_220, %and3A_226 : vector<16xi32>
      %bitcast3A_228 = vector.bitcast %and3A_227 : vector<16xi32> to vector<16xf32>
      %mul3A_229 = arith.mulf %bitcast3A_224, %bitcast3A_224 : vector<16xf32>
      %mul3A_230 = arith.mulf %bitcast3A_228, %bitcast3A_228 : vector<16xf32>
      %add3A_231 = arith.addf %mul3A_229, %mul3A_230 : vector<16xf32>
      %max3A_232 = arith.constant 1.000000e-30 : f32
      %max3A_233 = vector.broadcast %max3A_232 : f32 to vector<16xf32>
      %max3A_234 = arith.maximumf %add3A_231, %max3A_233 : vector<16xf32>
      %add3A_235 = arith.addf %add3A_181, %add3A_231 : vector<16xf32>
      %bitcast3A_236 = vector.bitcast %max3A_234 : vector<16xf32> to vector<16xi32>
      %shift_right_arithmetic3A_237 = arith.constant 1 : i32
      %shift_right_arithmetic3A_238 = vector.broadcast %shift_right_arithmetic3A_237 : i32 to vector<16xi32>
      %shift_right_arithmetic3A_239 = arith.shrsi %bitcast3A_236, %shift_right_arithmetic3A_238 : vector<16xi32>
      %sub3A_240 = arith.constant 1597463007 : i32
      %sub3A_241 = vector.broadcast %sub3A_240 : i32 to vector<16xi32>
      %sub3A_242 = arith.subi %sub3A_241, %shift_right_arithmetic3A_239 : vector<16xi32>
      %bitcast3A_243 = vector.bitcast %sub3A_242 : vector<16xi32> to vector<16xf32>
      %mul3A_244 = arith.constant 5.000000e-01 : f32
      %mul3A_245 = vector.broadcast %mul3A_244 : f32 to vector<16xf32>
      %mul3A_246 = arith.mulf %max3A_234, %mul3A_245 : vector<16xf32>
      %mul3A_247 = arith.mulf %mul3A_246, %bitcast3A_243 : vector<16xf32>
      %mul3A_248 = arith.mulf %mul3A_247, %bitcast3A_243 : vector<16xf32>
      %sub3A_249 = arith.constant 1.500000e+00 : f32
      %sub3A_250 = vector.broadcast %sub3A_249 : f32 to vector<16xf32>
      %sub3A_251 = arith.subf %sub3A_250, %mul3A_248 : vector<16xf32>
      %mul3A_252 = arith.mulf %bitcast3A_243, %sub3A_251 : vector<16xf32>
      %mul3A_253 = arith.mulf %mul3A_246, %mul3A_252 : vector<16xf32>
      %mul3A_254 = arith.mulf %mul3A_253, %mul3A_252 : vector<16xf32>
      %sub3A_255 = arith.constant 1.500000e+00 : f32
      %sub3A_256 = vector.broadcast %sub3A_255 : f32 to vector<16xf32>
      %sub3A_257 = arith.subf %sub3A_256, %mul3A_254 : vector<16xf32>
      %mul3A_258 = arith.mulf %mul3A_252, %sub3A_257 : vector<16xf32>
      %mul3A_259 = arith.mulf %add3A_231, %mul3A_258 : vector<16xf32>
      %add3A_260 = arith.addf %add3A_206, %mul3A_259 : vector<16xf32>
      %get3A_261 = arith.constant 0 : i32
      %get3A_262 = arith.index_cast %get3A_261 : i32 to index
      %get3A_263 = arith.constant 48 : index
      %get3A_264 = tpu.vector_load %arg9[%get3A_262, %get3A_263] {strides = array<i32>} : memref<2x128xi32, #tpu.memory_space<vmem>>, vector<16xi32>,
      %get3A_265 = arith.constant 1 : i32
      %get3A_266 = arith.index_cast %get3A_265 : i32 to index
      %get3A_267 = arith.constant 48 : index
      %get3A_268 = tpu.vector_load %arg9[%get3A_266, %get3A_267] {strides = array<i32>} : memref<2x128xi32, #tpu.memory_space<vmem>>, vector<16xi32>,
      %gather3A_269 = tpu.vector_load_idx %arg6[%get3A_264] : memref<50000xi32, #tpu.memory_space<vmem>>[vector<16xi32>], vector<16xi32>,
      %gather3A_270 = tpu.vector_load_idx %arg6[%get3A_268] : memref<50000xi32, #tpu.memory_space<vmem>>[vector<16xi32>], vector<16xi32>,
      %bitcast3A_271 = vector.bitcast %gather3A_269 : vector<16xi32> to vector<32xbf16>
      %bitcast3A_272 = vector.bitcast %gather3A_270 : vector<16xi32> to vector<32xbf16>
      %sub3A_273 = arith.subf %bitcast3A_271, %bitcast3A_272 : vector<32xbf16>
      %bitcast3A_274 = vector.bitcast %sub3A_273 : vector<32xbf16> to vector<16xi32>
      %shift_left3A_275 = arith.constant 16 : i32
      %shift_left3A_276 = vector.broadcast %shift_left3A_275 : i32 to vector<16xi32>
      %shift_left3A_277 = arith.shli %bitcast3A_274, %shift_left3A_276 : vector<16xi32>
      %bitcast3A_278 = vector.bitcast %shift_left3A_277 : vector<16xi32> to vector<16xf32>
      %and3A_279 = arith.constant -65536 : i32
      %and3A_280 = vector.broadcast %and3A_279 : i32 to vector<16xi32>
      %and3A_281 = arith.andi %bitcast3A_274, %and3A_280 : vector<16xi32>
      %bitcast3A_282 = vector.bitcast %and3A_281 : vector<16xi32> to vector<16xf32>
      %mul3A_283 = arith.mulf %bitcast3A_278, %bitcast3A_278 : vector<16xf32>
      %mul3A_284 = arith.mulf %bitcast3A_282, %bitcast3A_282 : vector<16xf32>
      %add3A_285 = arith.addf %mul3A_283, %mul3A_284 : vector<16xf32>
      %max3A_286 = arith.constant 1.000000e-30 : f32
      %max3A_287 = vector.broadcast %max3A_286 : f32 to vector<16xf32>
      %max3A_288 = arith.maximumf %add3A_285, %max3A_287 : vector<16xf32>
      %add3A_289 = arith.addf %add3A_235, %add3A_285 : vector<16xf32>
      %bitcast3A_290 = vector.bitcast %max3A_288 : vector<16xf32> to vector<16xi32>
      %shift_right_arithmetic3A_291 = arith.constant 1 : i32
      %shift_right_arithmetic3A_292 = vector.broadcast %shift_right_arithmetic3A_291 : i32 to vector<16xi32>
      %shift_right_arithmetic3A_293 = arith.shrsi %bitcast3A_290, %shift_right_arithmetic3A_292 : vector<16xi32>
      %sub3A_294 = arith.constant 1597463007 : i32
      %sub3A_295 = vector.broadcast %sub3A_294 : i32 to vector<16xi32>
      %sub3A_296 = arith.subi %sub3A_295, %shift_right_arithmetic3A_293 : vector<16xi32>
      %bitcast3A_297 = vector.bitcast %sub3A_296 : vector<16xi32> to vector<16xf32>
      %mul3A_298 = arith.constant 5.000000e-01 : f32
      %mul3A_299 = vector.broadcast %mul3A_298 : f32 to vector<16xf32>
      %mul3A_300 = arith.mulf %max3A_288, %mul3A_299 : vector<16xf32>
      %mul3A_301 = arith.mulf %mul3A_300, %bitcast3A_297 : vector<16xf32>
      %mul3A_302 = arith.mulf %mul3A_301, %bitcast3A_297 : vector<16xf32>
      %sub3A_303 = arith.constant 1.500000e+00 : f32
      %sub3A_304 = vector.broadcast %sub3A_303 : f32 to vector<16xf32>
      %sub3A_305 = arith.subf %sub3A_304, %mul3A_302 : vector<16xf32>
      %mul3A_306 = arith.mulf %bitcast3A_297, %sub3A_305 : vector<16xf32>
      %mul3A_307 = arith.mulf %mul3A_300, %mul3A_306 : vector<16xf32>
      %mul3A_308 = arith.mulf %mul3A_307, %mul3A_306 : vector<16xf32>
      %sub3A_309 = arith.constant 1.500000e+00 : f32
      %sub3A_310 = vector.broadcast %sub3A_309 : f32 to vector<16xf32>
      %sub3A_311 = arith.subf %sub3A_310, %mul3A_308 : vector<16xf32>
      %mul3A_312 = arith.mulf %mul3A_306, %sub3A_311 : vector<16xf32>
      %mul3A_313 = arith.mulf %add3A_285, %mul3A_312 : vector<16xf32>
      %add3A_314 = arith.addf %add3A_260, %mul3A_313 : vector<16xf32>
      %get3A_315 = arith.constant 0 : i32
      %get3A_316 = arith.index_cast %get3A_315 : i32 to index
      %get3A_317 = arith.constant 64 : index
      %get3A_318 = tpu.vector_load %arg9[%get3A_316, %get3A_317] {strides = array<i32>} : memref<2x128xi32, #tpu.memory_space<vmem>>, vector<16xi32>,
      %get3A_319 = arith.constant 1 : i32
      %get3A_320 = arith.index_cast %get3A_319 : i32 to index
      %get3A_321 = arith.constant 64 : index
      %get3A_322 = tpu.vector_load %arg9[%get3A_320, %get3A_321] {strides = array<i32>} : memref<2x128xi32, #tpu.memory_space<vmem>>, vector<16xi32>,
      %gather3A_323 = tpu.vector_load_idx %arg6[%get3A_318] : memref<50000xi32, #tpu.memory_space<vmem>>[vector<16xi32>], vector<16xi32>,
      %gather3A_324 = tpu.vector_load_idx %arg6[%get3A_322] : memref<50000xi32, #tpu.memory_space<vmem>>[vector<16xi32>], vector<16xi32>,
      %bitcast3A_325 = vector.bitcast %gather3A_323 : vector<16xi32> to vector<32xbf16>
      %bitcast3A_326 = vector.bitcast %gather3A_324 : vector<16xi32> to vector<32xbf16>
      %sub3A_327 = arith.subf %bitcast3A_325, %bitcast3A_326 : vector<32xbf16>
      %bitcast3A_328 = vector.bitcast %sub3A_327 : vector<32xbf16> to vector<16xi32>
      %shift_left3A_329 = arith.constant 16 : i32
      %shift_left3A_330 = vector.broadcast %shift_left3A_329 : i32 to vector<16xi32>
      %shift_left3A_331 = arith.shli %bitcast3A_328, %shift_left3A_330 : vector<16xi32>
      %bitcast3A_332 = vector.bitcast %shift_left3A_331 : vector<16xi32> to vector<16xf32>
      %and3A_333 = arith.constant -65536 : i32
      %and3A_334 = vector.broadcast %and3A_333 : i32 to vector<16xi32>
      %and3A_335 = arith.andi %bitcast3A_328, %and3A_334 : vector<16xi32>
      %bitcast3A_336 = vector.bitcast %and3A_335 : vector<16xi32> to vector<16xf32>
      %mul3A_337 = arith.mulf %bitcast3A_332, %bitcast3A_332 : vector<16xf32>
      %mul3A_338 = arith.mulf %bitcast3A_336, %bitcast3A_336 : vector<16xf32>
      %add3A_339 = arith.addf %mul3A_337, %mul3A_338 : vector<16xf32>
      %max3A_340 = arith.constant 1.000000e-30 : f32
      %max3A_341 = vector.broadcast %max3A_340 : f32 to vector<16xf32>
      %max3A_342 = arith.maximumf %add3A_339, %max3A_341 : vector<16xf32>
      %add3A_343 = arith.addf %add3A_289, %add3A_339 : vector<16xf32>
      %bitcast3A_344 = vector.bitcast %max3A_342 : vector<16xf32> to vector<16xi32>
      %shift_right_arithmetic3A_345 = arith.constant 1 : i32
      %shift_right_arithmetic3A_346 = vector.broadcast %shift_right_arithmetic3A_345 : i32 to vector<16xi32>
      %shift_right_arithmetic3A_347 = arith.shrsi %bitcast3A_344, %shift_right_arithmetic3A_346 : vector<16xi32>
      %sub3A_348 = arith.constant 1597463007 : i32
      %sub3A_349 = vector.broadcast %sub3A_348 : i32 to vector<16xi32>
      %sub3A_350 = arith.subi %sub3A_349, %shift_right_arithmetic3A_347 : vector<16xi32>
      %bitcast3A_351 = vector.bitcast %sub3A_350 : vector<16xi32> to vector<16xf32>
      %mul3A_352 = arith.constant 5.000000e-01 : f32
      %mul3A_353 = vector.broadcast %mul3A_352 : f32 to vector<16xf32>
      %mul3A_354 = arith.mulf %max3A_342, %mul3A_353 : vector<16xf32>
      %mul3A_355 = arith.mulf %mul3A_354, %bitcast3A_351 : vector<16xf32>
      %mul3A_356 = arith.mulf %mul3A_355, %bitcast3A_351 : vector<16xf32>
      %sub3A_357 = arith.constant 1.500000e+00 : f32
      %sub3A_358 = vector.broadcast %sub3A_357 : f32 to vector<16xf32>
      %sub3A_359 = arith.subf %sub3A_358, %mul3A_356 : vector<16xf32>
      %mul3A_360 = arith.mulf %bitcast3A_351, %sub3A_359 : vector<16xf32>
      %mul3A_361 = arith.mulf %mul3A_354, %mul3A_360 : vector<16xf32>
      %mul3A_362 = arith.mulf %mul3A_361, %mul3A_360 : vector<16xf32>
      %sub3A_363 = arith.constant 1.500000e+00 : f32
      %sub3A_364 = vector.broadcast %sub3A_363 : f32 to vector<16xf32>
      %sub3A_365 = arith.subf %sub3A_364, %mul3A_362 : vector<16xf32>
      %mul3A_366 = arith.mulf %mul3A_360, %sub3A_365 : vector<16xf32>
      %mul3A_367 = arith.mulf %add3A_339, %mul3A_366 : vector<16xf32>
      %add3A_368 = arith.addf %add3A_314, %mul3A_367 : vector<16xf32>
      %get3A_369 = arith.constant 0 : i32
      %get3A_370 = arith.index_cast %get3A_369 : i32 to index
      %get3A_371 = arith.constant 80 : index
      %get3A_372 = tpu.vector_load %arg9[%get3A_370, %get3A_371] {strides = array<i32>} : memref<2x128xi32, #tpu.memory_space<vmem>>, vector<16xi32>,
      %get3A_373 = arith.constant 1 : i32
      %get3A_374 = arith.index_cast %get3A_373 : i32 to index
      %get3A_375 = arith.constant 80 : index
      %get3A_376 = tpu.vector_load %arg9[%get3A_374, %get3A_375] {strides = array<i32>} : memref<2x128xi32, #tpu.memory_space<vmem>>, vector<16xi32>,
      %gather3A_377 = tpu.vector_load_idx %arg6[%get3A_372] : memref<50000xi32, #tpu.memory_space<vmem>>[vector<16xi32>], vector<16xi32>,
      %gather3A_378 = tpu.vector_load_idx %arg6[%get3A_376] : memref<50000xi32, #tpu.memory_space<vmem>>[vector<16xi32>], vector<16xi32>,
      %bitcast3A_379 = vector.bitcast %gather3A_377 : vector<16xi32> to vector<32xbf16>
      %bitcast3A_380 = vector.bitcast %gather3A_378 : vector<16xi32> to vector<32xbf16>
      %sub3A_381 = arith.subf %bitcast3A_379, %bitcast3A_380 : vector<32xbf16>
      %bitcast3A_382 = vector.bitcast %sub3A_381 : vector<32xbf16> to vector<16xi32>
      %shift_left3A_383 = arith.constant 16 : i32
      %shift_left3A_384 = vector.broadcast %shift_left3A_383 : i32 to vector<16xi32>
      %shift_left3A_385 = arith.shli %bitcast3A_382, %shift_left3A_384 : vector<16xi32>
      %bitcast3A_386 = vector.bitcast %shift_left3A_385 : vector<16xi32> to vector<16xf32>
      %and3A_387 = arith.constant -65536 : i32
      %and3A_388 = vector.broadcast %and3A_387 : i32 to vector<16xi32>
      %and3A_389 = arith.andi %bitcast3A_382, %and3A_388 : vector<16xi32>
      %bitcast3A_390 = vector.bitcast %and3A_389 : vector<16xi32> to vector<16xf32>
      %mul3A_391 = arith.mulf %bitcast3A_386, %bitcast3A_386 : vector<16xf32>
      %mul3A_392 = arith.mulf %bitcast3A_390, %bitcast3A_390 : vector<16xf32>
      %add3A_393 = arith.addf %mul3A_391, %mul3A_392 : vector<16xf32>
      %max3A_394 = arith.constant 1.000000e-30 : f32
      %max3A_395 = vector.broadcast %max3A_394 : f32 to vector<16xf32>
      %max3A_396 = arith.maximumf %add3A_393, %max3A_395 : vector<16xf32>
      %add3A_397 = arith.addf %add3A_343, %add3A_393 : vector<16xf32>
      %bitcast3A_398 = vector.bitcast %max3A_396 : vector<16xf32> to vector<16xi32>
      %shift_right_arithmetic3A_399 = arith.constant 1 : i32
      %shift_right_arithmetic3A_400 = vector.broadcast %shift_right_arithmetic3A_399 : i32 to vector<16xi32>
      %shift_right_arithmetic3A_401 = arith.shrsi %bitcast3A_398, %shift_right_arithmetic3A_400 : vector<16xi32>
      %sub3A_402 = arith.constant 1597463007 : i32
      %sub3A_403 = vector.broadcast %sub3A_402 : i32 to vector<16xi32>
      %sub3A_404 = arith.subi %sub3A_403, %shift_right_arithmetic3A_401 : vector<16xi32>
      %bitcast3A_405 = vector.bitcast %sub3A_404 : vector<16xi32> to vector<16xf32>
      %mul3A_406 = arith.constant 5.000000e-01 : f32
      %mul3A_407 = vector.broadcast %mul3A_406 : f32 to vector<16xf32>
      %mul3A_408 = arith.mulf %max3A_396, %mul3A_407 : vector<16xf32>
      %mul3A_409 = arith.mulf %mul3A_408, %bitcast3A_405 : vector<16xf32>
      %mul3A_410 = arith.mulf %mul3A_409, %bitcast3A_405 : vector<16xf32>
      %sub3A_411 = arith.constant 1.500000e+00 : f32
      %sub3A_412 = vector.broadcast %sub3A_411 : f32 to vector<16xf32>
      %sub3A_413 = arith.subf %sub3A_412, %mul3A_410 : vector<16xf32>
      %mul3A_414 = arith.mulf %bitcast3A_405, %sub3A_413 : vector<16xf32>
      %mul3A_415 = arith.mulf %mul3A_408, %mul3A_414 : vector<16xf32>
      %mul3A_416 = arith.mulf %mul3A_415, %mul3A_414 : vector<16xf32>
      %sub3A_417 = arith.constant 1.500000e+00 : f32
      %sub3A_418 = vector.broadcast %sub3A_417 : f32 to vector<16xf32>
      %sub3A_419 = arith.subf %sub3A_418, %mul3A_416 : vector<16xf32>
      %mul3A_420 = arith.mulf %mul3A_414, %sub3A_419 : vector<16xf32>
      %mul3A_421 = arith.mulf %add3A_393, %mul3A_420 : vector<16xf32>
      %add3A_422 = arith.addf %add3A_368, %mul3A_421 : vector<16xf32>
      %get3A_423 = arith.constant 0 : i32
      %get3A_424 = arith.index_cast %get3A_423 : i32 to index
      %get3A_425 = arith.constant 96 : index
      %get3A_426 = tpu.vector_load %arg9[%get3A_424, %get3A_425] {strides = array<i32>} : memref<2x128xi32, #tpu.memory_space<vmem>>, vector<16xi32>,
      %get3A_427 = arith.constant 1 : i32
      %get3A_428 = arith.index_cast %get3A_427 : i32 to index
      %get3A_429 = arith.constant 96 : index
      %get3A_430 = tpu.vector_load %arg9[%get3A_428, %get3A_429] {strides = array<i32>} : memref<2x128xi32, #tpu.memory_space<vmem>>, vector<16xi32>,
      %gather3A_431 = tpu.vector_load_idx %arg6[%get3A_426] : memref<50000xi32, #tpu.memory_space<vmem>>[vector<16xi32>], vector<16xi32>,
      %gather3A_432 = tpu.vector_load_idx %arg6[%get3A_430] : memref<50000xi32, #tpu.memory_space<vmem>>[vector<16xi32>], vector<16xi32>,
      %bitcast3A_433 = vector.bitcast %gather3A_431 : vector<16xi32> to vector<32xbf16>
      %bitcast3A_434 = vector.bitcast %gather3A_432 : vector<16xi32> to vector<32xbf16>
      %sub3A_435 = arith.subf %bitcast3A_433, %bitcast3A_434 : vector<32xbf16>
      %bitcast3A_436 = vector.bitcast %sub3A_435 : vector<32xbf16> to vector<16xi32>
      %shift_left3A_437 = arith.constant 16 : i32
      %shift_left3A_438 = vector.broadcast %shift_left3A_437 : i32 to vector<16xi32>
      %shift_left3A_439 = arith.shli %bitcast3A_436, %shift_left3A_438 : vector<16xi32>
      %bitcast3A_440 = vector.bitcast %shift_left3A_439 : vector<16xi32> to vector<16xf32>
      %and3A_441 = arith.constant -65536 : i32
      %and3A_442 = vector.broadcast %and3A_441 : i32 to vector<16xi32>
      %and3A_443 = arith.andi %bitcast3A_436, %and3A_442 : vector<16xi32>
      %bitcast3A_444 = vector.bitcast %and3A_443 : vector<16xi32> to vector<16xf32>
      %mul3A_445 = arith.mulf %bitcast3A_440, %bitcast3A_440 : vector<16xf32>
      %mul3A_446 = arith.mulf %bitcast3A_444, %bitcast3A_444 : vector<16xf32>
      %add3A_447 = arith.addf %mul3A_445, %mul3A_446 : vector<16xf32>
      %max3A_448 = arith.constant 1.000000e-30 : f32
      %max3A_449 = vector.broadcast %max3A_448 : f32 to vector<16xf32>
      %max3A_450 = arith.maximumf %add3A_447, %max3A_449 : vector<16xf32>
      %add3A_451 = arith.addf %add3A_397, %add3A_447 : vector<16xf32>
      %bitcast3A_452 = vector.bitcast %max3A_450 : vector<16xf32> to vector<16xi32>
      %shift_right_arithmetic3A_453 = arith.constant 1 : i32
      %shift_right_arithmetic3A_454 = vector.broadcast %shift_right_arithmetic3A_453 : i32 to vector<16xi32>
      %shift_right_arithmetic3A_455 = arith.shrsi %bitcast3A_452, %shift_right_arithmetic3A_454 : vector<16xi32>
      %sub3A_456 = arith.constant 1597463007 : i32
      %sub3A_457 = vector.broadcast %sub3A_456 : i32 to vector<16xi32>
      %sub3A_458 = arith.subi %sub3A_457, %shift_right_arithmetic3A_455 : vector<16xi32>
      %bitcast3A_459 = vector.bitcast %sub3A_458 : vector<16xi32> to vector<16xf32>
      %mul3A_460 = arith.constant 5.000000e-01 : f32
      %mul3A_461 = vector.broadcast %mul3A_460 : f32 to vector<16xf32>
      %mul3A_462 = arith.mulf %max3A_450, %mul3A_461 : vector<16xf32>
      %mul3A_463 = arith.mulf %mul3A_462, %bitcast3A_459 : vector<16xf32>
      %mul3A_464 = arith.mulf %mul3A_463, %bitcast3A_459 : vector<16xf32>
      %sub3A_465 = arith.constant 1.500000e+00 : f32
      %sub3A_466 = vector.broadcast %sub3A_465 : f32 to vector<16xf32>
      %sub3A_467 = arith.subf %sub3A_466, %mul3A_464 : vector<16xf32>
      %mul3A_468 = arith.mulf %bitcast3A_459, %sub3A_467 : vector<16xf32>
      %mul3A_469 = arith.mulf %mul3A_462, %mul3A_468 : vector<16xf32>
      %mul3A_470 = arith.mulf %mul3A_469, %mul3A_468 : vector<16xf32>
      %sub3A_471 = arith.constant 1.500000e+00 : f32
      %sub3A_472 = vector.broadcast %sub3A_471 : f32 to vector<16xf32>
      %sub3A_473 = arith.subf %sub3A_472, %mul3A_470 : vector<16xf32>
      %mul3A_474 = arith.mulf %mul3A_468, %sub3A_473 : vector<16xf32>
      %mul3A_475 = arith.mulf %add3A_447, %mul3A_474 : vector<16xf32>
      %add3A_476 = arith.addf %add3A_422, %mul3A_475 : vector<16xf32>
      %get3A_477 = arith.constant 0 : i32
      %get3A_478 = arith.index_cast %get3A_477 : i32 to index
      %get3A_479 = arith.constant 112 : index
      %get3A_480 = tpu.vector_load %arg9[%get3A_478, %get3A_479] {strides = array<i32>} : memref<2x128xi32, #tpu.memory_space<vmem>>, vector<16xi32>,
      %get3A_481 = arith.constant 1 : i32
      %get3A_482 = arith.index_cast %get3A_481 : i32 to index
      %get3A_483 = arith.constant 112 : index
      %get3A_484 = tpu.vector_load %arg9[%get3A_482, %get3A_483] {strides = array<i32>} : memref<2x128xi32, #tpu.memory_space<vmem>>, vector<16xi32>,
      %gather3A_485 = tpu.vector_load_idx %arg6[%get3A_480] : memref<50000xi32, #tpu.memory_space<vmem>>[vector<16xi32>], vector<16xi32>,
      %gather3A_486 = tpu.vector_load_idx %arg6[%get3A_484] : memref<50000xi32, #tpu.memory_space<vmem>>[vector<16xi32>], vector<16xi32>,
      %bitcast3A_487 = vector.bitcast %gather3A_485 : vector<16xi32> to vector<32xbf16>
      %bitcast3A_488 = vector.bitcast %gather3A_486 : vector<16xi32> to vector<32xbf16>
      %sub3A_489 = arith.subf %bitcast3A_487, %bitcast3A_488 : vector<32xbf16>
      %bitcast3A_490 = vector.bitcast %sub3A_489 : vector<32xbf16> to vector<16xi32>
      %shift_left3A_491 = arith.constant 16 : i32
      %shift_left3A_492 = vector.broadcast %shift_left3A_491 : i32 to vector<16xi32>
      %shift_left3A_493 = arith.shli %bitcast3A_490, %shift_left3A_492 : vector<16xi32>
      %bitcast3A_494 = vector.bitcast %shift_left3A_493 : vector<16xi32> to vector<16xf32>
      %and3A_495 = arith.constant -65536 : i32
      %and3A_496 = vector.broadcast %and3A_495 : i32 to vector<16xi32>
      %and3A_497 = arith.andi %bitcast3A_490, %and3A_496 : vector<16xi32>
      %bitcast3A_498 = vector.bitcast %and3A_497 : vector<16xi32> to vector<16xf32>
      %mul3A_499 = arith.mulf %bitcast3A_494, %bitcast3A_494 : vector<16xf32>
      %mul3A_500 = arith.mulf %bitcast3A_498, %bitcast3A_498 : vector<16xf32>
      %add3A_501 = arith.addf %mul3A_499, %mul3A_500 : vector<16xf32>
      %max3A_502 = arith.constant 1.000000e-30 : f32
      %max3A_503 = vector.broadcast %max3A_502 : f32 to vector<16xf32>
      %max3A_504 = arith.maximumf %add3A_501, %max3A_503 : vector<16xf32>
      %add3A_505 = arith.addf %add3A_451, %add3A_501 : vector<16xf32>
      %bitcast3A_506 = vector.bitcast %max3A_504 : vector<16xf32> to vector<16xi32>
      %shift_right_arithmetic3A_507 = arith.constant 1 : i32
      %shift_right_arithmetic3A_508 = vector.broadcast %shift_right_arithmetic3A_507 : i32 to vector<16xi32>
      %shift_right_arithmetic3A_509 = arith.shrsi %bitcast3A_506, %shift_right_arithmetic3A_508 : vector<16xi32>
      %sub3A_510 = arith.constant 1597463007 : i32
      %sub3A_511 = vector.broadcast %sub3A_510 : i32 to vector<16xi32>
      %sub3A_512 = arith.subi %sub3A_511, %shift_right_arithmetic3A_509 : vector<16xi32>
      %bitcast3A_513 = vector.bitcast %sub3A_512 : vector<16xi32> to vector<16xf32>
      %mul3A_514 = arith.constant 5.000000e-01 : f32
      %mul3A_515 = vector.broadcast %mul3A_514 : f32 to vector<16xf32>
      %mul3A_516 = arith.mulf %max3A_504, %mul3A_515 : vector<16xf32>
      %mul3A_517 = arith.mulf %mul3A_516, %bitcast3A_513 : vector<16xf32>
      %mul3A_518 = arith.mulf %mul3A_517, %bitcast3A_513 : vector<16xf32>
      %sub3A_519 = arith.constant 1.500000e+00 : f32
      %sub3A_520 = vector.broadcast %sub3A_519 : f32 to vector<16xf32>
      %sub3A_521 = arith.subf %sub3A_520, %mul3A_518 : vector<16xf32>
      %mul3A_522 = arith.mulf %bitcast3A_513, %sub3A_521 : vector<16xf32>
      %mul3A_523 = arith.mulf %mul3A_516, %mul3A_522 : vector<16xf32>
      %mul3A_524 = arith.mulf %mul3A_523, %mul3A_522 : vector<16xf32>
      %sub3A_525 = arith.constant 1.500000e+00 : f32
      %sub3A_526 = vector.broadcast %sub3A_525 : f32 to vector<16xf32>
      %sub3A_527 = arith.subf %sub3A_526, %mul3A_524 : vector<16xf32>
      %mul3A_528 = arith.mulf %mul3A_522, %sub3A_527 : vector<16xf32>
      %mul3A_529 = arith.mulf %add3A_501, %mul3A_528 : vector<16xf32>
      %add3A_530 = arith.addf %add3A_476, %mul3A_529 : vector<16xf32>
      %get3A_531 = arith.constant 0 : index
      %get3A_532 = tpu.vector_load %arg10[%get3A_531] {strides = array<i32>} : memref<16xf32, #tpu.memory_space<vmem>>, vector<16xf32>,
      %add3A_533 = arith.addf %get3A_532, %add3A_505 : vector<16xf32>
      %swap3A_534 = arith.constant 0 : index
      %swap3A_535 = tpu.vector_load %arg10[%swap3A_534] {strides = array<i32>} : memref<16xf32, #tpu.memory_space<vmem>>, vector<16xf32>,
      tpu.vector_store %arg10[%swap3A_534], %add3A_533 {strides = array<i32>} : memref<16xf32, #tpu.memory_space<vmem>>, vector<16xf32>,
      %get3A_536 = arith.constant 0 : index
      %get3A_537 = tpu.vector_load %arg11[%get3A_536] {strides = array<i32>} : memref<16xf32, #tpu.memory_space<vmem>>, vector<16xf32>,
      %add3A_538 = arith.addf %get3A_537, %add3A_530 : vector<16xf32>
      %swap3A_539 = arith.constant 0 : index
      %swap3A_540 = tpu.vector_load %arg11[%swap3A_539] {strides = array<i32>} : memref<16xf32, #tpu.memory_space<vmem>>, vector<16xf32>,
      tpu.vector_store %arg11[%swap3A_539], %add3A_538 {strides = array<i32>} : memref<16xf32, #tpu.memory_space<vmem>>, vector<16xf32>,
    } else {
    }
    "tpu.region"() ({
      %run_scoped3A = tpu.sem_alloc : memref<!tpu.dma_semaphore, #tpu.memory_space<semaphore_mem>>
      %dma_start3A_97 = arith.constant 0 : i32
      %dma_start3A_98 = tpu.memref_slice %arg4[%add3A, %dma_start3A_97] : memref<32x16xf32, #tpu.memory_space<hbm>> -> memref<1x16xf32, #tpu.memory_space<hbm>>
      %dma_start3A_99 = tpu.memref_squeeze %dma_start3A_98 : memref<1x16xf32, #tpu.memory_space<hbm>> -> memref<16xf32, #tpu.memory_space<hbm>>
      %dma_start3A_100 = arith.constant 0 : i32
      %dma_start3A_101 = tpu.memref_slice %arg4[%add3A, %dma_start3A_100] : memref<32x16xf32, #tpu.memory_space<hbm>> -> memref<1x16xf32, #tpu.memory_space<hbm>>
      %dma_start3A_102 = tpu.memref_squeeze %dma_start3A_101 : memref<1x16xf32, #tpu.memory_space<hbm>> -> memref<16xf32, #tpu.memory_space<hbm>>
      tpu.enqueue_dma source(%arg10 : memref<16xf32, #tpu.memory_space<vmem>>) target(%dma_start3A_102 : memref<16xf32, #tpu.memory_space<hbm>>) target_semaphore(%run_scoped3A : memref<!tpu.dma_semaphore, #tpu.memory_space<semaphore_mem>>)
      %dma_wait3A_103 = arith.constant 0 : i32
      %dma_wait3A_104 = tpu.memref_slice %arg4[%add3A, %dma_wait3A_103] : memref<32x16xf32, #tpu.memory_space<hbm>> -> memref<1x16xf32, #tpu.memory_space<hbm>>
      %dma_wait3A_105 = tpu.memref_squeeze %dma_wait3A_104 : memref<1x16xf32, #tpu.memory_space<hbm>> -> memref<16xf32, #tpu.memory_space<hbm>>
      %dma_wait3A_106 = arith.constant 0 : i32
      %dma_wait3A_107 = tpu.memref_slice %arg4[%add3A, %dma_wait3A_106] : memref<32x16xf32, #tpu.memory_space<hbm>> -> memref<1x16xf32, #tpu.memory_space<hbm>>
      %dma_wait3A_108 = tpu.memref_squeeze %dma_wait3A_107 : memref<1x16xf32, #tpu.memory_space<hbm>> -> memref<16xf32, #tpu.memory_space<hbm>>
      tpu.wait_dma2 semaphore(%run_scoped3A : memref<!tpu.dma_semaphore, #tpu.memory_space<semaphore_mem>>) src(%arg10 : memref<16xf32, #tpu.memory_space<vmem>>) dst(%dma_wait3A_108 : memref<16xf32, #tpu.memory_space<hbm>>)
      tpu.yield
    }) : () -> ()
    "tpu.region"() ({
      %run_scoped3A = tpu.sem_alloc : memref<!tpu.dma_semaphore, #tpu.memory_space<semaphore_mem>>
      %dma_start3A_97 = arith.constant 0 : i32
      %dma_start3A_98 = tpu.memref_slice %arg5[%add3A, %dma_start3A_97] : memref<32x16xf32, #tpu.memory_space<hbm>> -> memref<1x16xf32, #tpu.memory_space<hbm>>
      %dma_start3A_99 = tpu.memref_squeeze %dma_start3A_98 : memref<1x16xf32, #tpu.memory_space<hbm>> -> memref<16xf32, #tpu.memory_space<hbm>>
      %dma_start3A_100 = arith.constant 0 : i32
      %dma_start3A_101 = tpu.memref_slice %arg5[%add3A, %dma_start3A_100] : memref<32x16xf32, #tpu.memory_space<hbm>> -> memref<1x16xf32, #tpu.memory_space<hbm>>
      %dma_start3A_102 = tpu.memref_squeeze %dma_start3A_101 : memref<1x16xf32, #tpu.memory_space<hbm>> -> memref<16xf32, #tpu.memory_space<hbm>>
      tpu.enqueue_dma source(%arg11 : memref<16xf32, #tpu.memory_space<vmem>>) target(%dma_start3A_102 : memref<16xf32, #tpu.memory_space<hbm>>) target_semaphore(%run_scoped3A : memref<!tpu.dma_semaphore, #tpu.memory_space<semaphore_mem>>)
      %dma_wait3A_103 = arith.constant 0 : i32
      %dma_wait3A_104 = tpu.memref_slice %arg5[%add3A, %dma_wait3A_103] : memref<32x16xf32, #tpu.memory_space<hbm>> -> memref<1x16xf32, #tpu.memory_space<hbm>>
      %dma_wait3A_105 = tpu.memref_squeeze %dma_wait3A_104 : memref<1x16xf32, #tpu.memory_space<hbm>> -> memref<16xf32, #tpu.memory_space<hbm>>
      %dma_wait3A_106 = arith.constant 0 : i32
      %dma_wait3A_107 = tpu.memref_slice %arg5[%add3A, %dma_wait3A_106] : memref<32x16xf32, #tpu.memory_space<hbm>> -> memref<1x16xf32, #tpu.memory_space<hbm>>
      %dma_wait3A_108 = tpu.memref_squeeze %dma_wait3A_107 : memref<1x16xf32, #tpu.memory_space<hbm>> -> memref<16xf32, #tpu.memory_space<hbm>>
      tpu.wait_dma2 semaphore(%run_scoped3A : memref<!tpu.dma_semaphore, #tpu.memory_space<semaphore_mem>>) src(%arg11 : memref<16xf32, #tpu.memory_space<vmem>>) dst(%dma_wait3A_108 : memref<16xf32, #tpu.memory_space<hbm>>)
      tpu.yield
    }) : () -> ()
    return
  }
}

module attributes {stable_mosaic.version = 14 : i64} {
  func.func @_dense_body(%arg0: memref<392x128xf32, #tpu.memory_space<vmem>>, %arg1: memref<392x128xf32, #tpu.memory_space<vmem>>, %arg2: memref<392x128xf32, #tpu.memory_space<vmem>>, %arg3: memref<392x128xf32, #tpu.memory_space<vmem>>, %arg4: memref<392x128xi32, #tpu.memory_space<vmem>>, %arg5: memref<8x128xf32, #tpu.memory_space<vmem>>) attributes {dimension_semantics = [], scalar_prefetch = 0 : i64, scratch_operands = 0 : i64, tpu.core_type = #tpu.core_type<tc>} {
    %get3A = arith.constant 0 : index
    %get3A_0 = arith.constant 0 : index
    %get3A_1 = vector.load %arg0[%get3A, %get3A_0] : memref<392x128xf32, #tpu.memory_space<vmem>>, vector<392x128xf32>
    %get3A_2 = arith.constant 0 : index
    %get3A_3 = arith.constant 0 : index
    %get3A_4 = vector.load %arg1[%get3A_2, %get3A_3] : memref<392x128xf32, #tpu.memory_space<vmem>>, vector<392x128xf32>
    %get3A_5 = arith.constant 0 : index
    %get3A_6 = arith.constant 0 : index
    %get3A_7 = vector.load %arg4[%get3A_5, %get3A_6] : memref<392x128xi32, #tpu.memory_space<vmem>>, vector<392x128xi32>
    %get3A_8 = arith.constant 0 : index
    %get3A_9 = arith.constant 0 : index
    %get3A_10 = vector.load %arg2[%get3A_8, %get3A_9] : memref<392x128xf32, #tpu.memory_space<vmem>>, vector<392x128xf32>
    %sub3A = arith.subf %get3A_1, %get3A_10 : vector<392x128xf32>
    %abs3A = math.absf %sub3A : vector<392x128xf32>
    %lt3A = arith.constant 1.000000e+00 : f32
    %lt3A_11 = vector.broadcast %lt3A : f32 to vector<392x128xf32>
    %lt3A_12 = arith.cmpf olt, %abs3A, %lt3A_11 : vector<392x128xf32>
    %mul3A = arith.constant 5.000000e-01 : f32
    %mul3A_13 = vector.broadcast %mul3A : f32 to vector<392x128xf32>
    %mul3A_14 = arith.mulf %mul3A_13, %sub3A : vector<392x128xf32>
    %mul3A_15 = arith.mulf %mul3A_14, %sub3A : vector<392x128xf32>
    %sub3A_16 = arith.constant 5.000000e-01 : f32
    %sub3A_17 = vector.broadcast %sub3A_16 : f32 to vector<392x128xf32>
    %sub3A_18 = arith.subf %abs3A, %sub3A_17 : vector<392x128xf32>
    %mul3A_19 = arith.constant 1.000000e+00 : f32
    %mul3A_20 = vector.broadcast %mul3A_19 : f32 to vector<392x128xf32>
    %mul3A_21 = arith.mulf %mul3A_20, %sub3A_18 : vector<392x128xf32>
    %select_n3A = arith.select %lt3A_12, %mul3A_15, %mul3A_21 : vector<392x128xi1>, vector<392x128xf32>
    %reduce_sum3A = vector.shape_cast %select_n3A : vector<392x128xf32> to vector<1x392x128xf32>
    %reduce_sum3A_22 = arith.constant dense<0.000000e+00> : vector<1xf32>
    %reduce_sum3A_23 = vector.multi_reduction <add>, %reduce_sum3A, %reduce_sum3A_22 [1, 2] : vector<1x392x128xf32> to vector<1xf32>
    %reduce_sum3A_24 = vector.shape_cast %reduce_sum3A_23 : vector<1xf32> to vector<1x1x1xf32>
    %reduce_sum3A_25 = vector.extract %reduce_sum3A_24[0, 0, 0] : f32 from vector<1x1x1xf32>
    %get3A_26 = arith.constant 0 : index
    %get3A_27 = arith.constant 0 : index
    %get3A_28 = vector.load %arg3[%get3A_26, %get3A_27] : memref<392x128xf32, #tpu.memory_space<vmem>>, vector<392x128xf32>
    %sub3A_29 = arith.subf %get3A_4, %get3A_28 : vector<392x128xf32>
    %abs3A_30 = math.absf %sub3A_29 : vector<392x128xf32>
    %lt3A_31 = arith.constant 1.000000e+00 : f32
    %lt3A_32 = vector.broadcast %lt3A_31 : f32 to vector<392x128xf32>
    %lt3A_33 = arith.cmpf olt, %abs3A_30, %lt3A_32 : vector<392x128xf32>
    %mul3A_34 = arith.constant 5.000000e-01 : f32
    %mul3A_35 = vector.broadcast %mul3A_34 : f32 to vector<392x128xf32>
    %mul3A_36 = arith.mulf %mul3A_35, %sub3A_29 : vector<392x128xf32>
    %mul3A_37 = arith.mulf %mul3A_36, %sub3A_29 : vector<392x128xf32>
    %sub3A_38 = arith.constant 5.000000e-01 : f32
    %sub3A_39 = vector.broadcast %sub3A_38 : f32 to vector<392x128xf32>
    %sub3A_40 = arith.subf %abs3A_30, %sub3A_39 : vector<392x128xf32>
    %mul3A_41 = arith.constant 1.000000e+00 : f32
    %mul3A_42 = vector.broadcast %mul3A_41 : f32 to vector<392x128xf32>
    %mul3A_43 = arith.mulf %mul3A_42, %sub3A_40 : vector<392x128xf32>
    %select_n3A_44 = arith.select %lt3A_33, %mul3A_37, %mul3A_43 : vector<392x128xi1>, vector<392x128xf32>
    %reduce_sum3A_45 = vector.shape_cast %select_n3A_44 : vector<392x128xf32> to vector<1x392x128xf32>
    %reduce_sum3A_46 = arith.constant dense<0.000000e+00> : vector<1xf32>
    %reduce_sum3A_47 = vector.multi_reduction <add>, %reduce_sum3A_45, %reduce_sum3A_46 [1, 2] : vector<1x392x128xf32> to vector<1xf32>
    %reduce_sum3A_48 = vector.shape_cast %reduce_sum3A_47 : vector<1xf32> to vector<1x1x1xf32>
    %reduce_sum3A_49 = vector.extract %reduce_sum3A_48[0, 0, 0] : f32 from vector<1x1x1xf32>
    %add3A = arith.addf %reduce_sum3A_25, %reduce_sum3A_49 : f32
    %div3A = arith.constant 1.000000e+05 : f32
    %div3A_50 = arith.divf %add3A, %div3A : f32
    %eq3A = arith.constant 0 : i32
    %eq3A_51 = vector.broadcast %eq3A : i32 to vector<392x128xi32>
    %eq3A_52 = arith.cmpi eq, %get3A_7, %eq3A_51 : vector<392x128xi32>
    %convert_element_type3A = arith.extui %eq3A_52 : vector<392x128xi1> to vector<392x128xi32>
    %convert_element_type3A_53 = arith.sitofp %convert_element_type3A : vector<392x128xi32> to vector<392x128xf32>
    %reduce_sum3A_54 = vector.shape_cast %convert_element_type3A_53 : vector<392x128xf32> to vector<1x392x128xf32>
    %reduce_sum3A_55 = arith.constant dense<0.000000e+00> : vector<1xf32>
    %reduce_sum3A_56 = vector.multi_reduction <add>, %reduce_sum3A_54, %reduce_sum3A_55 [1, 2] : vector<1x392x128xf32> to vector<1xf32>
    %reduce_sum3A_57 = vector.shape_cast %reduce_sum3A_56 : vector<1xf32> to vector<1x1x1xf32>
    %reduce_sum3A_58 = vector.extract %reduce_sum3A_57[0, 0, 0] : f32 from vector<1x1x1xf32>
    %max3A = arith.constant 1.000000e+00 : f32
    %max3A_59 = arith.maximumf %reduce_sum3A_58, %max3A : f32
    %mul3A_60 = arith.mulf %convert_element_type3A_53, %get3A_1 : vector<392x128xf32>
    %reduce_sum3A_61 = vector.shape_cast %mul3A_60 : vector<392x128xf32> to vector<1x392x128xf32>
    %reduce_sum3A_62 = arith.constant dense<0.000000e+00> : vector<1xf32>
    %reduce_sum3A_63 = vector.multi_reduction <add>, %reduce_sum3A_61, %reduce_sum3A_62 [1, 2] : vector<1x392x128xf32> to vector<1xf32>
    %reduce_sum3A_64 = vector.shape_cast %reduce_sum3A_63 : vector<1xf32> to vector<1x1x1xf32>
    %reduce_sum3A_65 = vector.extract %reduce_sum3A_64[0, 0, 0] : f32 from vector<1x1x1xf32>
    %div3A_66 = arith.divf %reduce_sum3A_65, %max3A_59 : f32
    %mul3A_67 = arith.mulf %convert_element_type3A_53, %get3A_4 : vector<392x128xf32>
    %reduce_sum3A_68 = vector.shape_cast %mul3A_67 : vector<392x128xf32> to vector<1x392x128xf32>
    %reduce_sum3A_69 = arith.constant dense<0.000000e+00> : vector<1xf32>
    %reduce_sum3A_70 = vector.multi_reduction <add>, %reduce_sum3A_68, %reduce_sum3A_69 [1, 2] : vector<1x392x128xf32> to vector<1xf32>
    %reduce_sum3A_71 = vector.shape_cast %reduce_sum3A_70 : vector<1xf32> to vector<1x1x1xf32>
    %reduce_sum3A_72 = vector.extract %reduce_sum3A_71[0, 0, 0] : f32 from vector<1x1x1xf32>
    %div3A_73 = arith.divf %reduce_sum3A_72, %max3A_59 : f32
    %gt3A = arith.constant 0.000000e+00 : f32
    %gt3A_74 = arith.cmpf ogt, %reduce_sum3A_58, %gt3A : f32
    %convert_element_type3A_75 = arith.extui %gt3A_74 : i1 to i32
    %convert_element_type3A_76 = arith.sitofp %convert_element_type3A_75 : i32 to f32
    %mul3A_77 = arith.mulf %div3A_66, %div3A_66 : f32
    %mul3A_78 = arith.mulf %div3A_73, %div3A_73 : f32
    %add3A_79 = arith.addf %mul3A_77, %mul3A_78 : f32
    %mul3A_80 = arith.mulf %add3A_79, %convert_element_type3A_76 : f32
    %add3A_81 = arith.constant 0.000000e+00 : f32
    %add3A_82 = arith.addf %add3A_81, %mul3A_80 : f32
    %add3A_83 = arith.constant 0.000000e+00 : f32
    %add3A_84 = arith.addf %add3A_83, %convert_element_type3A_76 : f32
    %eq3A_85 = arith.constant 1 : i32
    %eq3A_86 = vector.broadcast %eq3A_85 : i32 to vector<392x128xi32>
    %eq3A_87 = arith.cmpi eq, %get3A_7, %eq3A_86 : vector<392x128xi32>
    %convert_element_type3A_88 = arith.extui %eq3A_87 : vector<392x128xi1> to vector<392x128xi32>
    %convert_element_type3A_89 = arith.sitofp %convert_element_type3A_88 : vector<392x128xi32> to vector<392x128xf32>
    %reduce_sum3A_90 = vector.shape_cast %convert_element_type3A_89 : vector<392x128xf32> to vector<1x392x128xf32>
    %reduce_sum3A_91 = arith.constant dense<0.000000e+00> : vector<1xf32>
    %reduce_sum3A_92 = vector.multi_reduction <add>, %reduce_sum3A_90, %reduce_sum3A_91 [1, 2] : vector<1x392x128xf32> to vector<1xf32>
    %reduce_sum3A_93 = vector.shape_cast %reduce_sum3A_92 : vector<1xf32> to vector<1x1x1xf32>
    %reduce_sum3A_94 = vector.extract %reduce_sum3A_93[0, 0, 0] : f32 from vector<1x1x1xf32>
    %max3A_95 = arith.constant 1.000000e+00 : f32
    %max3A_96 = arith.maximumf %reduce_sum3A_94, %max3A_95 : f32
    %mul3A_97 = arith.mulf %convert_element_type3A_89, %get3A_1 : vector<392x128xf32>
    %reduce_sum3A_98 = vector.shape_cast %mul3A_97 : vector<392x128xf32> to vector<1x392x128xf32>
    %reduce_sum3A_99 = arith.constant dense<0.000000e+00> : vector<1xf32>
    %reduce_sum3A_100 = vector.multi_reduction <add>, %reduce_sum3A_98, %reduce_sum3A_99 [1, 2] : vector<1x392x128xf32> to vector<1xf32>
    %reduce_sum3A_101 = vector.shape_cast %reduce_sum3A_100 : vector<1xf32> to vector<1x1x1xf32>
    %reduce_sum3A_102 = vector.extract %reduce_sum3A_101[0, 0, 0] : f32 from vector<1x1x1xf32>
    %div3A_103 = arith.divf %reduce_sum3A_102, %max3A_96 : f32
    %mul3A_104 = arith.mulf %convert_element_type3A_89, %get3A_4 : vector<392x128xf32>
    %reduce_sum3A_105 = vector.shape_cast %mul3A_104 : vector<392x128xf32> to vector<1x392x128xf32>
    %reduce_sum3A_106 = arith.constant dense<0.000000e+00> : vector<1xf32>
    %reduce_sum3A_107 = vector.multi_reduction <add>, %reduce_sum3A_105, %reduce_sum3A_106 [1, 2] : vector<1x392x128xf32> to vector<1xf32>
    %reduce_sum3A_108 = vector.shape_cast %reduce_sum3A_107 : vector<1xf32> to vector<1x1x1xf32>
    %reduce_sum3A_109 = vector.extract %reduce_sum3A_108[0, 0, 0] : f32 from vector<1x1x1xf32>
    %div3A_110 = arith.divf %reduce_sum3A_109, %max3A_96 : f32
    %gt3A_111 = arith.constant 0.000000e+00 : f32
    %gt3A_112 = arith.cmpf ogt, %reduce_sum3A_94, %gt3A_111 : f32
    %convert_element_type3A_113 = arith.extui %gt3A_112 : i1 to i32
    %convert_element_type3A_114 = arith.sitofp %convert_element_type3A_113 : i32 to f32
    %mul3A_115 = arith.mulf %div3A_103, %div3A_103 : f32
    %mul3A_116 = arith.mulf %div3A_110, %div3A_110 : f32
    %add3A_117 = arith.addf %mul3A_115, %mul3A_116 : f32
    %mul3A_118 = arith.mulf %add3A_117, %convert_element_type3A_114 : f32
    %add3A_119 = arith.addf %add3A_82, %mul3A_118 : f32
    %add3A_120 = arith.addf %add3A_84, %convert_element_type3A_114 : f32
    %eq3A_121 = arith.constant 2 : i32
    %eq3A_122 = vector.broadcast %eq3A_121 : i32 to vector<392x128xi32>
    %eq3A_123 = arith.cmpi eq, %get3A_7, %eq3A_122 : vector<392x128xi32>
    %convert_element_type3A_124 = arith.extui %eq3A_123 : vector<392x128xi1> to vector<392x128xi32>
    %convert_element_type3A_125 = arith.sitofp %convert_element_type3A_124 : vector<392x128xi32> to vector<392x128xf32>
    %reduce_sum3A_126 = vector.shape_cast %convert_element_type3A_125 : vector<392x128xf32> to vector<1x392x128xf32>
    %reduce_sum3A_127 = arith.constant dense<0.000000e+00> : vector<1xf32>
    %reduce_sum3A_128 = vector.multi_reduction <add>, %reduce_sum3A_126, %reduce_sum3A_127 [1, 2] : vector<1x392x128xf32> to vector<1xf32>
    %reduce_sum3A_129 = vector.shape_cast %reduce_sum3A_128 : vector<1xf32> to vector<1x1x1xf32>
    %reduce_sum3A_130 = vector.extract %reduce_sum3A_129[0, 0, 0] : f32 from vector<1x1x1xf32>
    %max3A_131 = arith.constant 1.000000e+00 : f32
    %max3A_132 = arith.maximumf %reduce_sum3A_130, %max3A_131 : f32
    %mul3A_133 = arith.mulf %convert_element_type3A_125, %get3A_1 : vector<392x128xf32>
    %reduce_sum3A_134 = vector.shape_cast %mul3A_133 : vector<392x128xf32> to vector<1x392x128xf32>
    %reduce_sum3A_135 = arith.constant dense<0.000000e+00> : vector<1xf32>
    %reduce_sum3A_136 = vector.multi_reduction <add>, %reduce_sum3A_134, %reduce_sum3A_135 [1, 2] : vector<1x392x128xf32> to vector<1xf32>
    %reduce_sum3A_137 = vector.shape_cast %reduce_sum3A_136 : vector<1xf32> to vector<1x1x1xf32>
    %reduce_sum3A_138 = vector.extract %reduce_sum3A_137[0, 0, 0] : f32 from vector<1x1x1xf32>
    %div3A_139 = arith.divf %reduce_sum3A_138, %max3A_132 : f32
    %mul3A_140 = arith.mulf %convert_element_type3A_125, %get3A_4 : vector<392x128xf32>
    %reduce_sum3A_141 = vector.shape_cast %mul3A_140 : vector<392x128xf32> to vector<1x392x128xf32>
    %reduce_sum3A_142 = arith.constant dense<0.000000e+00> : vector<1xf32>
    %reduce_sum3A_143 = vector.multi_reduction <add>, %reduce_sum3A_141, %reduce_sum3A_142 [1, 2] : vector<1x392x128xf32> to vector<1xf32>
    %reduce_sum3A_144 = vector.shape_cast %reduce_sum3A_143 : vector<1xf32> to vector<1x1x1xf32>
    %reduce_sum3A_145 = vector.extract %reduce_sum3A_144[0, 0, 0] : f32 from vector<1x1x1xf32>
    %div3A_146 = arith.divf %reduce_sum3A_145, %max3A_132 : f32
    %gt3A_147 = arith.constant 0.000000e+00 : f32
    %gt3A_148 = arith.cmpf ogt, %reduce_sum3A_130, %gt3A_147 : f32
    %convert_element_type3A_149 = arith.extui %gt3A_148 : i1 to i32
    %convert_element_type3A_150 = arith.sitofp %convert_element_type3A_149 : i32 to f32
    %mul3A_151 = arith.mulf %div3A_139, %div3A_139 : f32
    %mul3A_152 = arith.mulf %div3A_146, %div3A_146 : f32
    %add3A_153 = arith.addf %mul3A_151, %mul3A_152 : f32
    %mul3A_154 = arith.mulf %add3A_153, %convert_element_type3A_150 : f32
    %add3A_155 = arith.addf %add3A_119, %mul3A_154 : f32
    %add3A_156 = arith.addf %add3A_120, %convert_element_type3A_150 : f32
    %eq3A_157 = arith.constant 3 : i32
    %eq3A_158 = vector.broadcast %eq3A_157 : i32 to vector<392x128xi32>
    %eq3A_159 = arith.cmpi eq, %get3A_7, %eq3A_158 : vector<392x128xi32>
    %convert_element_type3A_160 = arith.extui %eq3A_159 : vector<392x128xi1> to vector<392x128xi32>
    %convert_element_type3A_161 = arith.sitofp %convert_element_type3A_160 : vector<392x128xi32> to vector<392x128xf32>
    %reduce_sum3A_162 = vector.shape_cast %convert_element_type3A_161 : vector<392x128xf32> to vector<1x392x128xf32>
    %reduce_sum3A_163 = arith.constant dense<0.000000e+00> : vector<1xf32>
    %reduce_sum3A_164 = vector.multi_reduction <add>, %reduce_sum3A_162, %reduce_sum3A_163 [1, 2] : vector<1x392x128xf32> to vector<1xf32>
    %reduce_sum3A_165 = vector.shape_cast %reduce_sum3A_164 : vector<1xf32> to vector<1x1x1xf32>
    %reduce_sum3A_166 = vector.extract %reduce_sum3A_165[0, 0, 0] : f32 from vector<1x1x1xf32>
    %max3A_167 = arith.constant 1.000000e+00 : f32
    %max3A_168 = arith.maximumf %reduce_sum3A_166, %max3A_167 : f32
    %mul3A_169 = arith.mulf %convert_element_type3A_161, %get3A_1 : vector<392x128xf32>
    %reduce_sum3A_170 = vector.shape_cast %mul3A_169 : vector<392x128xf32> to vector<1x392x128xf32>
    %reduce_sum3A_171 = arith.constant dense<0.000000e+00> : vector<1xf32>
    %reduce_sum3A_172 = vector.multi_reduction <add>, %reduce_sum3A_170, %reduce_sum3A_171 [1, 2] : vector<1x392x128xf32> to vector<1xf32>
    %reduce_sum3A_173 = vector.shape_cast %reduce_sum3A_172 : vector<1xf32> to vector<1x1x1xf32>
    %reduce_sum3A_174 = vector.extract %reduce_sum3A_173[0, 0, 0] : f32 from vector<1x1x1xf32>
    %div3A_175 = arith.divf %reduce_sum3A_174, %max3A_168 : f32
    %mul3A_176 = arith.mulf %convert_element_type3A_161, %get3A_4 : vector<392x128xf32>
    %reduce_sum3A_177 = vector.shape_cast %mul3A_176 : vector<392x128xf32> to vector<1x392x128xf32>
    %reduce_sum3A_178 = arith.constant dense<0.000000e+00> : vector<1xf32>
    %reduce_sum3A_179 = vector.multi_reduction <add>, %reduce_sum3A_177, %reduce_sum3A_178 [1, 2] : vector<1x392x128xf32> to vector<1xf32>
    %reduce_sum3A_180 = vector.shape_cast %reduce_sum3A_179 : vector<1xf32> to vector<1x1x1xf32>
    %reduce_sum3A_181 = vector.extract %reduce_sum3A_180[0, 0, 0] : f32 from vector<1x1x1xf32>
    %div3A_182 = arith.divf %reduce_sum3A_181, %max3A_168 : f32
    %gt3A_183 = arith.constant 0.000000e+00 : f32
    %gt3A_184 = arith.cmpf ogt, %reduce_sum3A_166, %gt3A_183 : f32
    %convert_element_type3A_185 = arith.extui %gt3A_184 : i1 to i32
    %convert_element_type3A_186 = arith.sitofp %convert_element_type3A_185 : i32 to f32
    %mul3A_187 = arith.mulf %div3A_175, %div3A_175 : f32
    %mul3A_188 = arith.mulf %div3A_182, %div3A_182 : f32
    %add3A_189 = arith.addf %mul3A_187, %mul3A_188 : f32
    %mul3A_190 = arith.mulf %add3A_189, %convert_element_type3A_186 : f32
    %add3A_191 = arith.addf %add3A_155, %mul3A_190 : f32
    %add3A_192 = arith.addf %add3A_156, %convert_element_type3A_186 : f32
    %eq3A_193 = arith.constant 4 : i32
    %eq3A_194 = vector.broadcast %eq3A_193 : i32 to vector<392x128xi32>
    %eq3A_195 = arith.cmpi eq, %get3A_7, %eq3A_194 : vector<392x128xi32>
    %convert_element_type3A_196 = arith.extui %eq3A_195 : vector<392x128xi1> to vector<392x128xi32>
    %convert_element_type3A_197 = arith.sitofp %convert_element_type3A_196 : vector<392x128xi32> to vector<392x128xf32>
    %reduce_sum3A_198 = vector.shape_cast %convert_element_type3A_197 : vector<392x128xf32> to vector<1x392x128xf32>
    %reduce_sum3A_199 = arith.constant dense<0.000000e+00> : vector<1xf32>
    %reduce_sum3A_200 = vector.multi_reduction <add>, %reduce_sum3A_198, %reduce_sum3A_199 [1, 2] : vector<1x392x128xf32> to vector<1xf32>
    %reduce_sum3A_201 = vector.shape_cast %reduce_sum3A_200 : vector<1xf32> to vector<1x1x1xf32>
    %reduce_sum3A_202 = vector.extract %reduce_sum3A_201[0, 0, 0] : f32 from vector<1x1x1xf32>
    %max3A_203 = arith.constant 1.000000e+00 : f32
    %max3A_204 = arith.maximumf %reduce_sum3A_202, %max3A_203 : f32
    %mul3A_205 = arith.mulf %convert_element_type3A_197, %get3A_1 : vector<392x128xf32>
    %reduce_sum3A_206 = vector.shape_cast %mul3A_205 : vector<392x128xf32> to vector<1x392x128xf32>
    %reduce_sum3A_207 = arith.constant dense<0.000000e+00> : vector<1xf32>
    %reduce_sum3A_208 = vector.multi_reduction <add>, %reduce_sum3A_206, %reduce_sum3A_207 [1, 2] : vector<1x392x128xf32> to vector<1xf32>
    %reduce_sum3A_209 = vector.shape_cast %reduce_sum3A_208 : vector<1xf32> to vector<1x1x1xf32>
    %reduce_sum3A_210 = vector.extract %reduce_sum3A_209[0, 0, 0] : f32 from vector<1x1x1xf32>
    %div3A_211 = arith.divf %reduce_sum3A_210, %max3A_204 : f32
    %mul3A_212 = arith.mulf %convert_element_type3A_197, %get3A_4 : vector<392x128xf32>
    %reduce_sum3A_213 = vector.shape_cast %mul3A_212 : vector<392x128xf32> to vector<1x392x128xf32>
    %reduce_sum3A_214 = arith.constant dense<0.000000e+00> : vector<1xf32>
    %reduce_sum3A_215 = vector.multi_reduction <add>, %reduce_sum3A_213, %reduce_sum3A_214 [1, 2] : vector<1x392x128xf32> to vector<1xf32>
    %reduce_sum3A_216 = vector.shape_cast %reduce_sum3A_215 : vector<1xf32> to vector<1x1x1xf32>
    %reduce_sum3A_217 = vector.extract %reduce_sum3A_216[0, 0, 0] : f32 from vector<1x1x1xf32>
    %div3A_218 = arith.divf %reduce_sum3A_217, %max3A_204 : f32
    %gt3A_219 = arith.constant 0.000000e+00 : f32
    %gt3A_220 = arith.cmpf ogt, %reduce_sum3A_202, %gt3A_219 : f32
    %convert_element_type3A_221 = arith.extui %gt3A_220 : i1 to i32
    %convert_element_type3A_222 = arith.sitofp %convert_element_type3A_221 : i32 to f32
    %mul3A_223 = arith.mulf %div3A_211, %div3A_211 : f32
    %mul3A_224 = arith.mulf %div3A_218, %div3A_218 : f32
    %add3A_225 = arith.addf %mul3A_223, %mul3A_224 : f32
    %mul3A_226 = arith.mulf %add3A_225, %convert_element_type3A_222 : f32
    %add3A_227 = arith.addf %add3A_191, %mul3A_226 : f32
    %add3A_228 = arith.addf %add3A_192, %convert_element_type3A_222 : f32
    %eq3A_229 = arith.constant 5 : i32
    %eq3A_230 = vector.broadcast %eq3A_229 : i32 to vector<392x128xi32>
    %eq3A_231 = arith.cmpi eq, %get3A_7, %eq3A_230 : vector<392x128xi32>
    %convert_element_type3A_232 = arith.extui %eq3A_231 : vector<392x128xi1> to vector<392x128xi32>
    %convert_element_type3A_233 = arith.sitofp %convert_element_type3A_232 : vector<392x128xi32> to vector<392x128xf32>
    %reduce_sum3A_234 = vector.shape_cast %convert_element_type3A_233 : vector<392x128xf32> to vector<1x392x128xf32>
    %reduce_sum3A_235 = arith.constant dense<0.000000e+00> : vector<1xf32>
    %reduce_sum3A_236 = vector.multi_reduction <add>, %reduce_sum3A_234, %reduce_sum3A_235 [1, 2] : vector<1x392x128xf32> to vector<1xf32>
    %reduce_sum3A_237 = vector.shape_cast %reduce_sum3A_236 : vector<1xf32> to vector<1x1x1xf32>
    %reduce_sum3A_238 = vector.extract %reduce_sum3A_237[0, 0, 0] : f32 from vector<1x1x1xf32>
    %max3A_239 = arith.constant 1.000000e+00 : f32
    %max3A_240 = arith.maximumf %reduce_sum3A_238, %max3A_239 : f32
    %mul3A_241 = arith.mulf %convert_element_type3A_233, %get3A_1 : vector<392x128xf32>
    %reduce_sum3A_242 = vector.shape_cast %mul3A_241 : vector<392x128xf32> to vector<1x392x128xf32>
    %reduce_sum3A_243 = arith.constant dense<0.000000e+00> : vector<1xf32>
    %reduce_sum3A_244 = vector.multi_reduction <add>, %reduce_sum3A_242, %reduce_sum3A_243 [1, 2] : vector<1x392x128xf32> to vector<1xf32>
    %reduce_sum3A_245 = vector.shape_cast %reduce_sum3A_244 : vector<1xf32> to vector<1x1x1xf32>
    %reduce_sum3A_246 = vector.extract %reduce_sum3A_245[0, 0, 0] : f32 from vector<1x1x1xf32>
    %div3A_247 = arith.divf %reduce_sum3A_246, %max3A_240 : f32
    %mul3A_248 = arith.mulf %convert_element_type3A_233, %get3A_4 : vector<392x128xf32>
    %reduce_sum3A_249 = vector.shape_cast %mul3A_248 : vector<392x128xf32> to vector<1x392x128xf32>
    %reduce_sum3A_250 = arith.constant dense<0.000000e+00> : vector<1xf32>
    %reduce_sum3A_251 = vector.multi_reduction <add>, %reduce_sum3A_249, %reduce_sum3A_250 [1, 2] : vector<1x392x128xf32> to vector<1xf32>
    %reduce_sum3A_252 = vector.shape_cast %reduce_sum3A_251 : vector<1xf32> to vector<1x1x1xf32>
    %reduce_sum3A_253 = vector.extract %reduce_sum3A_252[0, 0, 0] : f32 from vector<1x1x1xf32>
    %div3A_254 = arith.divf %reduce_sum3A_253, %max3A_240 : f32
    %gt3A_255 = arith.constant 0.000000e+00 : f32
    %gt3A_256 = arith.cmpf ogt, %reduce_sum3A_238, %gt3A_255 : f32
    %convert_element_type3A_257 = arith.extui %gt3A_256 : i1 to i32
    %convert_element_type3A_258 = arith.sitofp %convert_element_type3A_257 : i32 to f32
    %mul3A_259 = arith.mulf %div3A_247, %div3A_247 : f32
    %mul3A_260 = arith.mulf %div3A_254, %div3A_254 : f32
    %add3A_261 = arith.addf %mul3A_259, %mul3A_260 : f32
    %mul3A_262 = arith.mulf %add3A_261, %convert_element_type3A_258 : f32
    %add3A_263 = arith.addf %add3A_227, %mul3A_262 : f32
    %add3A_264 = arith.addf %add3A_228, %convert_element_type3A_258 : f32
    %eq3A_265 = arith.constant 6 : i32
    %eq3A_266 = vector.broadcast %eq3A_265 : i32 to vector<392x128xi32>
    %eq3A_267 = arith.cmpi eq, %get3A_7, %eq3A_266 : vector<392x128xi32>
    %convert_element_type3A_268 = arith.extui %eq3A_267 : vector<392x128xi1> to vector<392x128xi32>
    %convert_element_type3A_269 = arith.sitofp %convert_element_type3A_268 : vector<392x128xi32> to vector<392x128xf32>
    %reduce_sum3A_270 = vector.shape_cast %convert_element_type3A_269 : vector<392x128xf32> to vector<1x392x128xf32>
    %reduce_sum3A_271 = arith.constant dense<0.000000e+00> : vector<1xf32>
    %reduce_sum3A_272 = vector.multi_reduction <add>, %reduce_sum3A_270, %reduce_sum3A_271 [1, 2] : vector<1x392x128xf32> to vector<1xf32>
    %reduce_sum3A_273 = vector.shape_cast %reduce_sum3A_272 : vector<1xf32> to vector<1x1x1xf32>
    %reduce_sum3A_274 = vector.extract %reduce_sum3A_273[0, 0, 0] : f32 from vector<1x1x1xf32>
    %max3A_275 = arith.constant 1.000000e+00 : f32
    %max3A_276 = arith.maximumf %reduce_sum3A_274, %max3A_275 : f32
    %mul3A_277 = arith.mulf %convert_element_type3A_269, %get3A_1 : vector<392x128xf32>
    %reduce_sum3A_278 = vector.shape_cast %mul3A_277 : vector<392x128xf32> to vector<1x392x128xf32>
    %reduce_sum3A_279 = arith.constant dense<0.000000e+00> : vector<1xf32>
    %reduce_sum3A_280 = vector.multi_reduction <add>, %reduce_sum3A_278, %reduce_sum3A_279 [1, 2] : vector<1x392x128xf32> to vector<1xf32>
    %reduce_sum3A_281 = vector.shape_cast %reduce_sum3A_280 : vector<1xf32> to vector<1x1x1xf32>
    %reduce_sum3A_282 = vector.extract %reduce_sum3A_281[0, 0, 0] : f32 from vector<1x1x1xf32>
    %div3A_283 = arith.divf %reduce_sum3A_282, %max3A_276 : f32
    %mul3A_284 = arith.mulf %convert_element_type3A_269, %get3A_4 : vector<392x128xf32>
    %reduce_sum3A_285 = vector.shape_cast %mul3A_284 : vector<392x128xf32> to vector<1x392x128xf32>
    %reduce_sum3A_286 = arith.constant dense<0.000000e+00> : vector<1xf32>
    %reduce_sum3A_287 = vector.multi_reduction <add>, %reduce_sum3A_285, %reduce_sum3A_286 [1, 2] : vector<1x392x128xf32> to vector<1xf32>
    %reduce_sum3A_288 = vector.shape_cast %reduce_sum3A_287 : vector<1xf32> to vector<1x1x1xf32>
    %reduce_sum3A_289 = vector.extract %reduce_sum3A_288[0, 0, 0] : f32 from vector<1x1x1xf32>
    %div3A_290 = arith.divf %reduce_sum3A_289, %max3A_276 : f32
    %gt3A_291 = arith.constant 0.000000e+00 : f32
    %gt3A_292 = arith.cmpf ogt, %reduce_sum3A_274, %gt3A_291 : f32
    %convert_element_type3A_293 = arith.extui %gt3A_292 : i1 to i32
    %convert_element_type3A_294 = arith.sitofp %convert_element_type3A_293 : i32 to f32
    %mul3A_295 = arith.mulf %div3A_283, %div3A_283 : f32
    %mul3A_296 = arith.mulf %div3A_290, %div3A_290 : f32
    %add3A_297 = arith.addf %mul3A_295, %mul3A_296 : f32
    %mul3A_298 = arith.mulf %add3A_297, %convert_element_type3A_294 : f32
    %add3A_299 = arith.addf %add3A_263, %mul3A_298 : f32
    %add3A_300 = arith.addf %add3A_264, %convert_element_type3A_294 : f32
    %eq3A_301 = arith.constant 7 : i32
    %eq3A_302 = vector.broadcast %eq3A_301 : i32 to vector<392x128xi32>
    %eq3A_303 = arith.cmpi eq, %get3A_7, %eq3A_302 : vector<392x128xi32>
    %convert_element_type3A_304 = arith.extui %eq3A_303 : vector<392x128xi1> to vector<392x128xi32>
    %convert_element_type3A_305 = arith.sitofp %convert_element_type3A_304 : vector<392x128xi32> to vector<392x128xf32>
    %reduce_sum3A_306 = vector.shape_cast %convert_element_type3A_305 : vector<392x128xf32> to vector<1x392x128xf32>
    %reduce_sum3A_307 = arith.constant dense<0.000000e+00> : vector<1xf32>
    %reduce_sum3A_308 = vector.multi_reduction <add>, %reduce_sum3A_306, %reduce_sum3A_307 [1, 2] : vector<1x392x128xf32> to vector<1xf32>
    %reduce_sum3A_309 = vector.shape_cast %reduce_sum3A_308 : vector<1xf32> to vector<1x1x1xf32>
    %reduce_sum3A_310 = vector.extract %reduce_sum3A_309[0, 0, 0] : f32 from vector<1x1x1xf32>
    %max3A_311 = arith.constant 1.000000e+00 : f32
    %max3A_312 = arith.maximumf %reduce_sum3A_310, %max3A_311 : f32
    %mul3A_313 = arith.mulf %convert_element_type3A_305, %get3A_1 : vector<392x128xf32>
    %reduce_sum3A_314 = vector.shape_cast %mul3A_313 : vector<392x128xf32> to vector<1x392x128xf32>
    %reduce_sum3A_315 = arith.constant dense<0.000000e+00> : vector<1xf32>
    %reduce_sum3A_316 = vector.multi_reduction <add>, %reduce_sum3A_314, %reduce_sum3A_315 [1, 2] : vector<1x392x128xf32> to vector<1xf32>
    %reduce_sum3A_317 = vector.shape_cast %reduce_sum3A_316 : vector<1xf32> to vector<1x1x1xf32>
    %reduce_sum3A_318 = vector.extract %reduce_sum3A_317[0, 0, 0] : f32 from vector<1x1x1xf32>
    %div3A_319 = arith.divf %reduce_sum3A_318, %max3A_312 : f32
    %mul3A_320 = arith.mulf %convert_element_type3A_305, %get3A_4 : vector<392x128xf32>
    %reduce_sum3A_321 = vector.shape_cast %mul3A_320 : vector<392x128xf32> to vector<1x392x128xf32>
    %reduce_sum3A_322 = arith.constant dense<0.000000e+00> : vector<1xf32>
    %reduce_sum3A_323 = vector.multi_reduction <add>, %reduce_sum3A_321, %reduce_sum3A_322 [1, 2] : vector<1x392x128xf32> to vector<1xf32>
    %reduce_sum3A_324 = vector.shape_cast %reduce_sum3A_323 : vector<1xf32> to vector<1x1x1xf32>
    %reduce_sum3A_325 = vector.extract %reduce_sum3A_324[0, 0, 0] : f32 from vector<1x1x1xf32>
    %div3A_326 = arith.divf %reduce_sum3A_325, %max3A_312 : f32
    %gt3A_327 = arith.constant 0.000000e+00 : f32
    %gt3A_328 = arith.cmpf ogt, %reduce_sum3A_310, %gt3A_327 : f32
    %convert_element_type3A_329 = arith.extui %gt3A_328 : i1 to i32
    %convert_element_type3A_330 = arith.sitofp %convert_element_type3A_329 : i32 to f32
    %mul3A_331 = arith.mulf %div3A_319, %div3A_319 : f32
    %mul3A_332 = arith.mulf %div3A_326, %div3A_326 : f32
    %add3A_333 = arith.addf %mul3A_331, %mul3A_332 : f32
    %mul3A_334 = arith.mulf %add3A_333, %convert_element_type3A_330 : f32
    %add3A_335 = arith.addf %add3A_299, %mul3A_334 : f32
    %add3A_336 = arith.addf %add3A_300, %convert_element_type3A_330 : f32
    %eq3A_337 = arith.constant 8 : i32
    %eq3A_338 = vector.broadcast %eq3A_337 : i32 to vector<392x128xi32>
    %eq3A_339 = arith.cmpi eq, %get3A_7, %eq3A_338 : vector<392x128xi32>
    %convert_element_type3A_340 = arith.extui %eq3A_339 : vector<392x128xi1> to vector<392x128xi32>
    %convert_element_type3A_341 = arith.sitofp %convert_element_type3A_340 : vector<392x128xi32> to vector<392x128xf32>
    %reduce_sum3A_342 = vector.shape_cast %convert_element_type3A_341 : vector<392x128xf32> to vector<1x392x128xf32>
    %reduce_sum3A_343 = arith.constant dense<0.000000e+00> : vector<1xf32>
    %reduce_sum3A_344 = vector.multi_reduction <add>, %reduce_sum3A_342, %reduce_sum3A_343 [1, 2] : vector<1x392x128xf32> to vector<1xf32>
    %reduce_sum3A_345 = vector.shape_cast %reduce_sum3A_344 : vector<1xf32> to vector<1x1x1xf32>
    %reduce_sum3A_346 = vector.extract %reduce_sum3A_345[0, 0, 0] : f32 from vector<1x1x1xf32>
    %max3A_347 = arith.constant 1.000000e+00 : f32
    %max3A_348 = arith.maximumf %reduce_sum3A_346, %max3A_347 : f32
    %mul3A_349 = arith.mulf %convert_element_type3A_341, %get3A_1 : vector<392x128xf32>
    %reduce_sum3A_350 = vector.shape_cast %mul3A_349 : vector<392x128xf32> to vector<1x392x128xf32>
    %reduce_sum3A_351 = arith.constant dense<0.000000e+00> : vector<1xf32>
    %reduce_sum3A_352 = vector.multi_reduction <add>, %reduce_sum3A_350, %reduce_sum3A_351 [1, 2] : vector<1x392x128xf32> to vector<1xf32>
    %reduce_sum3A_353 = vector.shape_cast %reduce_sum3A_352 : vector<1xf32> to vector<1x1x1xf32>
    %reduce_sum3A_354 = vector.extract %reduce_sum3A_353[0, 0, 0] : f32 from vector<1x1x1xf32>
    %div3A_355 = arith.divf %reduce_sum3A_354, %max3A_348 : f32
    %mul3A_356 = arith.mulf %convert_element_type3A_341, %get3A_4 : vector<392x128xf32>
    %reduce_sum3A_357 = vector.shape_cast %mul3A_356 : vector<392x128xf32> to vector<1x392x128xf32>
    %reduce_sum3A_358 = arith.constant dense<0.000000e+00> : vector<1xf32>
    %reduce_sum3A_359 = vector.multi_reduction <add>, %reduce_sum3A_357, %reduce_sum3A_358 [1, 2] : vector<1x392x128xf32> to vector<1xf32>
    %reduce_sum3A_360 = vector.shape_cast %reduce_sum3A_359 : vector<1xf32> to vector<1x1x1xf32>
    %reduce_sum3A_361 = vector.extract %reduce_sum3A_360[0, 0, 0] : f32 from vector<1x1x1xf32>
    %div3A_362 = arith.divf %reduce_sum3A_361, %max3A_348 : f32
    %gt3A_363 = arith.constant 0.000000e+00 : f32
    %gt3A_364 = arith.cmpf ogt, %reduce_sum3A_346, %gt3A_363 : f32
    %convert_element_type3A_365 = arith.extui %gt3A_364 : i1 to i32
    %convert_element_type3A_366 = arith.sitofp %convert_element_type3A_365 : i32 to f32
    %mul3A_367 = arith.mulf %div3A_355, %div3A_355 : f32
    %mul3A_368 = arith.mulf %div3A_362, %div3A_362 : f32
    %add3A_369 = arith.addf %mul3A_367, %mul3A_368 : f32
    %mul3A_370 = arith.mulf %add3A_369, %convert_element_type3A_366 : f32
    %add3A_371 = arith.addf %add3A_335, %mul3A_370 : f32
    %add3A_372 = arith.addf %add3A_336, %convert_element_type3A_366 : f32
    %eq3A_373 = arith.constant 9 : i32
    %eq3A_374 = vector.broadcast %eq3A_373 : i32 to vector<392x128xi32>
    %eq3A_375 = arith.cmpi eq, %get3A_7, %eq3A_374 : vector<392x128xi32>
    %convert_element_type3A_376 = arith.extui %eq3A_375 : vector<392x128xi1> to vector<392x128xi32>
    %convert_element_type3A_377 = arith.sitofp %convert_element_type3A_376 : vector<392x128xi32> to vector<392x128xf32>
    %reduce_sum3A_378 = vector.shape_cast %convert_element_type3A_377 : vector<392x128xf32> to vector<1x392x128xf32>
    %reduce_sum3A_379 = arith.constant dense<0.000000e+00> : vector<1xf32>
    %reduce_sum3A_380 = vector.multi_reduction <add>, %reduce_sum3A_378, %reduce_sum3A_379 [1, 2] : vector<1x392x128xf32> to vector<1xf32>
    %reduce_sum3A_381 = vector.shape_cast %reduce_sum3A_380 : vector<1xf32> to vector<1x1x1xf32>
    %reduce_sum3A_382 = vector.extract %reduce_sum3A_381[0, 0, 0] : f32 from vector<1x1x1xf32>
    %max3A_383 = arith.constant 1.000000e+00 : f32
    %max3A_384 = arith.maximumf %reduce_sum3A_382, %max3A_383 : f32
    %mul3A_385 = arith.mulf %convert_element_type3A_377, %get3A_1 : vector<392x128xf32>
    %reduce_sum3A_386 = vector.shape_cast %mul3A_385 : vector<392x128xf32> to vector<1x392x128xf32>
    %reduce_sum3A_387 = arith.constant dense<0.000000e+00> : vector<1xf32>
    %reduce_sum3A_388 = vector.multi_reduction <add>, %reduce_sum3A_386, %reduce_sum3A_387 [1, 2] : vector<1x392x128xf32> to vector<1xf32>
    %reduce_sum3A_389 = vector.shape_cast %reduce_sum3A_388 : vector<1xf32> to vector<1x1x1xf32>
    %reduce_sum3A_390 = vector.extract %reduce_sum3A_389[0, 0, 0] : f32 from vector<1x1x1xf32>
    %div3A_391 = arith.divf %reduce_sum3A_390, %max3A_384 : f32
    %mul3A_392 = arith.mulf %convert_element_type3A_377, %get3A_4 : vector<392x128xf32>
    %reduce_sum3A_393 = vector.shape_cast %mul3A_392 : vector<392x128xf32> to vector<1x392x128xf32>
    %reduce_sum3A_394 = arith.constant dense<0.000000e+00> : vector<1xf32>
    %reduce_sum3A_395 = vector.multi_reduction <add>, %reduce_sum3A_393, %reduce_sum3A_394 [1, 2] : vector<1x392x128xf32> to vector<1xf32>
    %reduce_sum3A_396 = vector.shape_cast %reduce_sum3A_395 : vector<1xf32> to vector<1x1x1xf32>
    %reduce_sum3A_397 = vector.extract %reduce_sum3A_396[0, 0, 0] : f32 from vector<1x1x1xf32>
    %div3A_398 = arith.divf %reduce_sum3A_397, %max3A_384 : f32
    %gt3A_399 = arith.constant 0.000000e+00 : f32
    %gt3A_400 = arith.cmpf ogt, %reduce_sum3A_382, %gt3A_399 : f32
    %convert_element_type3A_401 = arith.extui %gt3A_400 : i1 to i32
    %convert_element_type3A_402 = arith.sitofp %convert_element_type3A_401 : i32 to f32
    %mul3A_403 = arith.mulf %div3A_391, %div3A_391 : f32
    %mul3A_404 = arith.mulf %div3A_398, %div3A_398 : f32
    %add3A_405 = arith.addf %mul3A_403, %mul3A_404 : f32
    %mul3A_406 = arith.mulf %add3A_405, %convert_element_type3A_402 : f32
    %add3A_407 = arith.addf %add3A_371, %mul3A_406 : f32
    %add3A_408 = arith.addf %add3A_372, %convert_element_type3A_402 : f32
    %eq3A_409 = arith.constant 10 : i32
    %eq3A_410 = vector.broadcast %eq3A_409 : i32 to vector<392x128xi32>
    %eq3A_411 = arith.cmpi eq, %get3A_7, %eq3A_410 : vector<392x128xi32>
    %convert_element_type3A_412 = arith.extui %eq3A_411 : vector<392x128xi1> to vector<392x128xi32>
    %convert_element_type3A_413 = arith.sitofp %convert_element_type3A_412 : vector<392x128xi32> to vector<392x128xf32>
    %reduce_sum3A_414 = vector.shape_cast %convert_element_type3A_413 : vector<392x128xf32> to vector<1x392x128xf32>
    %reduce_sum3A_415 = arith.constant dense<0.000000e+00> : vector<1xf32>
    %reduce_sum3A_416 = vector.multi_reduction <add>, %reduce_sum3A_414, %reduce_sum3A_415 [1, 2] : vector<1x392x128xf32> to vector<1xf32>
    %reduce_sum3A_417 = vector.shape_cast %reduce_sum3A_416 : vector<1xf32> to vector<1x1x1xf32>
    %reduce_sum3A_418 = vector.extract %reduce_sum3A_417[0, 0, 0] : f32 from vector<1x1x1xf32>
    %max3A_419 = arith.constant 1.000000e+00 : f32
    %max3A_420 = arith.maximumf %reduce_sum3A_418, %max3A_419 : f32
    %mul3A_421 = arith.mulf %convert_element_type3A_413, %get3A_1 : vector<392x128xf32>
    %reduce_sum3A_422 = vector.shape_cast %mul3A_421 : vector<392x128xf32> to vector<1x392x128xf32>
    %reduce_sum3A_423 = arith.constant dense<0.000000e+00> : vector<1xf32>
    %reduce_sum3A_424 = vector.multi_reduction <add>, %reduce_sum3A_422, %reduce_sum3A_423 [1, 2] : vector<1x392x128xf32> to vector<1xf32>
    %reduce_sum3A_425 = vector.shape_cast %reduce_sum3A_424 : vector<1xf32> to vector<1x1x1xf32>
    %reduce_sum3A_426 = vector.extract %reduce_sum3A_425[0, 0, 0] : f32 from vector<1x1x1xf32>
    %div3A_427 = arith.divf %reduce_sum3A_426, %max3A_420 : f32
    %mul3A_428 = arith.mulf %convert_element_type3A_413, %get3A_4 : vector<392x128xf32>
    %reduce_sum3A_429 = vector.shape_cast %mul3A_428 : vector<392x128xf32> to vector<1x392x128xf32>
    %reduce_sum3A_430 = arith.constant dense<0.000000e+00> : vector<1xf32>
    %reduce_sum3A_431 = vector.multi_reduction <add>, %reduce_sum3A_429, %reduce_sum3A_430 [1, 2] : vector<1x392x128xf32> to vector<1xf32>
    %reduce_sum3A_432 = vector.shape_cast %reduce_sum3A_431 : vector<1xf32> to vector<1x1x1xf32>
    %reduce_sum3A_433 = vector.extract %reduce_sum3A_432[0, 0, 0] : f32 from vector<1x1x1xf32>
    %div3A_434 = arith.divf %reduce_sum3A_433, %max3A_420 : f32
    %gt3A_435 = arith.constant 0.000000e+00 : f32
    %gt3A_436 = arith.cmpf ogt, %reduce_sum3A_418, %gt3A_435 : f32
    %convert_element_type3A_437 = arith.extui %gt3A_436 : i1 to i32
    %convert_element_type3A_438 = arith.sitofp %convert_element_type3A_437 : i32 to f32
    %mul3A_439 = arith.mulf %div3A_427, %div3A_427 : f32
    %mul3A_440 = arith.mulf %div3A_434, %div3A_434 : f32
    %add3A_441 = arith.addf %mul3A_439, %mul3A_440 : f32
    %mul3A_442 = arith.mulf %add3A_441, %convert_element_type3A_438 : f32
    %add3A_443 = arith.addf %add3A_407, %mul3A_442 : f32
    %add3A_444 = arith.addf %add3A_408, %convert_element_type3A_438 : f32
    %eq3A_445 = arith.constant 11 : i32
    %eq3A_446 = vector.broadcast %eq3A_445 : i32 to vector<392x128xi32>
    %eq3A_447 = arith.cmpi eq, %get3A_7, %eq3A_446 : vector<392x128xi32>
    %convert_element_type3A_448 = arith.extui %eq3A_447 : vector<392x128xi1> to vector<392x128xi32>
    %convert_element_type3A_449 = arith.sitofp %convert_element_type3A_448 : vector<392x128xi32> to vector<392x128xf32>
    %reduce_sum3A_450 = vector.shape_cast %convert_element_type3A_449 : vector<392x128xf32> to vector<1x392x128xf32>
    %reduce_sum3A_451 = arith.constant dense<0.000000e+00> : vector<1xf32>
    %reduce_sum3A_452 = vector.multi_reduction <add>, %reduce_sum3A_450, %reduce_sum3A_451 [1, 2] : vector<1x392x128xf32> to vector<1xf32>
    %reduce_sum3A_453 = vector.shape_cast %reduce_sum3A_452 : vector<1xf32> to vector<1x1x1xf32>
    %reduce_sum3A_454 = vector.extract %reduce_sum3A_453[0, 0, 0] : f32 from vector<1x1x1xf32>
    %max3A_455 = arith.constant 1.000000e+00 : f32
    %max3A_456 = arith.maximumf %reduce_sum3A_454, %max3A_455 : f32
    %mul3A_457 = arith.mulf %convert_element_type3A_449, %get3A_1 : vector<392x128xf32>
    %reduce_sum3A_458 = vector.shape_cast %mul3A_457 : vector<392x128xf32> to vector<1x392x128xf32>
    %reduce_sum3A_459 = arith.constant dense<0.000000e+00> : vector<1xf32>
    %reduce_sum3A_460 = vector.multi_reduction <add>, %reduce_sum3A_458, %reduce_sum3A_459 [1, 2] : vector<1x392x128xf32> to vector<1xf32>
    %reduce_sum3A_461 = vector.shape_cast %reduce_sum3A_460 : vector<1xf32> to vector<1x1x1xf32>
    %reduce_sum3A_462 = vector.extract %reduce_sum3A_461[0, 0, 0] : f32 from vector<1x1x1xf32>
    %div3A_463 = arith.divf %reduce_sum3A_462, %max3A_456 : f32
    %mul3A_464 = arith.mulf %convert_element_type3A_449, %get3A_4 : vector<392x128xf32>
    %reduce_sum3A_465 = vector.shape_cast %mul3A_464 : vector<392x128xf32> to vector<1x392x128xf32>
    %reduce_sum3A_466 = arith.constant dense<0.000000e+00> : vector<1xf32>
    %reduce_sum3A_467 = vector.multi_reduction <add>, %reduce_sum3A_465, %reduce_sum3A_466 [1, 2] : vector<1x392x128xf32> to vector<1xf32>
    %reduce_sum3A_468 = vector.shape_cast %reduce_sum3A_467 : vector<1xf32> to vector<1x1x1xf32>
    %reduce_sum3A_469 = vector.extract %reduce_sum3A_468[0, 0, 0] : f32 from vector<1x1x1xf32>
    %div3A_470 = arith.divf %reduce_sum3A_469, %max3A_456 : f32
    %gt3A_471 = arith.constant 0.000000e+00 : f32
    %gt3A_472 = arith.cmpf ogt, %reduce_sum3A_454, %gt3A_471 : f32
    %convert_element_type3A_473 = arith.extui %gt3A_472 : i1 to i32
    %convert_element_type3A_474 = arith.sitofp %convert_element_type3A_473 : i32 to f32
    %mul3A_475 = arith.mulf %div3A_463, %div3A_463 : f32
    %mul3A_476 = arith.mulf %div3A_470, %div3A_470 : f32
    %add3A_477 = arith.addf %mul3A_475, %mul3A_476 : f32
    %mul3A_478 = arith.mulf %add3A_477, %convert_element_type3A_474 : f32
    %add3A_479 = arith.addf %add3A_443, %mul3A_478 : f32
    %add3A_480 = arith.addf %add3A_444, %convert_element_type3A_474 : f32
    %eq3A_481 = arith.constant 12 : i32
    %eq3A_482 = vector.broadcast %eq3A_481 : i32 to vector<392x128xi32>
    %eq3A_483 = arith.cmpi eq, %get3A_7, %eq3A_482 : vector<392x128xi32>
    %convert_element_type3A_484 = arith.extui %eq3A_483 : vector<392x128xi1> to vector<392x128xi32>
    %convert_element_type3A_485 = arith.sitofp %convert_element_type3A_484 : vector<392x128xi32> to vector<392x128xf32>
    %reduce_sum3A_486 = vector.shape_cast %convert_element_type3A_485 : vector<392x128xf32> to vector<1x392x128xf32>
    %reduce_sum3A_487 = arith.constant dense<0.000000e+00> : vector<1xf32>
    %reduce_sum3A_488 = vector.multi_reduction <add>, %reduce_sum3A_486, %reduce_sum3A_487 [1, 2] : vector<1x392x128xf32> to vector<1xf32>
    %reduce_sum3A_489 = vector.shape_cast %reduce_sum3A_488 : vector<1xf32> to vector<1x1x1xf32>
    %reduce_sum3A_490 = vector.extract %reduce_sum3A_489[0, 0, 0] : f32 from vector<1x1x1xf32>
    %max3A_491 = arith.constant 1.000000e+00 : f32
    %max3A_492 = arith.maximumf %reduce_sum3A_490, %max3A_491 : f32
    %mul3A_493 = arith.mulf %convert_element_type3A_485, %get3A_1 : vector<392x128xf32>
    %reduce_sum3A_494 = vector.shape_cast %mul3A_493 : vector<392x128xf32> to vector<1x392x128xf32>
    %reduce_sum3A_495 = arith.constant dense<0.000000e+00> : vector<1xf32>
    %reduce_sum3A_496 = vector.multi_reduction <add>, %reduce_sum3A_494, %reduce_sum3A_495 [1, 2] : vector<1x392x128xf32> to vector<1xf32>
    %reduce_sum3A_497 = vector.shape_cast %reduce_sum3A_496 : vector<1xf32> to vector<1x1x1xf32>
    %reduce_sum3A_498 = vector.extract %reduce_sum3A_497[0, 0, 0] : f32 from vector<1x1x1xf32>
    %div3A_499 = arith.divf %reduce_sum3A_498, %max3A_492 : f32
    %mul3A_500 = arith.mulf %convert_element_type3A_485, %get3A_4 : vector<392x128xf32>
    %reduce_sum3A_501 = vector.shape_cast %mul3A_500 : vector<392x128xf32> to vector<1x392x128xf32>
    %reduce_sum3A_502 = arith.constant dense<0.000000e+00> : vector<1xf32>
    %reduce_sum3A_503 = vector.multi_reduction <add>, %reduce_sum3A_501, %reduce_sum3A_502 [1, 2] : vector<1x392x128xf32> to vector<1xf32>
    %reduce_sum3A_504 = vector.shape_cast %reduce_sum3A_503 : vector<1xf32> to vector<1x1x1xf32>
    %reduce_sum3A_505 = vector.extract %reduce_sum3A_504[0, 0, 0] : f32 from vector<1x1x1xf32>
    %div3A_506 = arith.divf %reduce_sum3A_505, %max3A_492 : f32
    %gt3A_507 = arith.constant 0.000000e+00 : f32
    %gt3A_508 = arith.cmpf ogt, %reduce_sum3A_490, %gt3A_507 : f32
    %convert_element_type3A_509 = arith.extui %gt3A_508 : i1 to i32
    %convert_element_type3A_510 = arith.sitofp %convert_element_type3A_509 : i32 to f32
    %mul3A_511 = arith.mulf %div3A_499, %div3A_499 : f32
    %mul3A_512 = arith.mulf %div3A_506, %div3A_506 : f32
    %add3A_513 = arith.addf %mul3A_511, %mul3A_512 : f32
    %mul3A_514 = arith.mulf %add3A_513, %convert_element_type3A_510 : f32
    %add3A_515 = arith.addf %add3A_479, %mul3A_514 : f32
    %add3A_516 = arith.addf %add3A_480, %convert_element_type3A_510 : f32
    %eq3A_517 = arith.constant 13 : i32
    %eq3A_518 = vector.broadcast %eq3A_517 : i32 to vector<392x128xi32>
    %eq3A_519 = arith.cmpi eq, %get3A_7, %eq3A_518 : vector<392x128xi32>
    %convert_element_type3A_520 = arith.extui %eq3A_519 : vector<392x128xi1> to vector<392x128xi32>
    %convert_element_type3A_521 = arith.sitofp %convert_element_type3A_520 : vector<392x128xi32> to vector<392x128xf32>
    %reduce_sum3A_522 = vector.shape_cast %convert_element_type3A_521 : vector<392x128xf32> to vector<1x392x128xf32>
    %reduce_sum3A_523 = arith.constant dense<0.000000e+00> : vector<1xf32>
    %reduce_sum3A_524 = vector.multi_reduction <add>, %reduce_sum3A_522, %reduce_sum3A_523 [1, 2] : vector<1x392x128xf32> to vector<1xf32>
    %reduce_sum3A_525 = vector.shape_cast %reduce_sum3A_524 : vector<1xf32> to vector<1x1x1xf32>
    %reduce_sum3A_526 = vector.extract %reduce_sum3A_525[0, 0, 0] : f32 from vector<1x1x1xf32>
    %max3A_527 = arith.constant 1.000000e+00 : f32
    %max3A_528 = arith.maximumf %reduce_sum3A_526, %max3A_527 : f32
    %mul3A_529 = arith.mulf %convert_element_type3A_521, %get3A_1 : vector<392x128xf32>
    %reduce_sum3A_530 = vector.shape_cast %mul3A_529 : vector<392x128xf32> to vector<1x392x128xf32>
    %reduce_sum3A_531 = arith.constant dense<0.000000e+00> : vector<1xf32>
    %reduce_sum3A_532 = vector.multi_reduction <add>, %reduce_sum3A_530, %reduce_sum3A_531 [1, 2] : vector<1x392x128xf32> to vector<1xf32>
    %reduce_sum3A_533 = vector.shape_cast %reduce_sum3A_532 : vector<1xf32> to vector<1x1x1xf32>
    %reduce_sum3A_534 = vector.extract %reduce_sum3A_533[0, 0, 0] : f32 from vector<1x1x1xf32>
    %div3A_535 = arith.divf %reduce_sum3A_534, %max3A_528 : f32
    %mul3A_536 = arith.mulf %convert_element_type3A_521, %get3A_4 : vector<392x128xf32>
    %reduce_sum3A_537 = vector.shape_cast %mul3A_536 : vector<392x128xf32> to vector<1x392x128xf32>
    %reduce_sum3A_538 = arith.constant dense<0.000000e+00> : vector<1xf32>
    %reduce_sum3A_539 = vector.multi_reduction <add>, %reduce_sum3A_537, %reduce_sum3A_538 [1, 2] : vector<1x392x128xf32> to vector<1xf32>
    %reduce_sum3A_540 = vector.shape_cast %reduce_sum3A_539 : vector<1xf32> to vector<1x1x1xf32>
    %reduce_sum3A_541 = vector.extract %reduce_sum3A_540[0, 0, 0] : f32 from vector<1x1x1xf32>
    %div3A_542 = arith.divf %reduce_sum3A_541, %max3A_528 : f32
    %gt3A_543 = arith.constant 0.000000e+00 : f32
    %gt3A_544 = arith.cmpf ogt, %reduce_sum3A_526, %gt3A_543 : f32
    %convert_element_type3A_545 = arith.extui %gt3A_544 : i1 to i32
    %convert_element_type3A_546 = arith.sitofp %convert_element_type3A_545 : i32 to f32
    %mul3A_547 = arith.mulf %div3A_535, %div3A_535 : f32
    %mul3A_548 = arith.mulf %div3A_542, %div3A_542 : f32
    %add3A_549 = arith.addf %mul3A_547, %mul3A_548 : f32
    %mul3A_550 = arith.mulf %add3A_549, %convert_element_type3A_546 : f32
    %add3A_551 = arith.addf %add3A_515, %mul3A_550 : f32
    %add3A_552 = arith.addf %add3A_516, %convert_element_type3A_546 : f32
    %eq3A_553 = arith.constant 14 : i32
    %eq3A_554 = vector.broadcast %eq3A_553 : i32 to vector<392x128xi32>
    %eq3A_555 = arith.cmpi eq, %get3A_7, %eq3A_554 : vector<392x128xi32>
    %convert_element_type3A_556 = arith.extui %eq3A_555 : vector<392x128xi1> to vector<392x128xi32>
    %convert_element_type3A_557 = arith.sitofp %convert_element_type3A_556 : vector<392x128xi32> to vector<392x128xf32>
    %reduce_sum3A_558 = vector.shape_cast %convert_element_type3A_557 : vector<392x128xf32> to vector<1x392x128xf32>
    %reduce_sum3A_559 = arith.constant dense<0.000000e+00> : vector<1xf32>
    %reduce_sum3A_560 = vector.multi_reduction <add>, %reduce_sum3A_558, %reduce_sum3A_559 [1, 2] : vector<1x392x128xf32> to vector<1xf32>
    %reduce_sum3A_561 = vector.shape_cast %reduce_sum3A_560 : vector<1xf32> to vector<1x1x1xf32>
    %reduce_sum3A_562 = vector.extract %reduce_sum3A_561[0, 0, 0] : f32 from vector<1x1x1xf32>
    %max3A_563 = arith.constant 1.000000e+00 : f32
    %max3A_564 = arith.maximumf %reduce_sum3A_562, %max3A_563 : f32
    %mul3A_565 = arith.mulf %convert_element_type3A_557, %get3A_1 : vector<392x128xf32>
    %reduce_sum3A_566 = vector.shape_cast %mul3A_565 : vector<392x128xf32> to vector<1x392x128xf32>
    %reduce_sum3A_567 = arith.constant dense<0.000000e+00> : vector<1xf32>
    %reduce_sum3A_568 = vector.multi_reduction <add>, %reduce_sum3A_566, %reduce_sum3A_567 [1, 2] : vector<1x392x128xf32> to vector<1xf32>
    %reduce_sum3A_569 = vector.shape_cast %reduce_sum3A_568 : vector<1xf32> to vector<1x1x1xf32>
    %reduce_sum3A_570 = vector.extract %reduce_sum3A_569[0, 0, 0] : f32 from vector<1x1x1xf32>
    %div3A_571 = arith.divf %reduce_sum3A_570, %max3A_564 : f32
    %mul3A_572 = arith.mulf %convert_element_type3A_557, %get3A_4 : vector<392x128xf32>
    %reduce_sum3A_573 = vector.shape_cast %mul3A_572 : vector<392x128xf32> to vector<1x392x128xf32>
    %reduce_sum3A_574 = arith.constant dense<0.000000e+00> : vector<1xf32>
    %reduce_sum3A_575 = vector.multi_reduction <add>, %reduce_sum3A_573, %reduce_sum3A_574 [1, 2] : vector<1x392x128xf32> to vector<1xf32>
    %reduce_sum3A_576 = vector.shape_cast %reduce_sum3A_575 : vector<1xf32> to vector<1x1x1xf32>
    %reduce_sum3A_577 = vector.extract %reduce_sum3A_576[0, 0, 0] : f32 from vector<1x1x1xf32>
    %div3A_578 = arith.divf %reduce_sum3A_577, %max3A_564 : f32
    %gt3A_579 = arith.constant 0.000000e+00 : f32
    %gt3A_580 = arith.cmpf ogt, %reduce_sum3A_562, %gt3A_579 : f32
    %convert_element_type3A_581 = arith.extui %gt3A_580 : i1 to i32
    %convert_element_type3A_582 = arith.sitofp %convert_element_type3A_581 : i32 to f32
    %mul3A_583 = arith.mulf %div3A_571, %div3A_571 : f32
    %mul3A_584 = arith.mulf %div3A_578, %div3A_578 : f32
    %add3A_585 = arith.addf %mul3A_583, %mul3A_584 : f32
    %mul3A_586 = arith.mulf %add3A_585, %convert_element_type3A_582 : f32
    %add3A_587 = arith.addf %add3A_551, %mul3A_586 : f32
    %add3A_588 = arith.addf %add3A_552, %convert_element_type3A_582 : f32
    %eq3A_589 = arith.constant 15 : i32
    %eq3A_590 = vector.broadcast %eq3A_589 : i32 to vector<392x128xi32>
    %eq3A_591 = arith.cmpi eq, %get3A_7, %eq3A_590 : vector<392x128xi32>
    %convert_element_type3A_592 = arith.extui %eq3A_591 : vector<392x128xi1> to vector<392x128xi32>
    %convert_element_type3A_593 = arith.sitofp %convert_element_type3A_592 : vector<392x128xi32> to vector<392x128xf32>
    %reduce_sum3A_594 = vector.shape_cast %convert_element_type3A_593 : vector<392x128xf32> to vector<1x392x128xf32>
    %reduce_sum3A_595 = arith.constant dense<0.000000e+00> : vector<1xf32>
    %reduce_sum3A_596 = vector.multi_reduction <add>, %reduce_sum3A_594, %reduce_sum3A_595 [1, 2] : vector<1x392x128xf32> to vector<1xf32>
    %reduce_sum3A_597 = vector.shape_cast %reduce_sum3A_596 : vector<1xf32> to vector<1x1x1xf32>
    %reduce_sum3A_598 = vector.extract %reduce_sum3A_597[0, 0, 0] : f32 from vector<1x1x1xf32>
    %max3A_599 = arith.constant 1.000000e+00 : f32
    %max3A_600 = arith.maximumf %reduce_sum3A_598, %max3A_599 : f32
    %mul3A_601 = arith.mulf %convert_element_type3A_593, %get3A_1 : vector<392x128xf32>
    %reduce_sum3A_602 = vector.shape_cast %mul3A_601 : vector<392x128xf32> to vector<1x392x128xf32>
    %reduce_sum3A_603 = arith.constant dense<0.000000e+00> : vector<1xf32>
    %reduce_sum3A_604 = vector.multi_reduction <add>, %reduce_sum3A_602, %reduce_sum3A_603 [1, 2] : vector<1x392x128xf32> to vector<1xf32>
    %reduce_sum3A_605 = vector.shape_cast %reduce_sum3A_604 : vector<1xf32> to vector<1x1x1xf32>
    %reduce_sum3A_606 = vector.extract %reduce_sum3A_605[0, 0, 0] : f32 from vector<1x1x1xf32>
    %div3A_607 = arith.divf %reduce_sum3A_606, %max3A_600 : f32
    %mul3A_608 = arith.mulf %convert_element_type3A_593, %get3A_4 : vector<392x128xf32>
    %reduce_sum3A_609 = vector.shape_cast %mul3A_608 : vector<392x128xf32> to vector<1x392x128xf32>
    %reduce_sum3A_610 = arith.constant dense<0.000000e+00> : vector<1xf32>
    %reduce_sum3A_611 = vector.multi_reduction <add>, %reduce_sum3A_609, %reduce_sum3A_610 [1, 2] : vector<1x392x128xf32> to vector<1xf32>
    %reduce_sum3A_612 = vector.shape_cast %reduce_sum3A_611 : vector<1xf32> to vector<1x1x1xf32>
    %reduce_sum3A_613 = vector.extract %reduce_sum3A_612[0, 0, 0] : f32 from vector<1x1x1xf32>
    %div3A_614 = arith.divf %reduce_sum3A_613, %max3A_600 : f32
    %gt3A_615 = arith.constant 0.000000e+00 : f32
    %gt3A_616 = arith.cmpf ogt, %reduce_sum3A_598, %gt3A_615 : f32
    %convert_element_type3A_617 = arith.extui %gt3A_616 : i1 to i32
    %convert_element_type3A_618 = arith.sitofp %convert_element_type3A_617 : i32 to f32
    %mul3A_619 = arith.mulf %div3A_607, %div3A_607 : f32
    %mul3A_620 = arith.mulf %div3A_614, %div3A_614 : f32
    %add3A_621 = arith.addf %mul3A_619, %mul3A_620 : f32
    %mul3A_622 = arith.mulf %add3A_621, %convert_element_type3A_618 : f32
    %add3A_623 = arith.addf %add3A_587, %mul3A_622 : f32
    %add3A_624 = arith.addf %add3A_588, %convert_element_type3A_618 : f32
    %max3A_625 = arith.constant 1.000000e+00 : f32
    %max3A_626 = arith.maximumf %add3A_624, %max3A_625 : f32
    %div3A_627 = arith.divf %add3A_623, %max3A_626 : f32
    %iota3A = tpu.iota {dimensions = array<i32: 1>} : vector<8x128xi32>
    %iota3A_628 = tpu.iota {dimensions = array<i32: 0>} : vector<8x128xi32>
    %eq3A_629 = arith.constant 0 : i32
    %eq3A_630 = vector.broadcast %eq3A_629 : i32 to vector<8x128xi32>
    %eq3A_631 = arith.cmpi eq, %iota3A_628, %eq3A_630 : vector<8x128xi32>
    %eq3A_632 = arith.constant 0 : i32
    %eq3A_633 = vector.broadcast %eq3A_632 : i32 to vector<8x128xi32>
    %eq3A_634 = arith.cmpi eq, %iota3A, %eq3A_633 : vector<8x128xi32>
    %and3A = arith.andi %eq3A_631, %eq3A_634 : vector<8x128xi1>
    %jit3A = arith.constant 0.000000e+00 : f32
    %broadcast_in_dim3A = vector.broadcast %div3A_50 : f32 to vector<8x128xf32>
    %broadcast_in_dim3A_635 = vector.broadcast %jit3A : f32 to vector<8x128xf32>
    %select_n3A_636 = arith.select %and3A, %broadcast_in_dim3A, %broadcast_in_dim3A_635 : vector<8x128xi1>, vector<8x128xf32>
    %eq3A_637 = arith.constant 0 : i32
    %eq3A_638 = vector.broadcast %eq3A_637 : i32 to vector<8x128xi32>
    %eq3A_639 = arith.cmpi eq, %iota3A_628, %eq3A_638 : vector<8x128xi32>
    %eq3A_640 = arith.constant 1 : i32
    %eq3A_641 = vector.broadcast %eq3A_640 : i32 to vector<8x128xi32>
    %eq3A_642 = arith.cmpi eq, %iota3A, %eq3A_641 : vector<8x128xi32>
    %and3A_643 = arith.andi %eq3A_639, %eq3A_642 : vector<8x128xi1>
    %jit3A_644 = arith.constant 0.000000e+00 : f32
    %broadcast_in_dim3A_645 = vector.broadcast %div3A_627 : f32 to vector<8x128xf32>
    %broadcast_in_dim3A_646 = vector.broadcast %jit3A_644 : f32 to vector<8x128xf32>
    %select_n3A_647 = arith.select %and3A_643, %broadcast_in_dim3A_645, %broadcast_in_dim3A_646 : vector<8x128xi1>, vector<8x128xf32>
    %add3A_648 = arith.addf %select_n3A_636, %select_n3A_647 : vector<8x128xf32>
    %swap3A = arith.constant 0 : index
    %swap3A_649 = arith.constant 0 : index
    %swap3A_650 = vector.load %arg5[%swap3A, %swap3A_649] : memref<8x128xf32, #tpu.memory_space<vmem>>, vector<8x128xf32>
    tpu.vector_store %arg5[%swap3A, %swap3A_649], %add3A_648 {strides = array<i32>} : memref<8x128xf32, #tpu.memory_space<vmem>>, vector<8x128xf32>,
    return
  }
}

</mosaic_0001>

<sc_bundles>
// kernel: kernel.4.cloned.1.call-start
scs
__scs_entry_jumppad:
0x0: {  	(pc) =	sbr.rel $0x88, $3  }
0x1: {  	(tag) =	ssettag $0x0;
	lr =	simm.s32 $0x1  }
0x2: {  	[smem:$0x3F9D] =	sst lr;
	_ =	strace $0xD0000000  }
0x3: {  	_ = 	snop  }
0x4: {  	_ = 	snop  }
0x5: {  	_ = 	snop  }
0x6: {  	_ = 	snop  }
0x7: {  	_ = 	snop  }
__scs_overlays_trampoline_lowered:
0x8: {  	[smem:$0x3FAC] =	sst s0  }
0x9: {  	[smem:$0x3FAD] =	sst s1  }
0xa: {  	[smem:$0x3FAE] =	sst s2  }
0xb: {  	[smem:$0x3FAF] =	sst s3  }
0xc: {  	[smem:$0x3FB0] =	sst s4  }
0xd: {  	[smem:$0x3FB1] =	sst s5  }
0xe: {  	[smem:$0x3FB2] =	sst s6  }
0xf: {  	[smem:$0x3FB3] =	sst s7  }
0x10: {  	[smem:$0x3FB4] =	sst s8  }
0x11: {  	[smem:$0x3FB5] =	sst s9;
	s0 =	simm.s32 @!p0 $0x0  }
0x12: {  	s1 =	sld [smem:$0x3F9B];
	s0 =	simm.s32 @p0 $0x1  }
0x13: {  	[smem:$0x3FB6] =	sst s0;
	s0 =	simm.s32 @!p1 $0x0  }
0x14: {  	s2 =	sld [smem:$0x3F9A];
	s0 =	simm.s32 @p1 $0x1  }
0x15: {  	[smem:$0x3FB7] =	sst s0;
	s0 =	simm.s32 @!p2 $0x0  }
0x16: {  	s3 =	sld [smem:$0x3FDB];
	s0 =	simm.s32 @p2 $0x1  }
0x17: {  	s4 =	simm.s32 $0x1BF5;
	[smem:$0x3FB9] =	sst s0  }
0x18: {  	s0 =	sld [smem:$0x3F9C];
	_ =	swait.ge [sflag:s4], $0x0  }
0x19: {  	s7 =	sld [smem:$0x3F9D]  }
0x1a: {  	s8 =	sadd.s32 $0xFFFFE003, lr  }
0x1b: {  	s9 =	sadd.s32 $0xFFFFFEF7, lr;
	s5 =	simm.s32 $0xFFFFFFFF;
	p2 =	slt.u32 s8, $0xFFFFF086  }
0x1c: {  	p1 =	slt.u32 s9, $0xF7A;
	s5 =	simm.s32 @!p2 $0x0  }
0x1d: {  	s5 =	simm.s32 @p1 $0x1;
	p0 =	seq.s32 s7, s2  }
0x1e: {  	s7 =	smul.u32 @!p0 $0xF7A, s2;
	p2 =	seq.s32 @!p0 s5, $0x0  }
0x1f: {  	s9 =	smul.u32 $0xF7A, s1;
	s8 =	simm.s32 @!p0 $0x1BF5;
	p2 =	por !p2, p0  }
0x20: {  	[sflag:s8] =	ssyncset.s32 @!p0 $0xFFFFF086;
	s6 =	sadd.s32 @!p0 s3, s7;
	s7 =	simm.s32 @!p0 $0x108  }
0x21: {  	s3 =	sadd.s32 s3, s9;
	s6 =	sadd.s32 @!p0 $0x88, s6;
	s7 =	simm.s32 @p2 $0x1082  }
0x22: {  	[simem:s7], [sflag:s8] =	dma.local @!p0 [hbm:s6], $0xF7A  }
0x23: {  	s9 =	sor.u32 $0xD0000000, s2;
	s6 =	simm.s32 $0x108;
	_ =	swait.ge @!p0 [sflag:s8], $0x0  }
0x24: {  	s3 =	sadd.s32 $0x88, s3;
	s6 =	simm.s32 @!p1 $0x1082;
	[sflag:s4] =	ssyncset.s32 $0xFFFFF086  }
0x25: {  	[simem:s6], [sflag:s4] =	dma.local [hbm:s3], $0xF7A  }
0x26: {  	[smem:$0x3F9D] =	sst s1;
	(tag) =	ssettag s2;
	_ =	strace s9  }
0x27: {  	s1 =	sld [smem:$0x3FAD]  }
0x28: {  	s2 =	sld [smem:$0x3FAE]  }
0x29: {  	s4 =	sld [smem:$0x3FB0]  }
0x2a: {  	p0 =	seq.s32 s5, $0x0;
	s5 =	sld [smem:$0x3FB1]  }
0x2b: {  	s6 =	sld [smem:$0x3FB2]  }
0x2c: {  	s7 =	sld [smem:$0x3FB3]  }
0x2d: {  	s3 =	simm.s32 $0x108;
	s8 =	sld [smem:$0x3FB4]  }
0x2e: {  	s3 =	simm.s32 @!p0 $0x1082;
	s9 =	sld [smem:$0x3FB5]  }
0x2f: {  	lr =	sadd.s32 s0, s3;
	s0 =	sld [smem:$0x3FAC]  }
0x30: {  	s3 =	sld [smem:$0x3FAF]  }
0x31: {  	[smem:$0x3FB8] =	sst s10  }
0x32: {  	s10 =	sld [smem:$0x3FB6];
	_ =	sdelay $0x3  }
0x33: {  	p0 =	seq.s32 s10, $0x1;
	s10 =	sld [smem:$0x3FB8];
	_ =	sdelay $0x3  }
0x34: {  	[smem:$0x3FB8] =	sst s10  }
0x35: {  	s10 =	sld [smem:$0x3FB7];
	_ =	sdelay $0x3  }
0x36: {  	p1 =	seq.s32 s10, $0x1;
	s10 =	sld [smem:$0x3FB8];
	_ =	sdelay $0x3  }
0x37: {  	[smem:$0x3FB8] =	sst s10  }
0x38: {  	s10 =	sld [smem:$0x3FB9]  }
0x39: {  	_ = 	snop;
	(pc) =	sbr.ind lr, $3  }
0x3a: {  	_ = 	snop  }
0x3b: {  	_ = 	snop  }
0x3c: {  	p2 =	seq.s32 s10, $0x1;
	s10 =	sld [smem:$0x3FB8]  }
0x3d: {  	_ =	shalt  }
0x3e: {  	_ =	shalt  }
0x3f: {  	_ =	shalt  }
0x40: {  	_ =	shalt  }
0x41: {  	_ =	shalt  }
0x42: {  	_ =	shalt  }
0x43: {  	_ =	shalt  }
0x44: {  	_ =	shalt  }
0x45: {  	_ =	shalt  }
0x46: {  	_ =	shalt  }
0x47: {  	_ =	shalt  }
0x48: {  	_ =	shalt  }
0x49: {  	_ =	shalt  }
0x4a: {  	_ =	shalt  }
0x4b: {  	_ =	shalt  }
0x4c: {  	_ =	shalt  }
0x4d: {  	_ =	shalt  }
0x4e: {  	_ =	shalt  }
0x4f: {  	_ =	shalt  }
0x50: {  	_ =	shalt  }
0x51: {  	_ =	shalt  }
0x52: {  	_ =	shalt  }
0x53: {  	_ =	shalt  }
0x54: {  	_ =	shalt  }
0x55: {  	_ =	shalt  }
0x56: {  	_ =	shalt  }
0x57: {  	_ =	shalt  }
0x58: {  	_ =	shalt  }
0x59: {  	_ =	shalt  }
0x5a: {  	_ =	shalt  }
0x5b: {  	_ =	shalt  }
0x5c: {  	_ =	shalt  }
0x5d: {  	_ =	shalt  }
0x5e: {  	_ =	shalt  }
0x5f: {  	_ =	shalt  }
0x60: {  	_ =	shalt  }
0x61: {  	_ =	shalt  }
0x62: {  	_ =	shalt  }
0x63: {  	_ =	shalt  }
0x64: {  	_ =	shalt  }
0x65: {  	_ =	shalt  }
0x66: {  	_ =	shalt  }
0x67: {  	_ =	shalt  }
0x68: {  	_ =	shalt  }
0x69: {  	_ =	shalt  }
0x6a: {  	_ =	shalt  }
0x6b: {  	_ =	shalt  }
0x6c: {  	_ =	shalt  }
0x6d: {  	_ =	shalt  }
0x6e: {  	_ =	shalt  }
0x6f: {  	_ =	shalt  }
0x70: {  	_ =	shalt  }
0x71: {  	_ =	shalt  }
0x72: {  	_ =	shalt  }
0x73: {  	_ =	shalt  }
0x74: {  	_ =	shalt  }
0x75: {  	_ =	shalt  }
0x76: {  	_ =	shalt  }
0x77: {  	_ =	shalt  }
0x78: {  	_ =	shalt  }
0x79: {  	_ =	shalt  }
0x7a: {  	_ =	shalt  }
0x7b: {  	_ =	shalt  }
0x7c: {  	_ =	shalt  }
0x7d: {  	_ =	shalt  }
0x7e: {  	_ =	shalt  }
0x7f: {  	_ =	shalt  }
0x80: {  	_ =	shalt  }
0x81: {  	_ =	shalt  }
0x82: {  	_ =	shalt  }
0x83: {  	_ =	shalt  }
0x84: {  	_ =	shalt  }
0x85: {  	_ =	shalt  }
0x86: {  	_ =	shalt  }
0x87: {  	_ =	shalt  }
.Lfunc_end0:
.L_simem_size_0:
called_computation_lowered:
.L_overlay_start_0:
0x88: {  	s2 =	sld [smem:$0x3FD9]  }
0x89: {  	s3 =	sld [smem:$0x3FFE];
	_ =	sdelay $0x1  }
0x8a: {  	s1 =	srdreg.scid  }
0x8b: {  	s0 =	sand.u32 $0x1, s1  }
0x8c: {  	s17 =	sshll.u32 s0, $0xA;
	s2 =	sadd.s32 s3, s2  }
0x8d: {  	s2 =	sadd.s32 s2, s17  }
0x8e: {  	[smem:$0x3FC4] =	sst s2  }
0x8f: {  	_ = 	snop  }
0x90: {  	s2 =	sld [smem:$0x3FC7];
	(tm) =	ssettm $0x1  }
0x91: {  	s18 =	sld [smem:$0x3FFB];
	_ =	sdelay $0x3  }
0x92: {  	_ =	strace s18  }
0x93: {  	s3 =	sld [smem:$0x3FFC];
	_ =	sdelay $0x3  }
0x94: {  	_ =	strace s3  }
0x95: {  	s3 =	sld [smem:$0x3FFD];
	_ =	sdelay $0x3  }
0x96: {  	_ =	strace s3  }
0x97: {  	_ =	strace $0x8FFFFFFF  }
0x98: {  	s19 =	sld [smem:$0x3FDB];
	_ =	sdelay $0x1  }
0x99: {  	s4 =	simm.s32 $_scs_section_size  }
0x9a: {  	s5 =	simm.s32 $_size__tile_overlayer_lowered;
	s6 =	simm.s32 $_tile_overlayer_lowered  }
0x9b: {  	s22 =	simm.s32 $0x1BFF;
	s21 =	sshll.u32 s6, $0x1;
	s3 =	sadd.s32 s4, s19  }
0x9c: {  	s7 =	simm.s32 $0x0;
	s20 =	sshll.u32 s5, $0x1;
	s5 =	sadd.s32 s21, s3  }
0x9d: {  	[timem:s7], [sflag:s22] =	dma.local [hbm:s5], s20  }
0x9e: {  	_ =	swait.ge [sflag:s22], s20  }
0x9f: {  	s4 =	ssub.s32 $0x0, s20;
	[sflag:s22] =	ssyncset.done $0x0  }
0xa0: {  	[sflag:s22] =	ssyncadd.s32 s4;
	_ =	sdelay $0x1  }
0xa1: {  	s23 =	simm.s32 $0x1B8B  }
0xa2: {  	_ =	swait.ge [sflag:s23], $0x1  }
0xa3: {  	[sflag:s23] =	ssyncset.done $0x0  }
0xa4: {  	s25 =	simm.s32 $0x1B8E;
	s24 =	sld [smem:$0x3FFE];
	[sflag:s23] =	ssyncadd.s32 $0xFFFFFFFF  }
0xa5: {  	s26 =	simm.s32 $execute0_lowered;
	[smem:$0x3FD2] =	sst s25  }
0xa6: {  	s5 =	sshll.u32 s26, $0x1;
	_ =	strace $0x80000046;
	[dreg:$0x1] =	wrdreg $0xFFFFFFFF  }
0xa7: {  	s28 =	simm.s32 $_size_execute0_lowered;
	s3 =	sadd.s32 s3, s5;
	[dreg:$0x0] =	wrdreg $0x0  }
0xa8: {  	s5 =	sshll.u32 s28, $0x1;
	[dreg:$0x2] =	wrdreg s3  }
0xa9: {  	[dreg:$0x3] =	wrdreg s5  }
0xaa: {  	[dreg:$0x4] =	wrdreg $0xC0  }
0xab: {  	_ =	task [dreg:s7], $0x5FFFF  }
0xac: {  	[dreg:$0x1] =	wrdreg $0xFFFFFFFF  }
0xad: {  	[dreg:$0x0] =	wrdreg $0x60  }
0xae: {  	[dreg:$0x2] =	wrdreg s24  }
0xaf: {  	[dreg:$0x3] =	wrdreg s2  }
0xb0: {  	[dreg:$0x4] =	wrdreg $0x9  }
0xb1: {  	_ =	task.clear_ibuf [dreg:s7], $0x5FFFF;
	_ =	strace $0x90000046  }
0xb2: {  	s29 =	simm.s32 $0x9;
	_ =	strace $0x80000048  }
0xb3: {  	_ =	swait.ge [sflag:s29], $0x1  }
0xb4: {  	[sflag:s29] =	ssyncadd.s32 $0xFFFFFFFF  }
0xb5: {  	_ =	strace $0x90000048  }
0xb6: {  	_ =	sfence  }
0xb7: {  	s30 =	sld [smem:$0x0];
	_ =	sdelay $0x2  }
0xb8: {  	s31 =	sshll.u32 s1, $0xD;
	s1 =	sshrl.u32 s1, $0x2  }
0xb9: {  	s3 =	sand.u32 $0x4000, s31;
	s1 =	sadd.s32 s1, s30  }
0xba: {  	s0 =	sor.u32 s3, s0;
	s1 =	sshll.u32 s1, $0x11  }
0xbb: {  	s0 =	sor.u32 s1, s0  }
0xbc: {  	s0 =	sadd.s32 $0x8F2B, s0  }
0xbd: {  	[sflag:s0] =	ssyncadd.remote.s32 $0x1  }
0xbe: {  	_ =	sfence.sel $0xFFFF  }
0xbf: {  	[dreg:$0x0] =	wrdreg $0xFFFFFFFF;
	(pc) =	sbr.abs _section_cstart, $3  }
0xc0: {  	[dreg:$0x1] =	wrdreg $0xFFFFFFFF  }
0xc1: {  	_ =	task.clear_ibuf [dreg:s7], $0x2FFFF;
	_ =	strace $0x9FFFFFFF  }
0xc2: {  	(tm) =	ssettm $0x7FFFFFFF  }
0xc3: {  	_ =	shalt  }
tec
execute0_lowered:
.L_overlay_start_1:
0x0: {  	(tag) =	ssettag $0x1  }
0x1: {  	s1 =	srdreg.scid;
	s2 =	rddreg [dreg:$0x0]  }
0x2: {  	s0 =	stileid.u32;
	s6 =	rddreg [dreg:$0x1];
	s3 =	simm.s32 $0x0  }
0x3: {  	s13 =	simm.s32 $0xC380;
	s14 =	simm.s32 $0x1;
	s15 =	simm.s32 $0x11180  }
0x4: {  	s16 =	simm.s32 $0x2;
	s17 =	simm.s32 $0x3;
	s18 =	simm.s32 $0x4  }
0x5: {  	s19 =	simm.s32 $0x16080;
	s20 =	simm.s32 $0x5;
	s21 =	simm.s32 $0x16100  }
0x6: {  	s4 =	sand.u32 $0x1, s1;
	s28 =	sshll.u32 s0, $0x1;
	s1 =	rddreg [dreg:$0x2]  }
0x7: {  	s22 =	simm.s32 $0x0;
	[smem:$0x7FF] =	sst s3;
	s5 =	sor.u32 s4, s28  }
0x8: {  	p0 =	sgt.u32 s0, $0x9;
	_ =	strace $0x80000047;
	s7 =	smul.u32 $0x186, s5  }
0x9: {  	s29 =	ssub.s32 $0x2, s4;
	s8 =	smin.u32 s5, $0x14;
	s5 =	sshll.u32 s5, $0x4  }
.Ltmp0:
0xa: {  	s31 =	sshrl.u32 s29, $0x1;
	s7 =	sadd.s32 s8, s7;
	(pc) =	sbr.rel .LBB2_1-.Ltmp0, $4  }
0xb: {  	s11 =	sadd.s32 s5, s2;
	s12 =	ssub.s32 s29, s31;
	s30 =	sshll.u32 s7, $0x5  }
0xc: {  	s10 =	sadd.s32 $0x1A00, s11;
	s11 =	sadd.s32 $0x1C00, s11;
	s4 =	sadd.s32 s6, s30  }
0xd: {  	s12 =	smax.u32 s12, $0x1;
	s5 =	sadd.s32 $0x30C0, s4;
	s6 =	sadd.s32 $0x9C0, s4  }
0xe: {  	s7 =	sadd.s32 $0x1380, s4;
	s8 =	sadd.s32 $0x1D40, s4;
	s9 =	sadd.s32 $0x2700, s4  }
.LBB2_13:
0xf: {  	[hbm4b:s10+s3] =	stream.linear.scatter [tilespmem:s19], [sflag:$0x5], $0x80, $0x38;
	[tilespmem:$0x16180] =	vst v63  }
0x10: {  	s22 =	sadd.s32 $0x1, s22;
	_ =	swait.ge [sflag:s20], $0x80  }
0x11: {  	p1 =	sne.s32 s22, s12;
	[sflag:s20] =	ssyncset.done $0x0  }
.Ltmp1:
0x12: {  	[sflag:s20] =	ssyncadd.s32 $0xFFFFFF80;
	(pc) =	sbr.rel @!p1 .LBB2_14-.Ltmp1, $4  }
0x13: {  	[hbm4b:s11+s3] =	stream.linear.scatter [tilespmem:s21], [sflag:$0x5], $0x80, $0x38;
	[tilespmem:$0x16180] =	vst v63  }
0x14: {  	_ =	swait.ge [sflag:s20], $0x80  }
0x15: {  	[sflag:s20] =	ssyncset.done $0x0  }
0x16: {  	[sflag:s20] =	ssyncadd.s32 $0xFFFFFF80  }
.LBB2_1:
0x17: {  	[tilespmem:s3], [sflag:$0x1] =	stream.linear.gather [hbm4b:s2+s3], $0xC380, $0x38;
	[tilespmem:$0x16180] =	vst v63  }
0x18: {  	_ = 	snop  }
0x19: {  	[tilespmem:s13], [sflag:$0x2] =	stream.linear.gather [hbm4b:s4+s3], $0x4E00, $0x38;
	[tilespmem:$0x16180] =	vst v63  }
0x1a: {  	s23 =	simm.s32 @!p0 $0x0;
	s24 =	simm.s32 @!p0 $0x15F80  }
0x1b: {  	[tilespmem:s24], [sflag:$0x4] =	stream.linear.gather @!p0 [hbm4b:s5+s23], $0x100, $0x38;
	[tilespmem:$0x16180] =	vst v63  }
0x1c: {  	_ =	swait.ge [sflag:s14], $0xC380  }
0x1d: {  	[sflag:s14] =	ssyncset.done $0x0  }
0x1e: {  	p1 =	por $0x0, $0x0;
	[sflag:s14] =	ssyncadd.s32 $0xFFFF3C80  }
0x1f: {  	[tilespmem:s15], [sflag:$0x3] =	stream.linear.gather [hbm4b:s6+s3], $0x4E00, $0x38;
	[tilespmem:$0x16180] =	vst v63  }
0x20: {  	s29 =	simm.s32 $0x0;
	s25 =	sand.u32 $0x7F00, s3;
	_ =	swait.ge [sflag:s16], $0x4E00  }
0x21: {  	s24 =	simm.s32 $0x1;
	s23 =	sand.u32 $0x40, s29;
	[sflag:s16] =	ssyncset.done $0x0  }
0x22: {  	s24 =	simm.s32 @!p1 $0x0;
	s23 =	sor.u32 s23, s25;
	[sflag:s16] =	ssyncadd.s32 $0xFFFFB200  }
0x23: {  	s24 =	sshll.u32 s24, $0x6;
	v0 =	vld [tilespmem:s23+$0xC3B0]  }
0x24: {  	s24 =	sadd.s32 $0x0, s24;
	v1 =	vld [tilespmem:s23+$0xC3A0]  }
0x25: {  	s30 =	sadd.s32 $0x10, s24;
	v2 =	vld [tilespmem:s23+$0xC380]  }
0x26: {  	s25 =	sor.u32 $0x80, s30;
	v3 =	vld [tilespmem:s23+$0xC390]  }
0x27: {  	s31 =	sor.u32 $0x80, s24;
	s26 =	sadd.s32 $0x20, s24;
	v4 =	vld [tilespmem:s25+$0xC380]  }
0x28: {  	s24 =	sadd.s32 $0x30, s24;
	s26 =	sor.u32 $0x80, s26;
	v5 =	vld [tilespmem:s31+$0xC380]  }
0x29: {  	s28 =	sor.u32 $0x80, s24;
	v6 =	vld [tilespmem:s26+$0xC380]  }
0x2a: {  	v7 =	vld [tilespmem:s28+$0xC380]  }
0x2b: {  	v8 =	vld.idx.msk [tilespmem:v0+s3+$0x0], $0xffff  }
0x2c: {  	v1 =	vld.idx.msk [tilespmem:v1+s3+$0x0], $0xffff  }
0x2d: {  	v0 =	vld.idx.msk [tilespmem:v2+s3+$0x0], $0xffff  }
0x2e: {  	v2 =	vld.idx.msk [tilespmem:v3+s3+$0x0], $0xffff  }
0x2f: {  	v3 =	vld.idx.msk [tilespmem:v4+s3+$0x0], $0xffff  }
0x30: {  	v4 =	vld.idx.msk [tilespmem:v5+s3+$0x0], $0xffff  }
0x31: {  	v5 =	vld.idx.msk [tilespmem:v6+s3+$0x0], $0xffff  }
0x32: {  	v6 =	vld.idx.msk [tilespmem:v7+s3+$0x0], $0xffff;
	_ =	sdelay $0x1  }
0x33: {  	p1 =	por !p1, !p1  }
0x34: {  	s24 =	simm.s32 $0x80;
	s23 =	simm.s32 $0x40;
	s25 =	simm.s32 $0x1;
	v2 =	vsub.bf16 v2, v3  }
0x35: {  	s28 =	sand.u32 $0x7F00, s24;
	s29 =	sand.u32 $0x40, s23;
	s25 =	simm.s32 @!p1 $0x0;
	v3 =	vsub.bf16 v0, v4;
	v1 =	vsub.bf16 v1, v5  }
0x36: {  	s26 =	sor.u32 s29, s28;
	s25 =	sshll.u32 s25, $0x6;
	v4 =	vsub.bf16 v8, v6;
	v5 =	vshll.u32 v2, $0x10  }
0x37: {  	s25 =	sadd.s32 $0x80, s25;
	v9 =	vld [tilespmem:s26+$0xC3A0];
	v6 =	vshll.u32 v3, $0x10;
	v2 =	vand.u32 $0xFFFF0000, v2;
	v7 =	vshll.u32 v1, $0x10  }
0x38: {  	v10 =	vld [tilespmem:s26+$0xC380];
	s30 =	sadd.s32 $0x30, s25;
	v1 =	vand.u32 $0xFFFF0000, v1;
	v6 =	vmul.f32 v6, v6;
	v5 =	vmul.f32 v5, v5  }
0x39: {  	s29 =	sadd.s32 $0x20, s25;
	s31 =	sadd.s32 $0x10, s25;
	s25 =	sor.u32 $0x80, s25;
	v8 =	vld [tilespmem:s26+$0xC3B0];
	v3 =	vand.u32 $0xFFFF0000, v3;
	v2 =	vmul.f32 v2, v2;
	v1 =	vmul.f32 v1, v1  }
0x3a: {  	v17 =	vld [tilespmem:s25+$0xC380];
	v7 =	vmul.f32 v7, v7;
	v12 =	vmul.f32 v3, v3  }
0x3b: {  	s28 =	sor.u32 $0x80, s30;
	v11 =	vand.u32 $0xFFFF0000, v4;
	v3 =	vadd.f32 v2, v5;
	v5 =	vld [tilespmem:s26+$0xC390]  }
0x3c: {  	s29 =	sor.u32 $0x80, s29;
	v2 =	vshll.u32 v4, $0x10;
	v1 =	vadd.f32 v1, v7;
	v7 =	vld [tilespmem:s28+$0xC380];
	v4 =	vadd.f32 v12, v6  }
0x3d: {  	v11 =	vmul.f32 v11, v11;
	s26 =	sor.u32 $0x80, s31;
	v12 =	vld [tilespmem:s29+$0xC380];
	v2 =	vmul.f32 v2, v2;
	v6 =	vmax.f32 v3, $1.000000000e-30  }
0x3e: {  	v15 =	vld [tilespmem:s26+$0xC380];
	v16 =	vmax.f32 v4, $1.000000000e-30;
	v13 =	vshra.s32 v6, $0x1;
	v14 =	vmul.f32 $5.000000000e-01, v6  }
0x3f: {  	v21 =	vld.idx.msk [tilespmem:v9+s3+$0x0], $0xffff;
	v6 =	vmax.f32 v1, $1.000000000e-30;
	v2 =	vadd.f32 v11, v2;
	v18 =	vshra.s32 v16, $0x1  }
0x40: {  	v10 =	vld.idx.msk [tilespmem:v10+s3+$0x0], $0xffff;
	v16 =	vmul.f32 $5.000000000e-01, v16;
	v13 =	vsub.s32 $0x5F3759DF, v13;
	v20 =	vshra.s32 v6, $0x1  }
0x41: {  	v19 =	vld.idx.msk [tilespmem:v8+s3+$0x0], $0xffff;
	v9 =	vsub.s32 $0x5F3759DF, v18;
	v11 =	vmul.f32 v13, v14;
	v8 =	vmax.f32 v2, $1.000000000e-30  }
0x42: {  	v17 =	vld.idx.msk [tilespmem:v17+s3+$0x0], $0xffff;
	v18 =	vmul.f32 v9, v16;
	v22 =	vshra.s32 v8, $0x1;
	v23 =	vmul.f32 $5.000000000e-01, v8  }
0x43: {  	v8 =	vmul.f32 $5.000000000e-01, v6;
	v11 =	vmul.f32 v13, v11;
	v22 =	vsub.s32 $0x5F3759DF, v22;
	v5 =	vld.idx.msk [tilespmem:v5+s3+$0x0], $0xffff  }
0x44: {  	v20 =	vsub.s32 $0x5F3759DF, v20;
	v6 =	vmul.f32 v9, v18;
	v24 =	vld.idx.msk [tilespmem:v7+s3+$0x0], $0xffff;
	v7 =	vmul.f32 v22, v23  }
0x45: {  	v0 =	vimm.f32 $0.0e+00;
	v25 =	vld.idx.msk [tilespmem:v12+s3+$0x0], $0xffff;
	v12 =	vmul.f32 v20, v8;
	v11 =	vsub.f32 $1.500000000e+00, v11  }
0x46: {  	v18 =	vadd.f32 v4, v0;
	v15 =	vld.idx.msk [tilespmem:v15+s3+$0x0], $0xffff;
	v26 =	vsub.f32 $1.500000000e+00, v6;
	v7 =	vmul.f32 v22, v7  }
0x47: {  	v12 =	vmul.f32 v20, v12;
	v6 =	vmul.f32 v13, v11  }
0x48: {  	v17 =	vsub.bf16 v10, v17;
	v18 =	vadd.f32 v3, v18;
	v11 =	vmul.f32 v9, v26  }
0x49: {  	v9 =	vsub.f32 $1.500000000e+00, v7;
	v13 =	vmul.f32 v6, v14;
	v14 =	vsub.f32 $1.500000000e+00, v12  }
0x4a: {  	v7 =	vadd.f32 v1, v18;
	v12 =	vsub.bf16 v19, v24;
	v16 =	vmul.f32 v11, v16  }
0x4b: {  	v9 =	vmul.f32 v22, v9;
	v15 =	vsub.bf16 v5, v15;
	v5 =	vmul.f32 v20, v14  }
0x4c: {  	v21 =	vsub.bf16 v21, v25;
	v20 =	vmul.f32 v16, v11;
	v10 =	vmul.f32 v13, v6  }
0x4d: {  	v13 =	vshll.u32 v17, $0x10;
	v16 =	vand.u32 $0xFFFF0000, v17;
	v18 =	vshll.u32 v15, $0x10  }
0x4e: {  	v14 =	vand.u32 $0xFFFF0000, v15;
	v19 =	vmul.f32 v9, v23;
	v13 =	vmul.f32 v13, v13  }
0x4f: {  	p1 =	por !p1, !p1;
	v15 =	vshll.u32 v21, $0x10;
	v17 =	vsub.f32 $1.500000000e+00, v20;
	v20 =	vand.u32 $0xFFFF0000, v21  }
.LBB2_2:
0x50: {  	s25 =	simm.s32 $0x1  }
0x51: {  	s23 =	sadd.s32 $0x40, s23;
	v18 =	vmul.f32 v18, v18;
	v21 =	vshll.u32 v12, $0x10;
	s24 =	sadd.s32 $0x80, s24;
	v19 =	vmul.f32 v19, v9;
	s25 =	simm.s32 @!p1 $0x0  }
0x52: {  	v20 =	vmul.f32 v20, v20;
	v12 =	vand.u32 $0xFFFF0000, v12;
	v11 =	vmul.f32 v17, v11;
	s26 =	sand.u32 $0x40, s23;
	s28 =	sand.u32 $0x7F00, s24;
	s25 =	sshll.u32 s25, $0x6  }
0x53: {  	v16 =	vmul.f32 v16, v16;
	v14 =	vmul.f32 v14, v14;
	p2 =	slt.u32 s23, $0x26C0;
	s26 =	sor.u32 s26, s28;
	v17 =	vsub.f32 $1.500000000e+00, v19;
	s25 =	sadd.s32 s25, s24  }
0x54: {  	v15 =	vmul.f32 v15, v15;
	v7 =	vadd.f32 v2, v7;
	v12 =	vmul.f32 v12, v12;
	s28 =	sor.u32 $0x80, s25;
	s29 =	sadd.s32 $0x10, s25;
	s30 =	sadd.s32 $0x20, s25;
	v19 =	vld [tilespmem:s26+$0xC3B0]  }
0x55: {  	v13 =	vadd.f32 v16, v13;
	v14 =	vadd.f32 v14, v18;
	s25 =	sadd.s32 $0x30, s25;
	v9 =	vmul.f32 v17, v9;
	s29 =	sor.u32 $0x80, s29;
	v22 =	vld [tilespmem:s26+$0xC3A0];
	s30 =	sor.u32 $0x80, s30  }
0x56: {  	v10 =	vsub.f32 $1.500000000e+00, v10;
	v8 =	vmul.f32 v5, v8;
	v15 =	vadd.f32 v20, v15;
	s25 =	sor.u32 $0x80, s25;
	v16 =	vld [tilespmem:s26+$0xC380]  }
0x57: {  	v11 =	vmul.f32 v11, v4;
	v7 =	vadd.f32 v13, v7;
	v18 =	vmax.f32 v14, $1.000000000e-30;
	v4 =	vmovc v13;
	v17 =	vld [tilespmem:s26+$0xC390]  }
0x58: {  	v23 =	vmax.f32 v15, $1.000000000e-30;
	v20 =	vshra.s32 v18, $0x1;
	v18 =	vmul.f32 $5.000000000e-01, v18;
	v13 =	vld [tilespmem:s25+$0xC380]  }
0x59: {  	v21 =	vmul.f32 v21, v21;
	v25 =	vmax.f32 v4, $1.000000000e-30;
	v20 =	vsub.s32 $0x5F3759DF, v20;
	v24 =	vld [tilespmem:s30+$0xC380]  }
0x5a: {  	v8 =	vmul.f32 v8, v5;
	v28 =	vshra.s32 v23, $0x1;
	v27 =	vmul.f32 v20, v18;
	v26 =	vld [tilespmem:s29+$0xC380]  }
0x5b: {  	v6 =	vmul.f32 v10, v6;
	v12 =	vadd.f32 v12, v21;
	v30 =	vshra.s32 v25, $0x1;
	v29 =	vld [tilespmem:s28+$0xC380]  }
0x5c: {  	v8 =	vsub.f32 $1.500000000e+00, v8;
	v21 =	vsub.s32 $0x5F3759DF, v28;
	v10 =	vld.idx.msk [tilespmem:v19+s3+$0x0], $0xffff;
	v19 =	vmul.f32 $5.000000000e-01, v25  }
0x5d: {  	v6 =	vmul.f32 v6, v3;
	v3 =	vmovc v14;
	v28 =	vmax.f32 v12, $1.000000000e-30;
	v25 =	vsub.s32 $0x5F3759DF, v30;
	v22 =	vld.idx.msk [tilespmem:v22+s3+$0x0], $0xffff  }
0x5e: {  	v0 =	vadd.f32 v11, v0;
	v27 =	vmul.f32 v20, v27;
	v14 =	vld.idx.msk [tilespmem:v16+s3+$0x0], $0xffff;
	v16 =	vmul.f32 v25, v19  }
0x5f: {  	v5 =	vmul.f32 v8, v5;
	v11 =	vshra.s32 v28, $0x1;
	v28 =	vmul.f32 $5.000000000e-01, v28;
	v17 =	vld.idx.msk [tilespmem:v17+s3+$0x0], $0xffff  }
0x60: {  	v8 =	vmul.f32 $5.000000000e-01, v23;
	v23 =	vsub.s32 $0x5F3759DF, v11;
	v13 =	vld.idx.msk [tilespmem:v13+s3+$0x0], $0xffff;
	v16 =	vmul.f32 v25, v16  }
0x61: {  	v0 =	vadd.f32 v6, v0;
	v5 =	vmul.f32 v5, v1;
	v11 =	vmul.f32 v23, v28;
	v24 =	vld.idx.msk [tilespmem:v24+s3+$0x0], $0xffff  }
0x62: {  	v9 =	vmul.f32 v9, v2;
	v1 =	vmovc v15;
	v6 =	vsub.f32 $1.500000000e+00, v27;
	v27 =	vmul.f32 v21, v8;
	v26 =	vld.idx.msk [tilespmem:v26+s3+$0x0], $0xffff  }
0x63: {  	v2 =	vmovc v12;
	v0 =	vadd.f32 v5, v0;
	v16 =	vsub.f32 $1.500000000e+00, v16;
	v15 =	vld.idx.msk [tilespmem:v29+s3+$0x0], $0xffff;
	v29 =	vmul.f32 v23, v11  }
0x64: {  	v5 =	vadd.f32 v3, v7;
	v6 =	vmul.f32 v20, v6;
	v12 =	vmul.f32 v21, v27  }
0x65: {  	v0 =	vadd.f32 v9, v0;
	v11 =	vmul.f32 v25, v16;
	v16 =	vsub.f32 $1.500000000e+00, v29  }
0x66: {  	v7 =	vadd.f32 v1, v5;
	v18 =	vmul.f32 v6, v18;
	v5 =	vsub.f32 $1.500000000e+00, v12  }
0x67: {  	v12 =	vsub.bf16 v10, v13;
	v10 =	vmul.f32 v11, v19;
	v9 =	vmul.f32 v23, v16  }
.Ltmp2:
0x68: {  	v5 =	vmul.f32 v21, v5;
	v20 =	vsub.bf16 v22, v24;
	v13 =	vsub.bf16 v17, v26;
	(pc) =	sbr.rel @p2 .LBB2_2-.Ltmp2, $4  }
0x69: {  	v15 =	vsub.bf16 v14, v15;
	v17 =	vmul.f32 v10, v11;
	v10 =	vmul.f32 v18, v6  }
0x6a: {  	v18 =	vshll.u32 v13, $0x10;
	v14 =	vand.u32 $0xFFFF0000, v13;
	v19 =	vmul.f32 v9, v28  }
0x6b: {  	v13 =	vshll.u32 v15, $0x10;
	v16 =	vand.u32 $0xFFFF0000, v15;
	v17 =	vsub.f32 $1.500000000e+00, v17  }
0x6c: {  	p1 =	por !p1, !p1;
	v15 =	vshll.u32 v20, $0x10;
	v20 =	vand.u32 $0xFFFF0000, v20;
	v13 =	vmul.f32 v13, v13  }
0x6d: {  	v18 =	vmul.f32 v18, v18  }
0x6e: {  	v19 =	vmul.f32 v19, v9;
	v20 =	vmul.f32 v20, v20  }
0x6f: {  	v21 =	vshll.u32 v12, $0x10;
	v14 =	vmul.f32 v14, v14;
	v16 =	vmul.f32 v16, v16  }
0x70: {  	v12 =	vand.u32 $0xFFFF0000, v12;
	v11 =	vmul.f32 v17, v11;
	v15 =	vmul.f32 v15, v15  }
0x71: {  	v10 =	vsub.f32 $1.500000000e+00, v10;
	v8 =	vmul.f32 v5, v8;
	v19 =	vsub.f32 $1.500000000e+00, v19  }
0x72: {  	v12 =	vmul.f32 v12, v12;
	v14 =	vadd.f32 v14, v18;
	v13 =	vadd.f32 v16, v13  }
0x73: {  	v15 =	vadd.f32 v20, v15;
	v11 =	vmul.f32 v11, v4;
	v8 =	vmul.f32 v8, v5  }
0x74: {  	s23 =	simm.s32 $0x0;
	p1 =	por $0x0, $0x0;
	s24 =	simm.s32 $0x1;
	v6 =	vmul.f32 v10, v6;
	v9 =	vmul.f32 v19, v9;
	v16 =	vmax.f32 v14, $1.000000000e-30  }
0x75: {  	[tilespmem:s13], [sflag:$0x2] =	stream.linear.gather [hbm4b:s7+s23], $0x4E00, $0x38;
	v17 =	vmax.f32 v15, $1.000000000e-30;
	v18 =	vmax.f32 v13, $1.000000000e-30;
	v19 =	vmul.f32 v21, v21;
	[tilespmem:$0x16180] =	vst v63  }
0x76: {  	s25 =	simm.s32 $0x0;
	s24 =	simm.s32 @!p1 $0x0;
	_ =	swait.ge [sflag:s17], $0x4E00;
	v8 =	vsub.f32 $1.500000000e+00, v8;
	v20 =	vshra.s32 v18, $0x1;
	v18 =	vmul.f32 $5.000000000e-01, v18  }
0x77: {  	s25 =	sand.u32 $0x40, s25;
	s23 =	sand.u32 $0x7F00, s23;
	[sflag:s17] =	ssyncset.done $0x0;
	v3 =	vmul.f32 v6, v3;
	v4 =	vshra.s32 v16, $0x1;
	v20 =	vsub.s32 $0x5F3759DF, v20  }
0x78: {  	s24 =	sshll.u32 s24, $0x6;
	s23 =	sor.u32 s25, s23;
	[sflag:s17] =	ssyncadd.s32 $0xFFFFB200;
	v16 =	vmul.f32 $5.000000000e-01, v16;
	v55 =	vsub.s32 $0x5F3759DF, v4;
	v10 =	vmul.f32 v20, v18  }
0x79: {  	s24 =	sadd.s32 $0x0, s24;
	v22 =	vld [tilespmem:s23+$0x11180];
	v4 =	vadd.f32 v12, v19;
	v19 =	vshra.s32 v17, $0x1;
	v17 =	vmul.f32 $5.000000000e-01, v17  }
0x7a: {  	s30 =	sor.u32 $0x80, s24;
	v0 =	vadd.f32 v11, v0;
	v5 =	vmul.f32 v8, v5;
	v6 =	vmul.f32 v20, v10  }
0x7b: {  	v12 =	vmul.f32 v55, v16;
	v19 =	vsub.s32 $0x5F3759DF, v19;
	v23 =	vmax.f32 v4, $1.000000000e-30;
	v10 =	vld [tilespmem:s30+$0x11180]  }
0x7c: {  	s31 =	sadd.s32 $0x10, s24;
	v24 =	vshra.s32 v23, $0x1;
	v23 =	vmul.f32 $5.000000000e-01, v23;
	v6 =	vsub.f32 $1.500000000e+00, v6  }
0x7d: {  	s25 =	sor.u32 $0x80, s31;
	v11 =	vmul.f32 v19, v17;
	v12 =	vmul.f32 v55, v12;
	v24 =	vsub.s32 $0x5F3759DF, v24  }
0x7e: {  	s26 =	sadd.s32 $0x20, s24;
	s23 =	sadd.s32 $0x11180, s23;
	v25 =	vld [tilespmem:s25+$0x11180];
	v0 =	vadd.f32 v3, v0;
	v8 =	vmul.f32 v24, v23;
	v6 =	vmul.f32 v20, v6  }
0x7f: {  	s26 =	sor.u32 $0x80, s26;
	v1 =	vmul.f32 v5, v1;
	v3 =	vmul.f32 v19, v11;
	v5 =	vsub.f32 $1.500000000e+00, v12;
	v12 =	vld [tilespmem:s23+$0x10]  }
0x80: {  	v20 =	vld [tilespmem:s26+$0x11180];
	v8 =	vmul.f32 v24, v8;
	v11 =	vmul.f32 v6, v18  }
0x81: {  	v7 =	vadd.f32 v2, v7;
	v2 =	vmul.f32 v9, v2;
	v5 =	vmul.f32 v55, v5;
	v56 =	vld.idx.msk [tilespmem:v22+s3+$0x0], $0xffff  }
0x82: {  	v3 =	vsub.f32 $1.500000000e+00, v3;
	v18 =	vld [tilespmem:s23+$0x20];
	v8 =	vsub.f32 $1.500000000e+00, v8;
	v9 =	vmul.f32 v11, v6  }
0x83: {  	v0 =	vadd.f32 v1, v0;
	v10 =	vld.idx.msk [tilespmem:v10+s3+$0x0], $0xffff;
	v11 =	vmul.f32 v5, v16  }
0x84: {  	s24 =	sadd.s32 $0x30, s24;
	v1 =	vmul.f32 v19, v3;
	v8 =	vmul.f32 v24, v8;
	v3 =	vsub.f32 $1.500000000e+00, v9  }
0x85: {  	v7 =	vadd.f32 v13, v7;
	s28 =	sor.u32 $0x80, s24;
	v9 =	vld [tilespmem:s23+$0x30];
	v11 =	vmul.f32 v11, v5  }
0x86: {  	v0 =	vadd.f32 v2, v0;
	v19 =	vld [tilespmem:s28+$0x11180];
	v16 =	vmul.f32 v8, v23;
	v2 =	vmul.f32 v3, v6  }
0x87: {  	v7 =	vadd.f32 v14, v7;
	v12 =	vld.idx.msk [tilespmem:v12+s3+$0x0], $0xffff;
	v3 =	vmul.f32 v1, v17;
	v11 =	vsub.f32 $1.500000000e+00, v11  }
0x88: {  	v6 =	vld.idx.msk [tilespmem:v25+s3+$0x0], $0xffff;
	v16 =	vmul.f32 v16, v8;
	v10 =	vsub.bf16 v56, v10;
	v2 =	vmul.f32 v2, v13  }
0x89: {  	v7 =	vadd.f32 v15, v7;
	v17 =	vld.idx.msk [tilespmem:v20+s3+$0x0], $0xffff;
	v3 =	vmul.f32 v3, v1;
	v5 =	vmul.f32 v11, v5  }
0x8a: {  	v11 =	vld.idx.msk [tilespmem:v18+s3+$0x0], $0xffff;
	v16 =	vsub.f32 $1.500000000e+00, v16;
	v13 =	vshll.u32 v10, $0x10;
	v10 =	vand.u32 $0xFFFF0000, v10  }
0x8b: {  	v3 =	vsub.f32 $1.500000000e+00, v3;
	v13 =	vmul.f32 v13, v13;
	v10 =	vmul.f32 v10, v10  }
0x8c: {  	v5 =	vmul.f32 v5, v14;
	v0 =	vadd.f32 v2, v0;
	v2 =	vadd.f32 v4, v7  }
0x8d: {  	v8 =	vmul.f32 v16, v8;
	v6 =	vsub.bf16 v12, v6;
	v1 =	vmul.f32 v3, v1;
	v3 =	vld.idx.msk [tilespmem:v9+s3+$0x0], $0xffff  }
0x8e: {  	v7 =	vadd.f32 v10, v13;
	v0 =	vadd.f32 v5, v0;
	v5 =	vld.idx.msk [tilespmem:v19+s3+$0x0], $0xffff  }
0x8f: {  	v4 =	vmul.f32 v8, v4;
	v9 =	vsub.bf16 v11, v17;
	v11 =	vshll.u32 v6, $0x10  }
0x90: {  	v6 =	vand.u32 $0xFFFF0000, v6;
	v1 =	vmul.f32 v1, v15;
	v10 =	vmax.f32 v7, $1.000000000e-30  }
0x91: {  	p1 =	por !p1, !p1;
	s25 =	simm.s32 $0x1;
	v6 =	vmul.f32 v6, v6;
	v12 =	vshra.s32 v10, $0x1;
	v10 =	vmul.f32 $5.000000000e-01, v10  }
0x92: {  	s24 =	simm.s32 $0x80;
	s25 =	simm.s32 @!p1 $0x0;
	s23 =	simm.s32 $0x40;
	v13 =	vand.u32 $0xFFFF0000, v9;
	v9 =	vshll.u32 v9, $0x10;
	v12 =	vsub.s32 $0x5F3759DF, v12  }
0x93: {  	s25 =	sshll.u32 s25, $0x6;
	s28 =	sand.u32 $0x7F00, s24;
	s29 =	sand.u32 $0x40, s23;
	v9 =	vmul.f32 v9, v9;
	v14 =	vmul.f32 v12, v10;
	v3 =	vsub.bf16 v3, v5  }
0x94: {  	s25 =	sadd.s32 $0x80, s25;
	s26 =	sor.u32 s29, s28;
	v5 =	vmul.f32 v11, v11;
	v11 =	vadd.f32 v1, v0;
	v0 =	vmul.f32 v13, v13  }
0x95: {  	s30 =	sor.u32 $0x80, s25;
	v8 =	vadd.f32 v7, v2;
	v13 =	vld [tilespmem:s26+$0x11180];
	v14 =	vmul.f32 v12, v14;
	v15 =	vshll.u32 v3, $0x10  }
0x96: {  	s31 =	sadd.s32 $0x20, s25;
	v1 =	vadd.f32 v6, v5;
	v3 =	vand.u32 $0xFFFF0000, v3;
	v5 =	vld [tilespmem:s30+$0x11180];
	v2 =	vadd.f32 v0, v9  }
0x97: {  	s29 =	sadd.s32 $0x10, s25;
	s28 =	sor.u32 $0x80, s31;
	v6 =	vmul.f32 v15, v15;
	v3 =	vmul.f32 v3, v3;
	v14 =	vsub.f32 $1.500000000e+00, v14  }
0x98: {  	s29 =	sor.u32 $0x80, s29;
	v16 =	vld [tilespmem:s28+$0x11180];
	v4 =	vadd.f32 v4, v11;
	v15 =	vmax.f32 v1, $1.000000000e-30;
	v8 =	vadd.f32 v1, v8  }
0x99: {  	s26 =	sadd.s32 $0x11180, s26;
	v9 =	vld [tilespmem:s29+$0x11180];
	v0 =	vadd.f32 v3, v6;
	v6 =	vmax.f32 v2, $1.000000000e-30;
	v12 =	vmul.f32 v12, v14  }
0x9a: {  	s25 =	sadd.s32 $0x30, s25;
	v3 =	vshra.s32 v15, $0x1;
	v15 =	vmul.f32 $5.000000000e-01, v15;
	v14 =	vld [tilespmem:s26+$0x10];
	v18 =	vshra.s32 v6, $0x1  }
0x9b: {  	s25 =	sor.u32 $0x80, s25;
	v17 =	vld [tilespmem:s26+$0x20];
	v6 =	vmul.f32 $5.000000000e-01, v6;
	v3 =	vsub.s32 $0x5F3759DF, v3;
	v10 =	vmul.f32 v12, v10  }
0x9c: {  	v60 =	vld [tilespmem:s25+$0x11180];
	v19 =	vmax.f32 v0, $1.000000000e-30;
	v18 =	vsub.s32 $0x5F3759DF, v18;
	v58 =	vmul.f32 v3, v15  }
0x9d: {  	v57 =	vshra.s32 v19, $0x1;
	v19 =	vmul.f32 $5.000000000e-01, v19;
	v13 =	vld.idx.msk [tilespmem:v13+s3+$0x0], $0xffff;
	v10 =	vmul.f32 v10, v12  }
0x9e: {  	v59 =	vmul.f32 v18, v6;
	v21 =	vsub.s32 $0x5F3759DF, v57;
	v11 =	vmul.f32 v3, v58;
	v5 =	vld.idx.msk [tilespmem:v5+s3+$0x0], $0xffff  }
0x9f: {  	v20 =	vld [tilespmem:s26+$0x30];
	v61 =	vmul.f32 v21, v19;
	v10 =	vsub.f32 $1.500000000e+00, v10  }
0xa0: {  	v16 =	vld.idx.msk [tilespmem:v16+s3+$0x0], $0xffff;
	v8 =	vadd.f32 v2, v8;
	v62 =	vmul.f32 v18, v59;
	v11 =	vsub.f32 $1.500000000e+00, v11  }
0xa1: {  	v9 =	vld.idx.msk [tilespmem:v9+s3+$0x0], $0xffff;
	v10 =	vmul.f32 v10, v12;
	v12 =	vmul.f32 v21, v61  }
0xa2: {  	v63 =	vadd.f32 v0, v8;
	v22 =	vsub.f32 $1.500000000e+00, v62;
	v8 =	vmul.f32 v3, v11;
	v14 =	vld.idx.msk [tilespmem:v14+s3+$0x0], $0xffff  }
0xa3: {  	v17 =	vld.idx.msk [tilespmem:v17+s3+$0x0], $0xffff;
	v13 =	vsub.bf16 v13, v5;
	v10 =	vmul.f32 v10, v7;
	v7 =	vsub.f32 $1.500000000e+00, v12  }
0xa4: {  	v5 =	vmul.f32 v18, v22;
	v12 =	vmul.f32 v8, v15  }
0xa5: {  	v3 =	vshll.u32 v13, $0x10;
	v11 =	vand.u32 $0xFFFF0000, v13;
	v7 =	vmul.f32 v21, v7  }
0xa6: {  	v3 =	vmul.f32 v3, v3;
	v11 =	vmul.f32 v11, v11  }
0xa7: {  	v6 =	vmul.f32 v5, v6;
	v4 =	vadd.f32 v10, v4;
	v9 =	vsub.bf16 v14, v9;
	v14 =	vld.idx.msk [tilespmem:v60+s3+$0x0], $0xffff  }
0xa8: {  	v18 =	vmul.f32 v7, v19;
	v3 =	vadd.f32 v11, v3;
	v19 =	vsub.bf16 v17, v16;
	v11 =	vld.idx.msk [tilespmem:v20+s3+$0x0], $0xffff  }
0xa9: {  	v10 =	vshll.u32 v9, $0x10;
	v17 =	vand.u32 $0xFFFF0000, v9;
	v9 =	vmul.f32 v6, v5  }
0xaa: {  	v16 =	vmax.f32 v3, $1.000000000e-30;
	v6 =	vadd.f32 v3, v63;
	v13 =	vand.u32 $0xFFFF0000, v19  }
0xab: {  	p1 =	por !p1, !p1;
	v19 =	vshll.u32 v19, $0x10;
	v18 =	vmul.f32 v18, v7;
	v15 =	vshra.s32 v16, $0x1  }
.LBB2_4:
0xac: {  	s25 =	simm.s32 $0x1  }
0xad: {  	s23 =	sadd.s32 $0x40, s23;
	v17 =	vmul.f32 v17, v17;
	v19 =	vmul.f32 v19, v19;
	v11 =	vsub.bf16 v11, v14;
	s24 =	sadd.s32 $0x80, s24;
	s25 =	simm.s32 @!p1 $0x0  }
0xae: {  	v14 =	vmul.f32 $5.000000000e-01, v16;
	v12 =	vmul.f32 v12, v8;
	s26 =	sand.u32 $0x40, s23;
	s28 =	sand.u32 $0x7F00, s24;
	v16 =	vsub.f32 $1.500000000e+00, v18;
	s25 =	sshll.u32 s25, $0x6  }
0xaf: {  	v15 =	vsub.s32 $0x5F3759DF, v15;
	v10 =	vmul.f32 v10, v10;
	v13 =	vmul.f32 v13, v13;
	p2 =	slt.u32 s23, $0x26C0;
	s26 =	sor.u32 s26, s28;
	s25 =	sadd.s32 s25, s24  }
0xb0: {  	v9 =	vsub.f32 $1.500000000e+00, v9;
	v20 =	vmul.f32 v15, v14;
	v21 =	vshll.u32 v11, $0x10;
	s28 =	sadd.s32 $0x11180, s26;
	v18 =	vld [tilespmem:s26+$0x11180];
	s26 =	sor.u32 $0x80, s25;
	s29 =	sadd.s32 $0x30, s25  }
0xb1: {  	v10 =	vadd.f32 v17, v10;
	v11 =	vand.u32 $0xFFFF0000, v11;
	v12 =	vsub.f32 $1.500000000e+00, v12;
	s30 =	sadd.s32 $0x10, s25;
	s25 =	sadd.s32 $0x20, s25;
	v22 =	vld [tilespmem:s28+$0x30];
	s29 =	sor.u32 $0x80, s29  }
0xb2: {  	v13 =	vadd.f32 v13, v19;
	v7 =	vmul.f32 v16, v7;
	v20 =	vmul.f32 v15, v20;
	s25 =	sor.u32 $0x80, s25;
	v17 =	vld [tilespmem:s26+$0x11180];
	s26 =	sor.u32 $0x80, s30  }
0xb3: {  	v21 =	vmul.f32 v21, v21;
	v19 =	vmax.f32 v10, $1.000000000e-30;
	v8 =	vmul.f32 v12, v8;
	v16 =	vld [tilespmem:s26+$0x11180]  }
0xb4: {  	v5 =	vmul.f32 v9, v5;
	v11 =	vmul.f32 v11, v11;
	v20 =	vsub.f32 $1.500000000e+00, v20;
	v12 =	vld [tilespmem:s29+$0x11180]  }
0xb5: {  	v6 =	vadd.f32 v10, v6;
	v24 =	vmax.f32 v13, $1.000000000e-30;
	v23 =	vshra.s32 v19, $0x1;
	v9 =	vld [tilespmem:s25+$0x11180]  }
0xb6: {  	v5 =	vmul.f32 v5, v2;
	v2 =	vmovc v13;
	v11 =	vadd.f32 v11, v21;
	v15 =	vmul.f32 v15, v20;
	v25 =	vld [tilespmem:s28+$0x10]  }
0xb7: {  	v19 =	vmul.f32 $5.000000000e-01, v19;
	v6 =	vadd.f32 v2, v6;
	v20 =	vshra.s32 v24, $0x1;
	v13 =	vld [tilespmem:s28+$0x20]  }
0xb8: {  	v8 =	vmul.f32 v8, v1;
	v1 =	vmovc v10;
	v21 =	vmax.f32 v11, $1.000000000e-30;
	v14 =	vmul.f32 v15, v14;
	v18 =	vld.idx.msk [tilespmem:v18+s3+$0x0], $0xffff  }
0xb9: {  	v10 =	vmul.f32 $5.000000000e-01, v24;
	v24 =	vshra.s32 v21, $0x1;
	v21 =	vmul.f32 $5.000000000e-01, v21  }
0xba: {  	v23 =	vsub.s32 $0x5F3759DF, v23;
	v20 =	vsub.s32 $0x5F3759DF, v20;
	v14 =	vmul.f32 v14, v15;
	v17 =	vld.idx.msk [tilespmem:v17+s3+$0x0], $0xffff  }
0xbb: {  	v26 =	vmul.f32 v23, v19;
	v24 =	vsub.s32 $0x5F3759DF, v24;
	v27 =	vmul.f32 v20, v10;
	v16 =	vld.idx.msk [tilespmem:v16+s3+$0x0], $0xffff  }
0xbc: {  	v4 =	vadd.f32 v8, v4;
	v28 =	vmul.f32 v24, v21;
	v14 =	vsub.f32 $1.500000000e+00, v14  }
0xbd: {  	v6 =	vadd.f32 v11, v6;
	v8 =	vmul.f32 v23, v26;
	v26 =	vmul.f32 v20, v27;
	v9 =	vld.idx.msk [tilespmem:v9+s3+$0x0], $0xffff  }
0xbe: {  	v4 =	vadd.f32 v5, v4;
	v14 =	vmul.f32 v14, v15;
	v15 =	vmul.f32 v24, v28;
	v25 =	vld.idx.msk [tilespmem:v25+s3+$0x0], $0xffff  }
0xbf: {  	v7 =	vmul.f32 v7, v0;
	v0 =	vmovc v11;
	v5 =	vsub.f32 $1.500000000e+00, v8;
	v26 =	vsub.f32 $1.500000000e+00, v26;
	v13 =	vld.idx.msk [tilespmem:v13+s3+$0x0], $0xffff  }
0xc0: {  	v3 =	vmul.f32 v14, v3;
	v14 =	vsub.f32 $1.500000000e+00, v15;
	v11 =	vsub.bf16 v18, v17  }
0xc1: {  	v4 =	vadd.f32 v7, v4;
	v8 =	vmul.f32 v23, v5;
	v5 =	vmul.f32 v20, v26  }
0xc2: {  	v7 =	vmul.f32 v24, v14;
	v15 =	vshll.u32 v11, $0x10;
	v17 =	vand.u32 $0xFFFF0000, v11;
	v11 =	vld.idx.msk [tilespmem:v22+s3+$0x0], $0xffff  }
0xc3: {  	v4 =	vadd.f32 v3, v4;
	v15 =	vmul.f32 v15, v15;
	v17 =	vmul.f32 v17, v17;
	v14 =	vld.idx.msk [tilespmem:v12+s3+$0x0], $0xffff  }
.Ltmp3:
0xc4: {  	v18 =	vmul.f32 v5, v10;
	v20 =	vmul.f32 v7, v21;
	v16 =	vsub.bf16 v25, v16;
	(pc) =	sbr.rel @p2 .LBB2_4-.Ltmp3, $4  }
0xc5: {  	v12 =	vmul.f32 v8, v19;
	v3 =	vadd.f32 v17, v15;
	v21 =	vsub.bf16 v13, v9  }
0xc6: {  	v9 =	vmul.f32 v18, v5;
	v10 =	vshll.u32 v16, $0x10;
	v17 =	vand.u32 $0xFFFF0000, v16  }
0xc7: {  	v16 =	vmax.f32 v3, $1.000000000e-30;
	v6 =	vadd.f32 v3, v6;
	v13 =	vand.u32 $0xFFFF0000, v21  }
0xc8: {  	p1 =	por !p1, !p1;
	v18 =	vmul.f32 v20, v7;
	v19 =	vshll.u32 v21, $0x10;
	v15 =	vshra.s32 v16, $0x1  }
0xc9: {  	v17 =	vmul.f32 v17, v17  }
0xca: {  	v19 =	vmul.f32 v19, v19;
	v11 =	vsub.bf16 v11, v14;
	v14 =	vmul.f32 $5.000000000e-01, v16  }
0xcb: {  	v12 =	vmul.f32 v12, v8;
	v15 =	vsub.s32 $0x5F3759DF, v15;
	v10 =	vmul.f32 v10, v10  }
0xcc: {  	v13 =	vmul.f32 v13, v13;
	v9 =	vsub.f32 $1.500000000e+00, v9;
	v16 =	vsub.f32 $1.500000000e+00, v18  }
0xcd: {  	v18 =	vmul.f32 v15, v14;
	v20 =	vshll.u32 v11, $0x10;
	v10 =	vadd.f32 v17, v10  }
0xce: {  	v11 =	vand.u32 $0xFFFF0000, v11;
	v12 =	vsub.f32 $1.500000000e+00, v12;
	v5 =	vmul.f32 v9, v5  }
0xcf: {  	s23 =	simm.s32 $0x0;
	p1 =	por $0x0, $0x0;
	v13 =	vadd.f32 v13, v19;
	v16 =	vmul.f32 v16, v7;
	v11 =	vmul.f32 v11, v11  }
0xd0: {  	[tilespmem:s15], [sflag:$0x3] =	stream.linear.gather [hbm4b:s8+s23], $0x4E00, $0x38;
	v17 =	vmul.f32 v15, v18;
	v7 =	vmax.f32 v10, $1.000000000e-30;
	v18 =	vmul.f32 v20, v20;
	[tilespmem:$0x16180] =	vst v63  }
0xd1: {  	s24 =	simm.s32 $0x0;
	s25 =	simm.s32 $0x1;
	_ =	swait.ge [sflag:s16], $0x4E00;
	v21 =	vmax.f32 v13, $1.000000000e-30;
	v19 =	vshra.s32 v7, $0x1;
	v20 =	vmul.f32 $5.000000000e-01, v7  }
0xd2: {  	s24 =	sand.u32 $0x40, s24;
	s23 =	sand.u32 $0x7F00, s23;
	[sflag:s16] =	ssyncset.done $0x0;
	v17 =	vsub.f32 $1.500000000e+00, v17;
	v7 =	vadd.f32 v11, v18;
	v11 =	vsub.s32 $0x5F3759DF, v19  }
0xd3: {  	s25 =	simm.s32 @!p1 $0x0;
	s23 =	sor.u32 s24, s23;
	[sflag:s16] =	ssyncadd.s32 $0xFFFFB200;
	v18 =	vshra.s32 v21, $0x1;
	v19 =	vmul.f32 $5.000000000e-01, v21;
	v21 =	vmul.f32 v11, v20  }
0xd4: {  	s29 =	sshll.u32 s25, $0x6;
	v8 =	vmul.f32 v12, v8;
	v26 =	vld [tilespmem:s23+$0xC390];
	v12 =	vmul.f32 v15, v17;
	v15 =	vsub.s32 $0x5F3759DF, v18  }
0xd5: {  	s24 =	sadd.s32 $0x0, s29;
	v17 =	vld [tilespmem:s23+$0xC3B0];
	v18 =	vmax.f32 v7, $1.000000000e-30;
	v22 =	vmul.f32 v15, v19;
	v21 =	vmul.f32 v11, v21  }
0xd6: {  	s30 =	sadd.s32 $0x10, s24;
	v2 =	vmul.f32 v5, v2;
	v23 =	vld [tilespmem:s23+$0xC3A0];
	v24 =	vshra.s32 v18, $0x1;
	v18 =	vmul.f32 $5.000000000e-01, v18  }
0xd7: {  	v25 =	vld [tilespmem:s23+$0xC380];
	s25 =	sor.u32 $0x80, s30;
	v24 =	vsub.s32 $0x5F3759DF, v24;
	v22 =	vmul.f32 v15, v22;
	v21 =	vsub.f32 $1.500000000e+00, v21  }
0xd8: {  	s31 =	sor.u32 $0x80, s24;
	s26 =	sadd.s32 $0x20, s24;
	v27 =	vld [tilespmem:s25+$0xC380];
	v14 =	vmul.f32 v12, v14;
	v9 =	vmul.f32 v24, v18  }
0xd9: {  	s24 =	sadd.s32 $0x30, s24;
	s26 =	sor.u32 $0x80, s26;
	v1 =	vmul.f32 v8, v1;
	v22 =	vsub.f32 $1.500000000e+00, v22;
	v11 =	vmul.f32 v11, v21;
	v21 =	vld [tilespmem:s31+$0xC380]  }
0xda: {  	s28 =	sor.u32 $0x80, s24;
	v14 =	vmul.f32 v14, v12;
	v8 =	vmul.f32 v24, v9;
	v9 =	vld [tilespmem:s26+$0xC380]  }
0xdb: {  	v1 =	vadd.f32 v1, v4;
	v15 =	vmul.f32 v15, v22;
	v20 =	vmul.f32 v11, v20;
	v22 =	vld [tilespmem:s28+$0xC380]  }
0xdc: {  	v0 =	vmul.f32 v16, v0;
	v16 =	vld.idx.msk [tilespmem:v26+s3+$0x0], $0xffff;
	v14 =	vsub.f32 $1.500000000e+00, v14;
	v4 =	vsub.f32 $1.500000000e+00, v8  }
0xdd: {  	v5 =	vld.idx.msk [tilespmem:v17+s3+$0x0], $0xffff;
	v8 =	vmul.f32 v15, v19;
	v17 =	vmul.f32 v20, v11  }
0xde: {  	v1 =	vadd.f32 v2, v1;
	v12 =	vmul.f32 v14, v12;
	v19 =	vld.idx.msk [tilespmem:v23+s3+$0x0], $0xffff;
	v2 =	vmul.f32 v24, v4  }
0xdf: {  	v4 =	vld.idx.msk [tilespmem:v25+s3+$0x0], $0xffff;
	v8 =	vmul.f32 v8, v15;
	v14 =	vsub.f32 $1.500000000e+00, v17  }
0xe0: {  	v3 =	vmul.f32 v12, v3;
	v12 =	vmul.f32 v2, v18;
	v17 =	vld.idx.msk [tilespmem:v27+s3+$0x0], $0xffff  }
0xe1: {  	v0 =	vadd.f32 v0, v1;
	v1 =	vsub.f32 $1.500000000e+00, v8;
	v8 =	vmul.f32 v14, v11;
	v11 =	vld.idx.msk [tilespmem:v21+s3+$0x0], $0xffff  }
0xe2: {  	v12 =	vmul.f32 v12, v2;
	v9 =	vld.idx.msk [tilespmem:v9+s3+$0x0], $0xffff  }
0xe3: {  	p1 =	por !p1, !p1;
	v0 =	vadd.f32 v3, v0;
	v1 =	vmul.f32 v1, v15;
	v3 =	vmul.f32 v8, v10;
	v8 =	vld.idx.msk [tilespmem:v22+s3+$0x0], $0xffff  }
0xe4: {  	v6 =	vadd.f32 v10, v6;
	s24 =	simm.s32 $0x80;
	s25 =	simm.s32 $0x1;
	s23 =	simm.s32 $0x40;
	v10 =	vsub.f32 $1.500000000e+00, v12  }
0xe5: {  	s25 =	simm.s32 @!p1 $0x0;
	s29 =	sand.u32 $0x40, s23;
	s28 =	sand.u32 $0x7F00, s24;
	v1 =	vmul.f32 v1, v13;
	v0 =	vadd.f32 v3, v0;
	v3 =	vsub.bf16 v16, v17  }
0xe6: {  	v6 =	vadd.f32 v13, v6;
	s25 =	sshll.u32 s25, $0x6;
	s26 =	sor.u32 s29, s28;
	v10 =	vmul.f32 v10, v2;
	v4 =	vsub.bf16 v4, v11  }
0xe7: {  	s25 =	sadd.s32 $0x80, s25;
	v12 =	vld [tilespmem:s26+$0xC3A0];
	v11 =	vadd.f32 v1, v0;
	v0 =	vsub.bf16 v19, v9;
	v2 =	vshll.u32 v3, $0x10  }
0xe8: {  	s30 =	sadd.s32 $0x30, s25;
	v15 =	vld [tilespmem:s26+$0xC390];
	v3 =	vand.u32 $0xFFFF0000, v3;
	v1 =	vsub.bf16 v5, v8;
	v5 =	vshll.u32 v4, $0x10  }
0xe9: {  	s28 =	sor.u32 $0x80, s30;
	v13 =	vld [tilespmem:s26+$0xC380];
	v2 =	vmul.f32 v2, v2;
	v3 =	vmul.f32 v3, v3;
	v4 =	vand.u32 $0xFFFF0000, v4  }
0xea: {  	s31 =	sadd.s32 $0x10, s25;
	v16 =	vld [tilespmem:s28+$0xC380];
	v5 =	vmul.f32 v5, v5;
	v8 =	vshll.u32 v0, $0x10;
	v0 =	vand.u32 $0xFFFF0000, v0  }
0xeb: {  	v6 =	vadd.f32 v7, v6;
	v9 =	vld [tilespmem:s26+$0xC3B0];
	s26 =	sor.u32 $0x80, s31;
	v4 =	vmul.f32 v4, v4;
	v0 =	vmul.f32 v0, v0  }
0xec: {  	v18 =	vld [tilespmem:s26+$0xC380];
	v8 =	vmul.f32 v8, v8;
	v14 =	vand.u32 $0xFFFF0000, v1;
	v2 =	vadd.f32 v3, v2  }
0xed: {  	s29 =	sadd.s32 $0x20, s25;
	v1 =	vshll.u32 v1, $0x10;
	v14 =	vmul.f32 v14, v14;
	v3 =	vadd.f32 v4, v5  }
0xee: {  	s29 =	sor.u32 $0x80, s29;
	v1 =	vmul.f32 v1, v1;
	v0 =	vadd.f32 v0, v8;
	v4 =	vmax.f32 v2, $1.000000000e-30  }
0xef: {  	s25 =	sor.u32 $0x80, s25;
	v7 =	vmul.f32 v10, v7;
	v5 =	vld [tilespmem:s29+$0xC380];
	v8 =	vshra.s32 v4, $0x1;
	v17 =	vmul.f32 $5.000000000e-01, v4  }
0xf0: {  	v21 =	vld [tilespmem:s25+$0xC380];
	v19 =	vmax.f32 v3, $1.000000000e-30;
	v1 =	vadd.f32 v14, v1;
	v4 =	vmax.f32 v0, $1.000000000e-30  }
0xf1: {  	v23 =	vld.idx.msk [tilespmem:v12+s3+$0x0], $0xffff;
	v20 =	vsub.s32 $0x5F3759DF, v8;
	v14 =	vshra.s32 v19, $0x1;
	v19 =	vmul.f32 $5.000000000e-01, v19  }
0xf2: {  	v15 =	vld.idx.msk [tilespmem:v15+s3+$0x0], $0xffff;
	v8 =	vmul.f32 v20, v17;
	v12 =	vsub.s32 $0x5F3759DF, v14;
	v14 =	vmax.f32 v1, $1.000000000e-30  }
0xf3: {  	v16 =	vld.idx.msk [tilespmem:v16+s3+$0x0], $0xffff;
	v59 =	vmul.f32 v12, v19;
	v60 =	vshra.s32 v14, $0x1;
	v61 =	vmul.f32 $5.000000000e-01, v14  }
0xf4: {  	v10 =	vld.idx.msk [tilespmem:v18+s3+$0x0], $0xffff;
	v14 =	vmul.f32 v20, v8;
	v8 =	vmul.f32 $5.000000000e-01, v4;
	v25 =	vsub.s32 $0x5F3759DF, v60  }
0xf5: {  	v9 =	vld.idx.msk [tilespmem:v9+s3+$0x0], $0xffff;
	v22 =	vshra.s32 v4, $0x1;
	v4 =	vmul.f32 v12, v59;
	v62 =	vmul.f32 v25, v61  }
0xf6: {  	v13 =	vld.idx.msk [tilespmem:v13+s3+$0x0], $0xffff;
	v63 =	vadd.f32 v3, v6;
	v22 =	vsub.s32 $0x5F3759DF, v22;
	v6 =	vsub.f32 $1.500000000e+00, v14  }
0xf7: {  	v5 =	vld.idx.msk [tilespmem:v5+s3+$0x0], $0xffff;
	v14 =	vmul.f32 v22, v8;
	v18 =	vsub.f32 $1.500000000e+00, v4;
	v24 =	vmul.f32 v25, v62  }
0xf8: {  	v4 =	vadd.f32 v7, v11;
	v6 =	vmul.f32 v20, v6;
	v20 =	vld.idx.msk [tilespmem:v21+s3+$0x0], $0xffff;
	v21 =	vadd.f32 v2, v63  }
0xf9: {  	v14 =	vmul.f32 v22, v14;
	v15 =	vsub.bf16 v15, v10;
	v11 =	vmul.f32 v12, v18  }
0xfa: {  	v18 =	vsub.f32 $1.500000000e+00, v24;
	v12 =	vsub.bf16 v9, v16;
	v17 =	vmul.f32 v6, v17  }
0xfb: {  	v7 =	vadd.f32 v0, v21;
	v14 =	vsub.f32 $1.500000000e+00, v14;
	v16 =	vmul.f32 v11, v19  }
0xfc: {  	v9 =	vmul.f32 v25, v18;
	v21 =	vsub.bf16 v23, v5;
	v18 =	vshll.u32 v15, $0x10  }
0xfd: {  	v5 =	vmul.f32 v22, v14;
	v13 =	vsub.bf16 v13, v20;
	v20 =	vmul.f32 v16, v11  }
0xfe: {  	v10 =	vmul.f32 v17, v6;
	v14 =	vand.u32 $0xFFFF0000, v15;
	v19 =	vmul.f32 v9, v61  }
0xff: {  	v15 =	vshll.u32 v13, $0x10;
	v16 =	vand.u32 $0xFFFF0000, v13;
	v17 =	vsub.f32 $1.500000000e+00, v20  }
0x100: {  	p1 =	por !p1, !p1;
	v20 =	vand.u32 $0xFFFF0000, v21;
	v13 =	vmul.f32 v15, v15;
	v15 =	vshll.u32 v21, $0x10  }
.LBB2_6:
0x101: {  	s25 =	simm.s32 $0x1  }
0x102: {  	s23 =	sadd.s32 $0x40, s23;
	v18 =	vmul.f32 v18, v18;
	v21 =	vshll.u32 v12, $0x10;
	s24 =	sadd.s32 $0x80, s24;
	v19 =	vmul.f32 v19, v9;
	s25 =	simm.s32 @!p1 $0x0  }
0x103: {  	v20 =	vmul.f32 v20, v20;
	v12 =	vand.u32 $0xFFFF0000, v12;
	v11 =	vmul.f32 v17, v11;
	s26 =	sand.u32 $0x40, s23;
	s28 =	sand.u32 $0x7F00, s24;
	s25 =	sshll.u32 s25, $0x6  }
0x104: {  	v16 =	vmul.f32 v16, v16;
	v14 =	vmul.f32 v14, v14;
	p2 =	slt.u32 s23, $0x26C0;
	s26 =	sor.u32 s26, s28;
	v17 =	vsub.f32 $1.500000000e+00, v19;
	s25 =	sadd.s32 s25, s24  }
0x105: {  	v15 =	vmul.f32 v15, v15;
	v7 =	vadd.f32 v1, v7;
	v12 =	vmul.f32 v12, v12;
	s28 =	sor.u32 $0x80, s25;
	s29 =	sadd.s32 $0x10, s25;
	s30 =	sadd.s32 $0x20, s25;
	v19 =	vld [tilespmem:s26+$0xC3B0]  }
0x106: {  	v13 =	vadd.f32 v16, v13;
	v14 =	vadd.f32 v14, v18;
	s25 =	sadd.s32 $0x30, s25;
	v9 =	vmul.f32 v17, v9;
	s29 =	sor.u32 $0x80, s29;
	v22 =	vld [tilespmem:s26+$0xC3A0];
	s30 =	sor.u32 $0x80, s30  }
0x107: {  	v10 =	vsub.f32 $1.500000000e+00, v10;
	v8 =	vmul.f32 v5, v8;
	v15 =	vadd.f32 v20, v15;
	s25 =	sor.u32 $0x80, s25;
	v16 =	vld [tilespmem:s26+$0xC380]  }
0x108: {  	v11 =	vmul.f32 v11, v3;
	v7 =	vadd.f32 v13, v7;
	v18 =	vmax.f32 v14, $1.000000000e-30;
	v3 =	vmovc v13;
	v17 =	vld [tilespmem:s26+$0xC390]  }
0x109: {  	v23 =	vmax.f32 v15, $1.000000000e-30;
	v20 =	vshra.s32 v18, $0x1;
	v18 =	vmul.f32 $5.000000000e-01, v18;
	v13 =	vld [tilespmem:s25+$0xC380]  }
0x10a: {  	v21 =	vmul.f32 v21, v21;
	v25 =	vmax.f32 v3, $1.000000000e-30;
	v20 =	vsub.s32 $0x5F3759DF, v20;
	v24 =	vld [tilespmem:s30+$0xC380]  }
0x10b: {  	v8 =	vmul.f32 v8, v5;
	v28 =	vshra.s32 v23, $0x1;
	v27 =	vmul.f32 v20, v18;
	v26 =	vld [tilespmem:s29+$0xC380]  }
0x10c: {  	v6 =	vmul.f32 v10, v6;
	v12 =	vadd.f32 v12, v21;
	v30 =	vshra.s32 v25, $0x1;
	v29 =	vld [tilespmem:s28+$0xC380]  }
0x10d: {  	v8 =	vsub.f32 $1.500000000e+00, v8;
	v21 =	vsub.s32 $0x5F3759DF, v28;
	v10 =	vld.idx.msk [tilespmem:v19+s3+$0x0], $0xffff;
	v19 =	vmul.f32 $5.000000000e-01, v25  }
0x10e: {  	v6 =	vmul.f32 v6, v2;
	v2 =	vmovc v14;
	v28 =	vmax.f32 v12, $1.000000000e-30;
	v25 =	vsub.s32 $0x5F3759DF, v30;
	v22 =	vld.idx.msk [tilespmem:v22+s3+$0x0], $0xffff  }
0x10f: {  	v4 =	vadd.f32 v11, v4;
	v27 =	vmul.f32 v20, v27;
	v14 =	vld.idx.msk [tilespmem:v16+s3+$0x0], $0xffff;
	v16 =	vmul.f32 v25, v19  }
0x110: {  	v5 =	vmul.f32 v8, v5;
	v11 =	vshra.s32 v28, $0x1;
	v28 =	vmul.f32 $5.000000000e-01, v28;
	v17 =	vld.idx.msk [tilespmem:v17+s3+$0x0], $0xffff  }
0x111: {  	v8 =	vmul.f32 $5.000000000e-01, v23;
	v23 =	vsub.s32 $0x5F3759DF, v11;
	v13 =	vld.idx.msk [tilespmem:v13+s3+$0x0], $0xffff;
	v16 =	vmul.f32 v25, v16  }
0x112: {  	v4 =	vadd.f32 v6, v4;
	v5 =	vmul.f32 v5, v0;
	v11 =	vmul.f32 v23, v28;
	v24 =	vld.idx.msk [tilespmem:v24+s3+$0x0], $0xffff  }
0x113: {  	v9 =	vmul.f32 v9, v1;
	v0 =	vmovc v15;
	v6 =	vsub.f32 $1.500000000e+00, v27;
	v27 =	vmul.f32 v21, v8;
	v26 =	vld.idx.msk [tilespmem:v26+s3+$0x0], $0xffff  }
0x114: {  	v1 =	vmovc v12;
	v4 =	vadd.f32 v5, v4;
	v16 =	vsub.f32 $1.500000000e+00, v16;
	v15 =	vld.idx.msk [tilespmem:v29+s3+$0x0], $0xffff;
	v29 =	vmul.f32 v23, v11  }
0x115: {  	v5 =	vadd.f32 v2, v7;
	v6 =	vmul.f32 v20, v6;
	v12 =	vmul.f32 v21, v27  }
0x116: {  	v4 =	vadd.f32 v9, v4;
	v11 =	vmul.f32 v25, v16;
	v16 =	vsub.f32 $1.500000000e+00, v29  }
0x117: {  	v7 =	vadd.f32 v0, v5;
	v18 =	vmul.f32 v6, v18;
	v5 =	vsub.f32 $1.500000000e+00, v12  }
0x118: {  	v12 =	vsub.bf16 v10, v13;
	v10 =	vmul.f32 v11, v19;
	v9 =	vmul.f32 v23, v16  }
.Ltmp4:
0x119: {  	v5 =	vmul.f32 v21, v5;
	v20 =	vsub.bf16 v22, v24;
	v13 =	vsub.bf16 v17, v26;
	(pc) =	sbr.rel @p2 .LBB2_6-.Ltmp4, $4  }
0x11a: {  	v15 =	vsub.bf16 v14, v15;
	v17 =	vmul.f32 v10, v11;
	v10 =	vmul.f32 v18, v6  }
0x11b: {  	v18 =	vshll.u32 v13, $0x10;
	v14 =	vand.u32 $0xFFFF0000, v13;
	v19 =	vmul.f32 v9, v28  }
0x11c: {  	v13 =	vshll.u32 v15, $0x10;
	v16 =	vand.u32 $0xFFFF0000, v15;
	v17 =	vsub.f32 $1.500000000e+00, v17  }
0x11d: {  	p1 =	por !p1, !p1;
	v15 =	vshll.u32 v20, $0x10;
	v20 =	vand.u32 $0xFFFF0000, v20;
	v13 =	vmul.f32 v13, v13  }
0x11e: {  	v18 =	vmul.f32 v18, v18  }
0x11f: {  	v19 =	vmul.f32 v19, v9;
	v21 =	vshll.u32 v12, $0x10;
	v20 =	vmul.f32 v20, v20  }
0x120: {  	v14 =	vmul.f32 v14, v14;
	v12 =	vand.u32 $0xFFFF0000, v12;
	v16 =	vmul.f32 v16, v16  }
0x121: {  	v11 =	vmul.f32 v17, v11;
	v15 =	vmul.f32 v15, v15;
	v10 =	vsub.f32 $1.500000000e+00, v10  }
0x122: {  	v8 =	vmul.f32 v5, v8;
	v12 =	vmul.f32 v12, v12;
	v19 =	vsub.f32 $1.500000000e+00, v19  }
0x123: {  	v14 =	vadd.f32 v14, v18;
	v15 =	vadd.f32 v20, v15;
	v11 =	vmul.f32 v11, v3  }
0x124: {  	s23 =	simm.s32 $0x0;
	p1 =	por $0x0, $0x0;
	s24 =	simm.s32 $0x1;
	v13 =	vadd.f32 v16, v13;
	v8 =	vmul.f32 v8, v5;
	v6 =	vmul.f32 v10, v6  }
0x125: {  	[tilespmem:s13], [sflag:$0x2] =	stream.linear.gather [hbm4b:s9+s23], $0x4E00, $0x38;
	v9 =	vmul.f32 v19, v9;
	v16 =	vmax.f32 v14, $1.000000000e-30;
	v17 =	vmax.f32 v15, $1.000000000e-30;
	[tilespmem:$0x16180] =	vst v63  }
0x126: {  	s25 =	simm.s32 $0x0;
	s24 =	simm.s32 @!p1 $0x0;
	_ =	swait.ge [sflag:s17], $0x4E00;
	v18 =	vmax.f32 v13, $1.000000000e-30;
	v19 =	vmul.f32 v21, v21;
	v8 =	vsub.f32 $1.500000000e+00, v8  }
0x127: {  	s25 =	sand.u32 $0x40, s25;
	s23 =	sand.u32 $0x7F00, s23;
	[sflag:s17] =	ssyncset.done $0x0;
	v2 =	vmul.f32 v6, v2;
	v20 =	vshra.s32 v18, $0x1;
	v18 =	vmul.f32 $5.000000000e-01, v18  }
0x128: {  	s24 =	sshll.u32 s24, $0x6;
	s23 =	sor.u32 s25, s23;
	[sflag:s17] =	ssyncadd.s32 $0xFFFFB200;
	v3 =	vshra.s32 v16, $0x1;
	v16 =	vmul.f32 $5.000000000e-01, v16;
	v20 =	vsub.s32 $0x5F3759DF, v20  }
0x129: {  	s24 =	sadd.s32 $0x0, s24;
	v22 =	vld [tilespmem:s23+$0x11180];
	v55 =	vsub.s32 $0x5F3759DF, v3;
	v3 =	vadd.f32 v12, v19;
	v10 =	vmul.f32 v20, v18  }
0x12a: {  	s30 =	sor.u32 $0x80, s24;
	v19 =	vshra.s32 v17, $0x1;
	v17 =	vmul.f32 $5.000000000e-01, v17;
	v5 =	vmul.f32 v8, v5  }
0x12b: {  	v12 =	vmul.f32 v55, v16;
	v23 =	vmax.f32 v3, $1.000000000e-30;
	v6 =	vmul.f32 v20, v10;
	v10 =	vld [tilespmem:s30+$0x11180]  }
0x12c: {  	s31 =	sadd.s32 $0x10, s24;
	v19 =	vsub.s32 $0x5F3759DF, v19;
	v24 =	vshra.s32 v23, $0x1;
	v23 =	vmul.f32 $5.000000000e-01, v23  }
0x12d: {  	s25 =	sor.u32 $0x80, s31;
	v12 =	vmul.f32 v55, v12;
	v24 =	vsub.s32 $0x5F3759DF, v24;
	v6 =	vsub.f32 $1.500000000e+00, v6  }
0x12e: {  	s26 =	sadd.s32 $0x20, s24;
	v4 =	vadd.f32 v11, v4;
	s23 =	sadd.s32 $0x11180, s23;
	v25 =	vld [tilespmem:s25+$0x11180];
	v11 =	vmul.f32 v19, v17;
	v8 =	vmul.f32 v24, v23  }
0x12f: {  	s26 =	sor.u32 $0x80, s26;
	v0 =	vmul.f32 v5, v0;
	v5 =	vsub.f32 $1.500000000e+00, v12;
	v12 =	vld [tilespmem:s23+$0x10];
	v6 =	vmul.f32 v20, v6  }
0x130: {  	v20 =	vld [tilespmem:s26+$0x11180];
	v8 =	vmul.f32 v24, v8  }
0x131: {  	v2 =	vadd.f32 v2, v4;
	v4 =	vmul.f32 v19, v11;
	v56 =	vld.idx.msk [tilespmem:v22+s3+$0x0], $0xffff;
	v11 =	vmul.f32 v6, v18  }
0x132: {  	v7 =	vadd.f32 v1, v7;
	v5 =	vmul.f32 v55, v5;
	v18 =	vld [tilespmem:s23+$0x20];
	v8 =	vsub.f32 $1.500000000e+00, v8  }
0x133: {  	v1 =	vmul.f32 v9, v1;
	v4 =	vsub.f32 $1.500000000e+00, v4;
	v9 =	vmul.f32 v11, v6;
	v10 =	vld.idx.msk [tilespmem:v10+s3+$0x0], $0xffff  }
0x134: {  	v7 =	vadd.f32 v13, v7;
	s24 =	sadd.s32 $0x30, s24;
	v11 =	vmul.f32 v5, v16;
	v8 =	vmul.f32 v24, v8  }
0x135: {  	s28 =	sor.u32 $0x80, s24;
	v0 =	vadd.f32 v0, v2;
	v2 =	vmul.f32 v19, v4;
	v4 =	vsub.f32 $1.500000000e+00, v9;
	v9 =	vld [tilespmem:s23+$0x30]  }
0x136: {  	v7 =	vadd.f32 v14, v7;
	v19 =	vld [tilespmem:s28+$0x11180];
	v11 =	vmul.f32 v11, v5;
	v16 =	vmul.f32 v8, v23  }
0x137: {  	v0 =	vadd.f32 v1, v0;
	v12 =	vld.idx.msk [tilespmem:v12+s3+$0x0], $0xffff;
	v1 =	vmul.f32 v4, v6;
	v4 =	vmul.f32 v2, v17  }
0x138: {  	v6 =	vld.idx.msk [tilespmem:v25+s3+$0x0], $0xffff;
	v16 =	vmul.f32 v16, v8;
	v11 =	vsub.f32 $1.500000000e+00, v11;
	v10 =	vsub.bf16 v56, v10  }
0x139: {  	v7 =	vadd.f32 v15, v7;
	v17 =	vld.idx.msk [tilespmem:v20+s3+$0x0], $0xffff;
	v1 =	vmul.f32 v1, v13;
	v4 =	vmul.f32 v4, v2  }
0x13a: {  	v5 =	vmul.f32 v11, v5;
	v11 =	vld.idx.msk [tilespmem:v18+s3+$0x0], $0xffff;
	v13 =	vshll.u32 v10, $0x10;
	v10 =	vand.u32 $0xFFFF0000, v10  }
0x13b: {  	v4 =	vsub.f32 $1.500000000e+00, v4;
	v13 =	vmul.f32 v13, v13;
	v10 =	vmul.f32 v10, v10  }
0x13c: {  	v16 =	vsub.f32 $1.500000000e+00, v16;
	v5 =	vmul.f32 v5, v14;
	v0 =	vadd.f32 v1, v0  }
0x13d: {  	v6 =	vsub.bf16 v12, v6;
	v1 =	vmul.f32 v4, v2;
	v2 =	vld.idx.msk [tilespmem:v9+s3+$0x0], $0xffff;
	v4 =	vadd.f32 v10, v13  }
0x13e: {  	v7 =	vadd.f32 v3, v7;
	v8 =	vmul.f32 v16, v8;
	v0 =	vadd.f32 v5, v0;
	v5 =	vld.idx.msk [tilespmem:v19+s3+$0x0], $0xffff  }
0x13f: {  	v9 =	vsub.bf16 v11, v17;
	v11 =	vshll.u32 v6, $0x10;
	v10 =	vmax.f32 v4, $1.000000000e-30  }
0x140: {  	p1 =	por !p1, !p1;
	s25 =	simm.s32 $0x1;
	v6 =	vand.u32 $0xFFFF0000, v6;
	v12 =	vshra.s32 v10, $0x1;
	v10 =	vmul.f32 $5.000000000e-01, v10  }
0x141: {  	s24 =	simm.s32 $0x80;
	s25 =	simm.s32 @!p1 $0x0;
	s23 =	simm.s32 $0x40;
	v1 =	vmul.f32 v1, v15;
	v6 =	vmul.f32 v6, v6;
	v12 =	vsub.s32 $0x5F3759DF, v12  }
0x142: {  	s25 =	sshll.u32 s25, $0x6;
	s28 =	sand.u32 $0x7F00, s24;
	s29 =	sand.u32 $0x40, s23;
	v13 =	vand.u32 $0xFFFF0000, v9;
	v9 =	vshll.u32 v9, $0x10;
	v14 =	vmul.f32 v12, v10  }
0x143: {  	s25 =	sadd.s32 $0x80, s25;
	s26 =	sor.u32 s29, s28;
	v9 =	vmul.f32 v9, v9;
	v2 =	vsub.bf16 v2, v5;
	v5 =	vmul.f32 v11, v11  }
0x144: {  	s30 =	sor.u32 $0x80, s25;
	v11 =	vadd.f32 v1, v0;
	v0 =	vmul.f32 v13, v13;
	v13 =	vld [tilespmem:s26+$0x11180];
	v14 =	vmul.f32 v12, v14  }
0x145: {  	s29 =	sadd.s32 $0x10, s25;
	v15 =	vshll.u32 v2, $0x10;
	v1 =	vadd.f32 v6, v5;
	v2 =	vand.u32 $0xFFFF0000, v2;
	v5 =	vld [tilespmem:s30+$0x11180]  }
0x146: {  	s29 =	sor.u32 $0x80, s29;
	v6 =	vmul.f32 v15, v15;
	v15 =	vmul.f32 v2, v2;
	v14 =	vsub.f32 $1.500000000e+00, v14  }
0x147: {  	v3 =	vmul.f32 v8, v3;
	v8 =	vld [tilespmem:s29+$0x11180];
	v7 =	vadd.f32 v4, v7;
	v2 =	vadd.f32 v0, v9  }
0x148: {  	s31 =	sadd.s32 $0x20, s25;
	s26 =	sadd.s32 $0x11180, s26;
	v9 =	vmax.f32 v1, $1.000000000e-30;
	v0 =	vadd.f32 v15, v6;
	v12 =	vmul.f32 v12, v14  }
0x149: {  	s28 =	sor.u32 $0x80, s31;
	v6 =	vshra.s32 v9, $0x1;
	v15 =	vld [tilespmem:s26+$0x10];
	v9 =	vmul.f32 $5.000000000e-01, v9;
	v14 =	vmax.f32 v2, $1.000000000e-30  }
0x14a: {  	v16 =	vld [tilespmem:s28+$0x11180];
	v6 =	vsub.s32 $0x5F3759DF, v6;
	v19 =	vmax.f32 v0, $1.000000000e-30;
	v10 =	vmul.f32 v12, v10  }
0x14b: {  	v17 =	vld [tilespmem:s26+$0x20];
	v18 =	vshra.s32 v14, $0x1;
	v14 =	vmul.f32 $5.000000000e-01, v14;
	v57 =	vshra.s32 v19, $0x1  }
0x14c: {  	s25 =	sadd.s32 $0x30, s25;
	v19 =	vmul.f32 $5.000000000e-01, v19;
	v13 =	vld.idx.msk [tilespmem:v13+s3+$0x0], $0xffff;
	v18 =	vsub.s32 $0x5F3759DF, v18;
	v10 =	vmul.f32 v10, v12  }
0x14d: {  	s25 =	sor.u32 $0x80, s25;
	v58 =	vmul.f32 v6, v9;
	v59 =	vmul.f32 v18, v14;
	v21 =	vsub.s32 $0x5F3759DF, v57;
	v5 =	vld.idx.msk [tilespmem:v5+s3+$0x0], $0xffff  }
0x14e: {  	v60 =	vld [tilespmem:s25+$0x11180];
	v7 =	vadd.f32 v1, v7;
	v61 =	vmul.f32 v21, v19;
	v10 =	vsub.f32 $1.500000000e+00, v10  }
0x14f: {  	v3 =	vadd.f32 v3, v11;
	v11 =	vld.idx.msk [tilespmem:v8+s3+$0x0], $0xffff;
	v8 =	vmul.f32 v6, v58;
	v62 =	vmul.f32 v18, v59  }
0x150: {  	v20 =	vld [tilespmem:s26+$0x30];
	v7 =	vadd.f32 v2, v7;
	v10 =	vmul.f32 v10, v12;
	v12 =	vmul.f32 v21, v61  }
0x151: {  	v8 =	vsub.f32 $1.500000000e+00, v8;
	v15 =	vld.idx.msk [tilespmem:v15+s3+$0x0], $0xffff;
	v22 =	vsub.f32 $1.500000000e+00, v62  }
0x152: {  	v16 =	vld.idx.msk [tilespmem:v16+s3+$0x0], $0xffff;
	v13 =	vsub.bf16 v13, v5;
	v4 =	vmul.f32 v10, v4;
	v10 =	vsub.f32 $1.500000000e+00, v12  }
0x153: {  	v63 =	vadd.f32 v0, v7;
	v17 =	vld.idx.msk [tilespmem:v17+s3+$0x0], $0xffff;
	v8 =	vmul.f32 v6, v8;
	v5 =	vmul.f32 v18, v22  }
0x154: {  	v6 =	vshll.u32 v13, $0x10;
	v12 =	vand.u32 $0xFFFF0000, v13;
	v7 =	vmul.f32 v21, v10  }
0x155: {  	v6 =	vmul.f32 v6, v6;
	v10 =	vmul.f32 v12, v12  }
0x156: {  	v13 =	vmul.f32 v5, v14;
	v11 =	vsub.bf16 v15, v11  }
0x157: {  	v14 =	vld.idx.msk [tilespmem:v60+s3+$0x0], $0xffff;
	v4 =	vadd.f32 v4, v3;
	v18 =	vmul.f32 v7, v19;
	v3 =	vadd.f32 v10, v6  }
0x158: {  	v19 =	vsub.bf16 v17, v16;
	v10 =	vshll.u32 v11, $0x10;
	v17 =	vand.u32 $0xFFFF0000, v11;
	v11 =	vld.idx.msk [tilespmem:v20+s3+$0x0], $0xffff  }
0x159: {  	v12 =	vmul.f32 v8, v9;
	v9 =	vmul.f32 v13, v5  }
0x15a: {  	v16 =	vmax.f32 v3, $1.000000000e-30;
	v6 =	vadd.f32 v3, v63;
	v13 =	vand.u32 $0xFFFF0000, v19  }
0x15b: {  	p1 =	por !p1, !p1;
	v19 =	vshll.u32 v19, $0x10;
	v18 =	vmul.f32 v18, v7;
	v15 =	vshra.s32 v16, $0x1  }
.LBB2_8:
0x15c: {  	s25 =	simm.s32 $0x1  }
0x15d: {  	s23 =	sadd.s32 $0x40, s23;
	v17 =	vmul.f32 v17, v17;
	v19 =	vmul.f32 v19, v19;
	v11 =	vsub.bf16 v11, v14;
	s24 =	sadd.s32 $0x80, s24;
	s25 =	simm.s32 @!p1 $0x0  }
0x15e: {  	v14 =	vmul.f32 $5.000000000e-01, v16;
	v12 =	vmul.f32 v12, v8;
	s26 =	sand.u32 $0x40, s23;
	s28 =	sand.u32 $0x7F00, s24;
	v16 =	vsub.f32 $1.500000000e+00, v18;
	s25 =	sshll.u32 s25, $0x6  }
0x15f: {  	v15 =	vsub.s32 $0x5F3759DF, v15;
	v10 =	vmul.f32 v10, v10;
	v13 =	vmul.f32 v13, v13;
	p2 =	slt.u32 s23, $0x26C0;
	s26 =	sor.u32 s26, s28;
	s25 =	sadd.s32 s25, s24  }
0x160: {  	v9 =	vsub.f32 $1.500000000e+00, v9;
	v20 =	vmul.f32 v15, v14;
	v21 =	vshll.u32 v11, $0x10;
	s28 =	sadd.s32 $0x11180, s26;
	v18 =	vld [tilespmem:s26+$0x11180];
	s26 =	sor.u32 $0x80, s25;
	s29 =	sadd.s32 $0x30, s25  }
0x161: {  	v10 =	vadd.f32 v17, v10;
	v11 =	vand.u32 $0xFFFF0000, v11;
	v12 =	vsub.f32 $1.500000000e+00, v12;
	s30 =	sadd.s32 $0x10, s25;
	s25 =	sadd.s32 $0x20, s25;
	v22 =	vld [tilespmem:s28+$0x30];
	s29 =	sor.u32 $0x80, s29  }
0x162: {  	v13 =	vadd.f32 v13, v19;
	v7 =	vmul.f32 v16, v7;
	v20 =	vmul.f32 v15, v20;
	s25 =	sor.u32 $0x80, s25;
	v17 =	vld [tilespmem:s26+$0x11180];
	s26 =	sor.u32 $0x80, s30  }
0x163: {  	v21 =	vmul.f32 v21, v21;
	v19 =	vmax.f32 v10, $1.000000000e-30;
	v8 =	vmul.f32 v12, v8;
	v16 =	vld [tilespmem:s26+$0x11180]  }
0x164: {  	v5 =	vmul.f32 v9, v5;
	v11 =	vmul.f32 v11, v11;
	v20 =	vsub.f32 $1.500000000e+00, v20;
	v12 =	vld [tilespmem:s29+$0x11180]  }
0x165: {  	v6 =	vadd.f32 v10, v6;
	v24 =	vmax.f32 v13, $1.000000000e-30;
	v23 =	vshra.s32 v19, $0x1;
	v9 =	vld [tilespmem:s25+$0x11180]  }
0x166: {  	v5 =	vmul.f32 v5, v2;
	v2 =	vmovc v13;
	v11 =	vadd.f32 v11, v21;
	v15 =	vmul.f32 v15, v20;
	v25 =	vld [tilespmem:s28+$0x10]  }
0x167: {  	v19 =	vmul.f32 $5.000000000e-01, v19;
	v6 =	vadd.f32 v2, v6;
	v20 =	vshra.s32 v24, $0x1;
	v13 =	vld [tilespmem:s28+$0x20]  }
0x168: {  	v8 =	vmul.f32 v8, v1;
	v1 =	vmovc v10;
	v21 =	vmax.f32 v11, $1.000000000e-30;
	v14 =	vmul.f32 v15, v14;
	v18 =	vld.idx.msk [tilespmem:v18+s3+$0x0], $0xffff  }
0x169: {  	v10 =	vmul.f32 $5.000000000e-01, v24;
	v24 =	vshra.s32 v21, $0x1;
	v21 =	vmul.f32 $5.000000000e-01, v21  }
0x16a: {  	v23 =	vsub.s32 $0x5F3759DF, v23;
	v20 =	vsub.s32 $0x5F3759DF, v20;
	v14 =	vmul.f32 v14, v15;
	v17 =	vld.idx.msk [tilespmem:v17+s3+$0x0], $0xffff  }
0x16b: {  	v26 =	vmul.f32 v23, v19;
	v24 =	vsub.s32 $0x5F3759DF, v24;
	v27 =	vmul.f32 v20, v10;
	v16 =	vld.idx.msk [tilespmem:v16+s3+$0x0], $0xffff  }
0x16c: {  	v4 =	vadd.f32 v8, v4;
	v28 =	vmul.f32 v24, v21;
	v14 =	vsub.f32 $1.500000000e+00, v14  }
0x16d: {  	v6 =	vadd.f32 v11, v6;
	v8 =	vmul.f32 v23, v26;
	v26 =	vmul.f32 v20, v27;
	v9 =	vld.idx.msk [tilespmem:v9+s3+$0x0], $0xffff  }
0x16e: {  	v4 =	vadd.f32 v5, v4;
	v14 =	vmul.f32 v14, v15;
	v15 =	vmul.f32 v24, v28;
	v25 =	vld.idx.msk [tilespmem:v25+s3+$0x0], $0xffff  }
0x16f: {  	v7 =	vmul.f32 v7, v0;
	v0 =	vmovc v11;
	v5 =	vsub.f32 $1.500000000e+00, v8;
	v26 =	vsub.f32 $1.500000000e+00, v26;
	v13 =	vld.idx.msk [tilespmem:v13+s3+$0x0], $0xffff  }
0x170: {  	v3 =	vmul.f32 v14, v3;
	v14 =	vsub.f32 $1.500000000e+00, v15;
	v11 =	vsub.bf16 v18, v17  }
0x171: {  	v4 =	vadd.f32 v7, v4;
	v8 =	vmul.f32 v23, v5;
	v5 =	vmul.f32 v20, v26  }
0x172: {  	v7 =	vmul.f32 v24, v14;
	v15 =	vshll.u32 v11, $0x10;
	v17 =	vand.u32 $0xFFFF0000, v11;
	v11 =	vld.idx.msk [tilespmem:v22+s3+$0x0], $0xffff  }
0x173: {  	v4 =	vadd.f32 v3, v4;
	v15 =	vmul.f32 v15, v15;
	v17 =	vmul.f32 v17, v17;
	v14 =	vld.idx.msk [tilespmem:v12+s3+$0x0], $0xffff  }
.Ltmp5:
0x174: {  	v18 =	vmul.f32 v5, v10;
	v20 =	vmul.f32 v7, v21;
	v16 =	vsub.bf16 v25, v16;
	(pc) =	sbr.rel @p2 .LBB2_8-.Ltmp5, $4  }
0x175: {  	v12 =	vmul.f32 v8, v19;
	v3 =	vadd.f32 v17, v15;
	v21 =	vsub.bf16 v13, v9  }
0x176: {  	v9 =	vmul.f32 v18, v5;
	v10 =	vshll.u32 v16, $0x10;
	v17 =	vand.u32 $0xFFFF0000, v16  }
0x177: {  	v16 =	vmax.f32 v3, $1.000000000e-30;
	v6 =	vadd.f32 v3, v6;
	v13 =	vand.u32 $0xFFFF0000, v21  }
0x178: {  	p1 =	por !p1, !p1;
	v18 =	vmul.f32 v20, v7;
	v19 =	vshll.u32 v21, $0x10;
	v15 =	vshra.s32 v16, $0x1  }
0x179: {  	v17 =	vmul.f32 v17, v17  }
0x17a: {  	v19 =	vmul.f32 v19, v19;
	v11 =	vsub.bf16 v11, v14;
	v14 =	vmul.f32 $5.000000000e-01, v16  }
0x17b: {  	v12 =	vmul.f32 v12, v8;
	v15 =	vsub.s32 $0x5F3759DF, v15;
	v10 =	vmul.f32 v10, v10  }
0x17c: {  	v13 =	vmul.f32 v13, v13;
	v9 =	vsub.f32 $1.500000000e+00, v9;
	v16 =	vsub.f32 $1.500000000e+00, v18  }
0x17d: {  	v18 =	vmul.f32 v15, v14;
	v20 =	vshll.u32 v11, $0x10;
	v10 =	vadd.f32 v17, v10  }
0x17e: {  	v11 =	vand.u32 $0xFFFF0000, v11;
	v12 =	vsub.f32 $1.500000000e+00, v12;
	v5 =	vmul.f32 v9, v5  }
0x17f: {  	v13 =	vadd.f32 v13, v19;
	v16 =	vmul.f32 v16, v7;
	v11 =	vmul.f32 v11, v11  }
0x180: {  	_ =	swait.ge [sflag:s16], $0x4E00;
	s23 =	simm.s32 $0x0;
	v17 =	vmul.f32 v15, v18;
	v7 =	vmax.f32 v10, $1.000000000e-30;
	v18 =	vmul.f32 v20, v20  }
0x181: {  	p1 =	por $0x0, $0x0;
	s24 =	simm.s32 $0x0;
	s25 =	simm.s32 $0x1;
	v21 =	vmax.f32 v13, $1.000000000e-30;
	v19 =	vshra.s32 v7, $0x1;
	v20 =	vmul.f32 $5.000000000e-01, v7  }
0x182: {  	[sflag:s16] =	ssyncset.done $0x0;
	s24 =	sand.u32 $0x40, s24;
	s23 =	sand.u32 $0x7F00, s23;
	v17 =	vsub.f32 $1.500000000e+00, v17;
	v7 =	vadd.f32 v11, v18;
	v11 =	vsub.s32 $0x5F3759DF, v19  }
0x183: {  	s25 =	simm.s32 @!p1 $0x0;
	[sflag:s16] =	ssyncadd.s32 $0xFFFFB200;
	s23 =	sor.u32 s24, s23;
	v18 =	vshra.s32 v21, $0x1;
	v19 =	vmul.f32 $5.000000000e-01, v21;
	v21 =	vmul.f32 v11, v20  }
0x184: {  	s29 =	sshll.u32 s25, $0x6;
	v26 =	vld [tilespmem:s23+$0xC390];
	v8 =	vmul.f32 v12, v8;
	v12 =	vmul.f32 v15, v17;
	v15 =	vsub.s32 $0x5F3759DF, v18  }
0x185: {  	s24 =	sadd.s32 $0x0, s29;
	v17 =	vld [tilespmem:s23+$0xC3B0];
	v18 =	vmax.f32 v7, $1.000000000e-30;
	v22 =	vmul.f32 v15, v19;
	v21 =	vmul.f32 v11, v21  }
0x186: {  	v23 =	vld [tilespmem:s23+$0xC3A0];
	s30 =	sadd.s32 $0x10, s24;
	v2 =	vmul.f32 v5, v2;
	v24 =	vshra.s32 v18, $0x1;
	v18 =	vmul.f32 $5.000000000e-01, v18  }
0x187: {  	v25 =	vld [tilespmem:s23+$0xC380];
	s25 =	sor.u32 $0x80, s30;
	v24 =	vsub.s32 $0x5F3759DF, v24;
	v22 =	vmul.f32 v15, v22;
	v21 =	vsub.f32 $1.500000000e+00, v21  }
0x188: {  	s31 =	sor.u32 $0x80, s24;
	s26 =	sadd.s32 $0x20, s24;
	v27 =	vld [tilespmem:s25+$0xC380];
	v14 =	vmul.f32 v12, v14;
	v9 =	vmul.f32 v24, v18  }
0x189: {  	s24 =	sadd.s32 $0x30, s24;
	s26 =	sor.u32 $0x80, s26;
	v1 =	vmul.f32 v8, v1;
	v22 =	vsub.f32 $1.500000000e+00, v22;
	v11 =	vmul.f32 v11, v21;
	v21 =	vld [tilespmem:s31+$0xC380]  }
0x18a: {  	s28 =	sor.u32 $0x80, s24;
	v14 =	vmul.f32 v14, v12;
	v8 =	vmul.f32 v24, v9;
	v9 =	vld [tilespmem:s26+$0xC380]  }
0x18b: {  	v1 =	vadd.f32 v1, v4;
	v15 =	vmul.f32 v15, v22;
	v20 =	vmul.f32 v11, v20;
	v22 =	vld [tilespmem:s28+$0xC380]  }
0x18c: {  	v0 =	vmul.f32 v16, v0;
	v16 =	vld.idx.msk [tilespmem:v26+s3+$0x0], $0xffff;
	v14 =	vsub.f32 $1.500000000e+00, v14;
	v4 =	vsub.f32 $1.500000000e+00, v8  }
0x18d: {  	v5 =	vld.idx.msk [tilespmem:v17+s3+$0x0], $0xffff;
	v8 =	vmul.f32 v15, v19;
	v17 =	vmul.f32 v20, v11  }
0x18e: {  	v1 =	vadd.f32 v2, v1;
	v12 =	vmul.f32 v14, v12;
	v19 =	vld.idx.msk [tilespmem:v23+s3+$0x0], $0xffff;
	v2 =	vmul.f32 v24, v4  }
0x18f: {  	v4 =	vld.idx.msk [tilespmem:v25+s3+$0x0], $0xffff;
	v8 =	vmul.f32 v8, v15;
	v14 =	vsub.f32 $1.500000000e+00, v17  }
0x190: {  	v3 =	vmul.f32 v12, v3;
	v12 =	vmul.f32 v2, v18;
	v17 =	vld.idx.msk [tilespmem:v27+s3+$0x0], $0xffff  }
0x191: {  	v0 =	vadd.f32 v0, v1;
	v1 =	vsub.f32 $1.500000000e+00, v8;
	v8 =	vmul.f32 v14, v11;
	v11 =	vld.idx.msk [tilespmem:v21+s3+$0x0], $0xffff  }
0x192: {  	v12 =	vmul.f32 v12, v2;
	v9 =	vld.idx.msk [tilespmem:v9+s3+$0x0], $0xffff  }
0x193: {  	p1 =	por !p1, !p1;
	v0 =	vadd.f32 v3, v0;
	v1 =	vmul.f32 v1, v15;
	v3 =	vmul.f32 v8, v10;
	v8 =	vld.idx.msk [tilespmem:v22+s3+$0x0], $0xffff  }
0x194: {  	v6 =	vadd.f32 v10, v6;
	s24 =	simm.s32 $0x80;
	s25 =	simm.s32 $0x1;
	s23 =	simm.s32 $0x40;
	v10 =	vsub.f32 $1.500000000e+00, v12  }
0x195: {  	s25 =	simm.s32 @!p1 $0x0;
	s29 =	sand.u32 $0x40, s23;
	s28 =	sand.u32 $0x7F00, s24;
	v1 =	vmul.f32 v1, v13;
	v0 =	vadd.f32 v3, v0;
	v3 =	vsub.bf16 v16, v17  }
0x196: {  	v6 =	vadd.f32 v13, v6;
	s25 =	sshll.u32 s25, $0x6;
	s26 =	sor.u32 s29, s28;
	v10 =	vmul.f32 v10, v2;
	v4 =	vsub.bf16 v4, v11  }
0x197: {  	s25 =	sadd.s32 $0x80, s25;
	v12 =	vld [tilespmem:s26+$0xC3A0];
	v11 =	vadd.f32 v1, v0;
	v0 =	vsub.bf16 v19, v9;
	v2 =	vshll.u32 v3, $0x10  }
0x198: {  	s30 =	sadd.s32 $0x30, s25;
	v15 =	vld [tilespmem:s26+$0xC390];
	v3 =	vand.u32 $0xFFFF0000, v3;
	v1 =	vsub.bf16 v5, v8;
	v5 =	vshll.u32 v4, $0x10  }
0x199: {  	s28 =	sor.u32 $0x80, s30;
	v13 =	vld [tilespmem:s26+$0xC380];
	v2 =	vmul.f32 v2, v2;
	v3 =	vmul.f32 v3, v3;
	v4 =	vand.u32 $0xFFFF0000, v4  }
0x19a: {  	s31 =	sadd.s32 $0x10, s25;
	v16 =	vld [tilespmem:s28+$0xC380];
	v5 =	vmul.f32 v5, v5;
	v8 =	vshll.u32 v0, $0x10;
	v0 =	vand.u32 $0xFFFF0000, v0  }
0x19b: {  	v6 =	vadd.f32 v7, v6;
	v9 =	vld [tilespmem:s26+$0xC3B0];
	s26 =	sor.u32 $0x80, s31;
	v4 =	vmul.f32 v4, v4;
	v0 =	vmul.f32 v0, v0  }
0x19c: {  	v18 =	vld [tilespmem:s26+$0xC380];
	v8 =	vmul.f32 v8, v8;
	v14 =	vand.u32 $0xFFFF0000, v1;
	v2 =	vadd.f32 v3, v2  }
0x19d: {  	s29 =	sadd.s32 $0x20, s25;
	v1 =	vshll.u32 v1, $0x10;
	v14 =	vmul.f32 v14, v14;
	v3 =	vadd.f32 v4, v5  }
0x19e: {  	s29 =	sor.u32 $0x80, s29;
	v1 =	vmul.f32 v1, v1;
	v0 =	vadd.f32 v0, v8;
	v4 =	vmax.f32 v2, $1.000000000e-30  }
0x19f: {  	s25 =	sor.u32 $0x80, s25;
	v7 =	vmul.f32 v10, v7;
	v5 =	vld [tilespmem:s29+$0xC380];
	v8 =	vshra.s32 v4, $0x1;
	v17 =	vmul.f32 $5.000000000e-01, v4  }
0x1a0: {  	v21 =	vld [tilespmem:s25+$0xC380];
	v19 =	vmax.f32 v3, $1.000000000e-30;
	v1 =	vadd.f32 v14, v1;
	v4 =	vmax.f32 v0, $1.000000000e-30  }
0x1a1: {  	v23 =	vld.idx.msk [tilespmem:v12+s3+$0x0], $0xffff;
	v20 =	vsub.s32 $0x5F3759DF, v8;
	v14 =	vshra.s32 v19, $0x1;
	v19 =	vmul.f32 $5.000000000e-01, v19  }
0x1a2: {  	v15 =	vld.idx.msk [tilespmem:v15+s3+$0x0], $0xffff;
	v8 =	vmul.f32 v20, v17;
	v12 =	vsub.s32 $0x5F3759DF, v14;
	v14 =	vmax.f32 v1, $1.000000000e-30  }
0x1a3: {  	v16 =	vld.idx.msk [tilespmem:v16+s3+$0x0], $0xffff;
	v59 =	vmul.f32 v12, v19;
	v60 =	vshra.s32 v14, $0x1;
	v61 =	vmul.f32 $5.000000000e-01, v14  }
0x1a4: {  	v10 =	vld.idx.msk [tilespmem:v18+s3+$0x0], $0xffff;
	v14 =	vmul.f32 v20, v8;
	v8 =	vmul.f32 $5.000000000e-01, v4;
	v25 =	vsub.s32 $0x5F3759DF, v60  }
0x1a5: {  	v9 =	vld.idx.msk [tilespmem:v9+s3+$0x0], $0xffff;
	v22 =	vshra.s32 v4, $0x1;
	v4 =	vmul.f32 v12, v59;
	v62 =	vmul.f32 v25, v61  }
0x1a6: {  	v13 =	vld.idx.msk [tilespmem:v13+s3+$0x0], $0xffff;
	v63 =	vadd.f32 v3, v6;
	v22 =	vsub.s32 $0x5F3759DF, v22;
	v6 =	vsub.f32 $1.500000000e+00, v14  }
0x1a7: {  	v5 =	vld.idx.msk [tilespmem:v5+s3+$0x0], $0xffff;
	v14 =	vmul.f32 v22, v8;
	v18 =	vsub.f32 $1.500000000e+00, v4;
	v24 =	vmul.f32 v25, v62  }
0x1a8: {  	v4 =	vadd.f32 v7, v11;
	v6 =	vmul.f32 v20, v6;
	v20 =	vld.idx.msk [tilespmem:v21+s3+$0x0], $0xffff;
	v21 =	vadd.f32 v2, v63  }
0x1a9: {  	v14 =	vmul.f32 v22, v14;
	v15 =	vsub.bf16 v15, v10;
	v11 =	vmul.f32 v12, v18  }
0x1aa: {  	v18 =	vsub.f32 $1.500000000e+00, v24;
	v12 =	vsub.bf16 v9, v16;
	v17 =	vmul.f32 v6, v17  }
0x1ab: {  	v7 =	vadd.f32 v0, v21;
	v14 =	vsub.f32 $1.500000000e+00, v14;
	v16 =	vmul.f32 v11, v19  }
0x1ac: {  	v9 =	vmul.f32 v25, v18;
	v21 =	vsub.bf16 v23, v5;
	v18 =	vshll.u32 v15, $0x10  }
0x1ad: {  	v5 =	vmul.f32 v22, v14;
	v13 =	vsub.bf16 v13, v20;
	v20 =	vmul.f32 v16, v11  }
0x1ae: {  	v10 =	vmul.f32 v17, v6;
	v14 =	vand.u32 $0xFFFF0000, v15;
	v19 =	vmul.f32 v9, v61  }
0x1af: {  	v15 =	vshll.u32 v13, $0x10;
	v16 =	vand.u32 $0xFFFF0000, v13;
	v17 =	vsub.f32 $1.500000000e+00, v20  }
0x1b0: {  	p1 =	por !p1, !p1;
	v20 =	vand.u32 $0xFFFF0000, v21;
	v13 =	vmul.f32 v15, v15;
	v15 =	vshll.u32 v21, $0x10  }
.LBB2_10:
0x1b1: {  	s25 =	simm.s32 $0x1  }
0x1b2: {  	s23 =	sadd.s32 $0x40, s23;
	v18 =	vmul.f32 v18, v18;
	v21 =	vshll.u32 v12, $0x10;
	s24 =	sadd.s32 $0x80, s24;
	v19 =	vmul.f32 v19, v9;
	s25 =	simm.s32 @!p1 $0x0  }
0x1b3: {  	v20 =	vmul.f32 v20, v20;
	v12 =	vand.u32 $0xFFFF0000, v12;
	v11 =	vmul.f32 v17, v11;
	s26 =	sand.u32 $0x40, s23;
	s28 =	sand.u32 $0x7F00, s24;
	s25 =	sshll.u32 s25, $0x6  }
0x1b4: {  	v16 =	vmul.f32 v16, v16;
	v14 =	vmul.f32 v14, v14;
	p2 =	slt.u32 s23, $0x26C0;
	s26 =	sor.u32 s26, s28;
	v17 =	vsub.f32 $1.500000000e+00, v19;
	s25 =	sadd.s32 s25, s24  }
0x1b5: {  	v15 =	vmul.f32 v15, v15;
	v7 =	vadd.f32 v1, v7;
	v12 =	vmul.f32 v12, v12;
	s28 =	sor.u32 $0x80, s25;
	s29 =	sadd.s32 $0x10, s25;
	s30 =	sadd.s32 $0x20, s25;
	v19 =	vld [tilespmem:s26+$0xC3B0]  }
0x1b6: {  	v13 =	vadd.f32 v16, v13;
	v14 =	vadd.f32 v14, v18;
	s25 =	sadd.s32 $0x30, s25;
	v9 =	vmul.f32 v17, v9;
	s29 =	sor.u32 $0x80, s29;
	v22 =	vld [tilespmem:s26+$0xC3A0];
	s30 =	sor.u32 $0x80, s30  }
0x1b7: {  	v10 =	vsub.f32 $1.500000000e+00, v10;
	v8 =	vmul.f32 v5, v8;
	v15 =	vadd.f32 v20, v15;
	s25 =	sor.u32 $0x80, s25;
	v16 =	vld [tilespmem:s26+$0xC380]  }
0x1b8: {  	v11 =	vmul.f32 v11, v3;
	v7 =	vadd.f32 v13, v7;
	v18 =	vmax.f32 v14, $1.000000000e-30;
	v3 =	vmovc v13;
	v17 =	vld [tilespmem:s26+$0xC390]  }
0x1b9: {  	v23 =	vmax.f32 v15, $1.000000000e-30;
	v20 =	vshra.s32 v18, $0x1;
	v18 =	vmul.f32 $5.000000000e-01, v18;
	v13 =	vld [tilespmem:s25+$0xC380]  }
0x1ba: {  	v21 =	vmul.f32 v21, v21;
	v25 =	vmax.f32 v3, $1.000000000e-30;
	v20 =	vsub.s32 $0x5F3759DF, v20;
	v24 =	vld [tilespmem:s30+$0xC380]  }
0x1bb: {  	v8 =	vmul.f32 v8, v5;
	v28 =	vshra.s32 v23, $0x1;
	v27 =	vmul.f32 v20, v18;
	v26 =	vld [tilespmem:s29+$0xC380]  }
0x1bc: {  	v6 =	vmul.f32 v10, v6;
	v12 =	vadd.f32 v12, v21;
	v30 =	vshra.s32 v25, $0x1;
	v29 =	vld [tilespmem:s28+$0xC380]  }
0x1bd: {  	v8 =	vsub.f32 $1.500000000e+00, v8;
	v21 =	vsub.s32 $0x5F3759DF, v28;
	v10 =	vld.idx.msk [tilespmem:v19+s3+$0x0], $0xffff;
	v19 =	vmul.f32 $5.000000000e-01, v25  }
0x1be: {  	v6 =	vmul.f32 v6, v2;
	v2 =	vmovc v14;
	v28 =	vmax.f32 v12, $1.000000000e-30;
	v25 =	vsub.s32 $0x5F3759DF, v30;
	v22 =	vld.idx.msk [tilespmem:v22+s3+$0x0], $0xffff  }
0x1bf: {  	v4 =	vadd.f32 v11, v4;
	v27 =	vmul.f32 v20, v27;
	v14 =	vld.idx.msk [tilespmem:v16+s3+$0x0], $0xffff;
	v16 =	vmul.f32 v25, v19  }
0x1c0: {  	v5 =	vmul.f32 v8, v5;
	v11 =	vshra.s32 v28, $0x1;
	v28 =	vmul.f32 $5.000000000e-01, v28;
	v17 =	vld.idx.msk [tilespmem:v17+s3+$0x0], $0xffff  }
0x1c1: {  	v8 =	vmul.f32 $5.000000000e-01, v23;
	v23 =	vsub.s32 $0x5F3759DF, v11;
	v13 =	vld.idx.msk [tilespmem:v13+s3+$0x0], $0xffff;
	v16 =	vmul.f32 v25, v16  }
0x1c2: {  	v4 =	vadd.f32 v6, v4;
	v5 =	vmul.f32 v5, v0;
	v11 =	vmul.f32 v23, v28;
	v24 =	vld.idx.msk [tilespmem:v24+s3+$0x0], $0xffff  }
0x1c3: {  	v9 =	vmul.f32 v9, v1;
	v0 =	vmovc v15;
	v6 =	vsub.f32 $1.500000000e+00, v27;
	v27 =	vmul.f32 v21, v8;
	v26 =	vld.idx.msk [tilespmem:v26+s3+$0x0], $0xffff  }
0x1c4: {  	v1 =	vmovc v12;
	v4 =	vadd.f32 v5, v4;
	v16 =	vsub.f32 $1.500000000e+00, v16;
	v15 =	vld.idx.msk [tilespmem:v29+s3+$0x0], $0xffff;
	v29 =	vmul.f32 v23, v11  }
0x1c5: {  	v5 =	vadd.f32 v2, v7;
	v6 =	vmul.f32 v20, v6;
	v12 =	vmul.f32 v21, v27  }
0x1c6: {  	v4 =	vadd.f32 v9, v4;
	v11 =	vmul.f32 v25, v16;
	v16 =	vsub.f32 $1.500000000e+00, v29  }
0x1c7: {  	v7 =	vadd.f32 v0, v5;
	v18 =	vmul.f32 v6, v18;
	v5 =	vsub.f32 $1.500000000e+00, v12  }
0x1c8: {  	v12 =	vsub.bf16 v10, v13;
	v10 =	vmul.f32 v11, v19;
	v9 =	vmul.f32 v23, v16  }
.Ltmp6:
0x1c9: {  	v5 =	vmul.f32 v21, v5;
	v20 =	vsub.bf16 v22, v24;
	v13 =	vsub.bf16 v17, v26;
	(pc) =	sbr.rel @p2 .LBB2_10-.Ltmp6, $4  }
0x1ca: {  	v15 =	vsub.bf16 v14, v15;
	v17 =	vmul.f32 v10, v11;
	v10 =	vmul.f32 v18, v6  }
0x1cb: {  	v18 =	vshll.u32 v13, $0x10;
	v14 =	vand.u32 $0xFFFF0000, v13;
	v19 =	vmul.f32 v9, v28  }
0x1cc: {  	v13 =	vshll.u32 v15, $0x10;
	v16 =	vand.u32 $0xFFFF0000, v15;
	v17 =	vsub.f32 $1.500000000e+00, v17  }
0x1cd: {  	p1 =	por !p1, !p1;
	v15 =	vshll.u32 v20, $0x10;
	v20 =	vand.u32 $0xFFFF0000, v20;
	v13 =	vmul.f32 v13, v13  }
0x1ce: {  	v18 =	vmul.f32 v18, v18;
	v19 =	vmul.f32 v19, v9  }
0x1cf: {  	v21 =	vshll.u32 v12, $0x10;
	v20 =	vmul.f32 v20, v20;
	v14 =	vmul.f32 v14, v14  }
0x1d0: {  	v39 =	vand.u32 $0xFFFF0000, v12;
	v16 =	vmul.f32 v16, v16;
	v11 =	vmul.f32 v17, v11  }
0x1d1: {  	v15 =	vmul.f32 v15, v15;
	v10 =	vsub.f32 $1.500000000e+00, v10;
	v8 =	vmul.f32 v5, v8  }
0x1d2: {  	v12 =	vmul.f32 v39, v39;
	v44 =	vmul.f32 v21, v21;
	v19 =	vsub.f32 $1.500000000e+00, v19  }
0x1d3: {  	v14 =	vadd.f32 v14, v18;
	v13 =	vadd.f32 v16, v13;
	v3 =	vmul.f32 v11, v3  }
0x1d4: {  	v15 =	vadd.f32 v20, v15;
	v8 =	vmul.f32 v8, v5;
	v6 =	vmul.f32 v10, v6  }
0x1d5: {  	v12 =	vadd.f32 v12, v44;
	v40 =	vmul.f32 v19, v9;
	v43 =	vmax.f32 v13, $1.000000000e-30  }
0x1d6: {  	v41 =	vmax.f32 v14, $1.000000000e-30;
	v45 =	vshra.s32 v43, $0x1;
	v17 =	vmul.f32 $5.000000000e-01, v43  }
0x1d7: {  	v20 =	vmax.f32 v15, $1.000000000e-30;
	v42 =	vshra.s32 v41, $0x1;
	v19 =	vsub.s32 $0x5F3759DF, v45  }
0x1d8: {  	v16 =	vmul.f32 $5.000000000e-01, v41;
	v22 =	vshra.s32 v20, $0x1;
	v47 =	vmul.f32 v19, v17  }
0x1d9: {  	v49 =	vmax.f32 v12, $1.000000000e-30;
	v20 =	vmul.f32 $5.000000000e-01, v20;
	v11 =	vsub.s32 $0x5F3759DF, v42  }
0x1da: {  	v48 =	vsub.s32 $0x5F3759DF, v22;
	v46 =	vmul.f32 v11, v16;
	v18 =	vmul.f32 v19, v47  }
0x1db: {  	v23 =	vshra.s32 v49, $0x1;
	v22 =	vmul.f32 $5.000000000e-01, v49;
	v24 =	vmul.f32 v48, v20  }
0x1dc: {  	v23 =	vsub.s32 $0x5F3759DF, v23;
	v21 =	vmul.f32 v11, v46;
	v18 =	vsub.f32 $1.500000000e+00, v18  }
0x1dd: {  	v50 =	vmul.f32 v23, v22;
	v51 =	vmul.f32 v48, v24  }
0x1de: {  	v2 =	vmul.f32 v6, v2;
	v21 =	vsub.f32 $1.500000000e+00, v21;
	v18 =	vmul.f32 v19, v18  }
0x1df: {  	v8 =	vsub.f32 $1.500000000e+00, v8;
	v6 =	vmul.f32 v23, v50;
	v52 =	vsub.f32 $1.500000000e+00, v51  }
0x1e0: {  	v3 =	vadd.f32 v3, v4;
	v11 =	vmul.f32 v11, v21;
	v17 =	vmul.f32 v18, v17  }
0x1e1: {  	v53 =	vmul.f32 v8, v5;
	v6 =	vsub.f32 $1.500000000e+00, v6;
	v4 =	vmul.f32 v48, v52  }
0x1e2: {  	v54 =	vmul.f32 v11, v16;
	v55 =	vmul.f32 v17, v18  }
0x1e3: {  	v2 =	vadd.f32 v2, v3;
	v0 =	vmul.f32 v53, v0;
	v56 =	vmul.f32 v23, v6  }
0x1e4: {  	v59 =	vmul.f32 v4, v20;
	v57 =	vmul.f32 v54, v11;
	v58 =	vsub.f32 $1.500000000e+00, v55  }
0x1e5: {  	v9 =	vmul.f32 v40, v1;
	v0 =	vadd.f32 v0, v2;
	v60 =	vmul.f32 v56, v22  }
0x1e6: {  	v8 =	vmul.f32 v59, v4;
	v5 =	vsub.f32 $1.500000000e+00, v57;
	v6 =	vmul.f32 v58, v18  }
0x1e7: {  	v61 =	vadd.f32 v1, v7;
	v0 =	vadd.f32 v9, v0;
	v2 =	vmul.f32 v60, v56  }
0x1e8: {  	v62 =	vsub.f32 $1.500000000e+00, v8;
	v5 =	vmul.f32 v5, v11;
	v6 =	vmul.f32 v6, v13  }
0x1e9: {  	v1 =	vadd.f32 v13, v61;
	v2 =	vsub.f32 $1.500000000e+00, v2  }
0x1ea: {  	v4 =	vmul.f32 v62, v4;
	v5 =	vmul.f32 v5, v14;
	v0 =	vadd.f32 v6, v0  }
0x1eb: {  	v1 =	vadd.f32 v14, v1  }
0x1ec: {  	v2 =	vmul.f32 v2, v56;
	v63 =	vmul.f32 v4, v15;
	v0 =	vadd.f32 v5, v0  }
0x1ed: {  	v1 =	vadd.f32 v15, v1  }
.Ltmp7:
0x1ee: {  	v2 =	vmul.f32 v2, v12;
	v0 =	vadd.f32 v63, v0;
	(pc) =	sbr.rel @p0 .LBB2_13-.Ltmp7, $4  }
0x1ef: {  	v1 =	vadd.f32 v12, v1  }
0x1f0: {  	v0 =	vadd.f32 v2, v0  }
0x1f1: {  	[tilespmem:$0x16080] =	vst v1  }
0x1f2: {  	[tilespmem:$0x16100] =	vst v0  }
0x1f3: {  	_ =	swait.ge [sflag:s18], $0x100  }
0x1f4: {  	[sflag:s18] =	ssyncset.done $0x0  }
0x1f5: {  	[sflag:s18] =	ssyncadd.s32 $0xFFFFFF00  }
0x1f6: {  	v0 =	vld [tilespmem:$0x15F80]  }
0x1f7: {  	v1 =	vld [tilespmem:$0x16000]  }
0x1f8: {  	v2 =	vld [tilespmem:$0x15F90]  }
0x1f9: {  	v3 =	vld [tilespmem:$0x16010];
	_ =	sdelay $0x4  }
0x1fa: {  	v0 =	vld.idx.msk [tilespmem:v0+s3+$0x0], $0xffff  }
0x1fb: {  	v1 =	vld.idx.msk [tilespmem:v1+s3+$0x0], $0xffff  }
0x1fc: {  	v2 =	vld.idx.msk [tilespmem:v2+s3+$0x0], $0xffff  }
0x1fd: {  	v3 =	vld.idx.msk [tilespmem:v3+s3+$0x0], $0xffff;
	_ =	sdelay $0x2  }
0x1fe: {  	v4 =	vld [tilespmem:$0x16020]  }
0x1ff: {  	v48 =	vld [tilespmem:$0x15FA0]  }
0x200: {  	v6 =	vld [tilespmem:$0x15FB0];
	v0 =	vsub.bf16 v0, v1;
	v2 =	vsub.bf16 v2, v3  }
0x201: {  	v49 =	vld [tilespmem:$0x16030]  }
0x202: {  	v11 =	vld [tilespmem:$0x15FC0];
	v5 =	vshll.u32 v0, $0x10;
	v0 =	vand.u32 $0xFFFF0000, v0;
	v3 =	vshll.u32 v2, $0x10  }
0x203: {  	v12 =	vld [tilespmem:$0x16040];
	v2 =	vand.u32 $0xFFFF0000, v2;
	v5 =	vmul.f32 v5, v5;
	v0 =	vmul.f32 v0, v0  }
0x204: {  	v57 =	vld [tilespmem:$0x15FD0];
	v3 =	vmul.f32 v3, v3;
	v2 =	vmul.f32 v2, v2  }
0x205: {  	v59 =	vld [tilespmem:$0x16050];
	v0 =	vadd.f32 v0, v5  }
0x206: {  	v4 =	vld.idx.msk [tilespmem:v4+s3+$0x0], $0xffff;
	v2 =	vadd.f32 v2, v3  }
0x207: {  	v1 =	vld.idx.msk [tilespmem:v48+s3+$0x0], $0xffff;
	v7 =	vmax.f32 v0, $1.000000000e-30  }
0x208: {  	v18 =	vld [tilespmem:$0x15FF0];
	v9 =	vmax.f32 v2, $1.000000000e-30;
	v8 =	vshra.s32 v7, $0x1;
	v7 =	vmul.f32 $5.000000000e-01, v7  }
0x209: {  	v6 =	vld.idx.msk [tilespmem:v6+s3+$0x0], $0xffff;
	v10 =	vshra.s32 v9, $0x1;
	v9 =	vmul.f32 $5.000000000e-01, v9;
	v50 =	vsub.s32 $0x5F3759DF, v8  }
0x20a: {  	v5 =	vld.idx.msk [tilespmem:v49+s3+$0x0], $0xffff;
	v10 =	vsub.s32 $0x5F3759DF, v10;
	v8 =	vmul.f32 v50, v7  }
0x20b: {  	v61 =	vld [tilespmem:$0x16070];
	v13 =	vmul.f32 v10, v9  }
0x20c: {  	v54 =	vld.idx.msk [tilespmem:v11+s3+$0x0], $0xffff;
	v1 =	vsub.bf16 v1, v4;
	v8 =	vmul.f32 v50, v8  }
0x20d: {  	v56 =	vld.idx.msk [tilespmem:v12+s3+$0x0], $0xffff;
	v13 =	vmul.f32 v10, v13  }
0x20e: {  	v11 =	vld.idx.msk [tilespmem:v57+s3+$0x0], $0xffff;
	v52 =	vshll.u32 v1, $0x10;
	v1 =	vand.u32 $0xFFFF0000, v1;
	v8 =	vsub.f32 $1.500000000e+00, v8  }
0x20f: {  	v1 =	vmul.f32 v1, v1;
	v5 =	vsub.bf16 v6, v5;
	v51 =	vsub.f32 $1.500000000e+00, v13;
	v13 =	vld.idx.msk [tilespmem:v59+s3+$0x0], $0xffff  }
0x210: {  	v15 =	vld [tilespmem:$0x16060];
	v3 =	vmul.f32 v50, v8;
	v8 =	vmul.f32 v52, v52  }
0x211: {  	v60 =	vld [tilespmem:$0x15FE0];
	v55 =	vshll.u32 v5, $0x10;
	v5 =	vand.u32 $0xFFFF0000, v5;
	v4 =	vmul.f32 v10, v51  }
0x212: {  	v27 =	vld.idx.msk [tilespmem:v18+s3+$0x0], $0xffff;
	v5 =	vmul.f32 v5, v5;
	v53 =	vmul.f32 v3, v7;
	v1 =	vadd.f32 v1, v8  }
0x213: {  	v10 =	vld.idx.msk [tilespmem:v61+s3+$0x0], $0xffff;
	v8 =	vmul.f32 v55, v55;
	v9 =	vmul.f32 v4, v9;
	v7 =	vsub.bf16 v54, v56  }
0x214: {  	v11 =	vsub.bf16 v11, v13;
	v6 =	vmul.f32 v53, v3;
	v58 =	vmax.f32 v1, $1.000000000e-30  }
0x215: {  	v5 =	vadd.f32 v5, v8;
	v9 =	vmul.f32 v9, v4;
	v21 =	vshll.u32 v7, $0x10  }
0x216: {  	v7 =	vand.u32 $0xFFFF0000, v7;
	v14 =	vshra.s32 v58, $0x1;
	v12 =	vmul.f32 $5.000000000e-01, v58  }
0x217: {  	v21 =	vmul.f32 v21, v21;
	v7 =	vmul.f32 v7, v7;
	v31 =	vshll.u32 v11, $0x10  }
0x218: {  	v25 =	vld.idx.msk [tilespmem:v15+s3+$0x0], $0xffff;
	v11 =	vand.u32 $0xFFFF0000, v11;
	v10 =	vsub.bf16 v27, v10;
	v6 =	vsub.f32 $1.500000000e+00, v6  }
0x219: {  	v8 =	vld.idx.msk [tilespmem:v60+s3+$0x0], $0xffff;
	v14 =	vsub.s32 $0x5F3759DF, v14;
	v17 =	vmax.f32 v5, $1.000000000e-30;
	v32 =	vmul.f32 v31, v31  }
0x21a: {  	v9 =	vsub.f32 $1.500000000e+00, v9;
	v11 =	vmul.f32 v11, v11;
	v16 =	vmul.f32 v14, v12  }
0x21b: {  	v19 =	vshra.s32 v17, $0x1;
	v17 =	vmul.f32 $5.000000000e-01, v17;
	v7 =	vadd.f32 v7, v21  }
0x21c: {  	v19 =	vsub.s32 $0x5F3759DF, v19;
	v3 =	vmul.f32 v6, v3;
	v4 =	vmul.f32 v9, v4  }
0x21d: {  	v11 =	vadd.f32 v11, v32;
	v16 =	vmul.f32 v14, v16;
	v20 =	vmul.f32 v19, v17  }
0x21e: {  	v26 =	vmax.f32 v7, $1.000000000e-30;
	v8 =	vsub.bf16 v8, v25;
	v3 =	vmul.f32 v3, v0  }
0x21f: {  	v4 =	vmul.f32 v4, v2;
	v28 =	vshra.s32 v26, $0x1;
	v15 =	vmul.f32 $5.000000000e-01, v26  }
0x220: {  	v35 =	vmax.f32 v11, $1.000000000e-30;
	v0 =	vadd.f32 v2, v0;
	v16 =	vsub.f32 $1.500000000e+00, v16  }
0x221: {  	v62 =	vmul.f32 v19, v20;
	v18 =	vsub.s32 $0x5F3759DF, v28;
	v33 =	vshll.u32 v8, $0x10  }
0x222: {  	v8 =	vand.u32 $0xFFFF0000, v8;
	v30 =	vmul.f32 v18, v15;
	v34 =	vmul.f32 v33, v33  }
0x223: {  	v8 =	vmul.f32 v8, v8;
	v63 =	vmul.f32 v14, v16;
	v16 =	vshll.u32 v10, $0x10  }
0x224: {  	v6 =	vsub.f32 $1.500000000e+00, v62;
	v10 =	vand.u32 $0xFFFF0000, v10;
	v16 =	vmul.f32 v16, v16  }
0x225: {  	v36 =	vshra.s32 v35, $0x1;
	v10 =	vmul.f32 v10, v10;
	v12 =	vmul.f32 v63, v12  }
0x226: {  	v37 =	vsub.s32 $0x5F3759DF, v36;
	v8 =	vadd.f32 v8, v34;
	v6 =	vmul.f32 v19, v6  }
0x227: {  	v19 =	vmul.f32 $5.000000000e-01, v35;
	v10 =	vadd.f32 v10, v16;
	v12 =	vmul.f32 v12, v63  }
0x228: {  	v40 =	vmax.f32 v8, $1.000000000e-30;
	v29 =	vmul.f32 v6, v17;
	v17 =	vmul.f32 v18, v30  }
0x229: {  	v39 =	vmul.f32 v37, v19;
	v41 =	vshra.s32 v40, $0x1;
	v20 =	vmul.f32 $5.000000000e-01, v40  }
0x22a: {  	v22 =	vmax.f32 v10, $1.000000000e-30;
	v21 =	vsub.s32 $0x5F3759DF, v41;
	v13 =	vmul.f32 v29, v6  }
0x22b: {  	v38 =	vsub.f32 $1.500000000e+00, v17;
	v23 =	vshra.s32 v22, $0x1;
	v22 =	vmul.f32 $5.000000000e-01, v22  }
0x22c: {  	v17 =	vmul.f32 v37, v39;
	v24 =	vmul.f32 v21, v20;
	v23 =	vsub.s32 $0x5F3759DF, v23  }
0x22d: {  	v3 =	vadd.f32 $0.0e+00, v3;
	v42 =	vmul.f32 v18, v38;
	v43 =	vmul.f32 v23, v22  }
0x22e: {  	v12 =	vsub.f32 $1.500000000e+00, v12;
	v44 =	vsub.f32 $1.500000000e+00, v17;
	v45 =	vmul.f32 v21, v24  }
0x22f: {  	v13 =	vsub.f32 $1.500000000e+00, v13;
	v15 =	vmul.f32 v42, v15;
	v16 =	vmul.f32 v23, v43  }
0x230: {  	v9 =	vmul.f32 v12, v63;
	v12 =	vmul.f32 v37, v44;
	v46 =	vsub.f32 $1.500000000e+00, v45  }
0x231: {  	v6 =	vmul.f32 v13, v6;
	v47 =	vmul.f32 v15, v42;
	v48 =	vsub.f32 $1.500000000e+00, v16  }
0x232: {  	v3 =	vadd.f32 v4, v3;
	v49 =	vmul.f32 v21, v46;
	v50 =	vmul.f32 v12, v19  }
0x233: {  	v9 =	vmul.f32 v9, v1;
	v15 =	vmul.f32 v23, v48;
	v13 =	vsub.f32 $1.500000000e+00, v47  }
0x234: {  	v0 =	vadd.f32 v1, v0;
	v51 =	vmul.f32 v50, v12;
	v52 =	vmul.f32 v49, v20  }
0x235: {  	v3 =	vadd.f32 v9, v3;
	v6 =	vmul.f32 v6, v5;
	v2 =	vmul.f32 v13, v42  }
0x236: {  	v1 =	vsub.f32 $1.500000000e+00, v51;
	v53 =	vmul.f32 v52, v49;
	v54 =	vmul.f32 v15, v22  }
0x237: {  	v0 =	vadd.f32 v5, v0;
	v3 =	vadd.f32 v6, v3;
	v2 =	vmul.f32 v2, v7  }
0x238: {  	v1 =	vmul.f32 v1, v12;
	v55 =	vsub.f32 $1.500000000e+00, v53;
	v56 =	vmul.f32 v54, v15  }
0x239: {  	v0 =	vadd.f32 v7, v0;
	v2 =	vadd.f32 v2, v3  }
0x23a: {  	v57 =	vmul.f32 v55, v49;
	v1 =	vmul.f32 v1, v11;
	v58 =	vsub.f32 $1.500000000e+00, v56  }
0x23b: {  	v0 =	vadd.f32 v11, v0  }
0x23c: {  	v61 =	vld [tilespmem:$0x16080];
	v1 =	vadd.f32 v1, v2;
	v59 =	vmul.f32 v57, v8;
	v60 =	vmul.f32 v58, v15  }
0x23d: {  	v62 =	vld [tilespmem:$0x16100];
	v0 =	vadd.f32 v8, v0  }
0x23e: {  	v1 =	vadd.f32 v59, v1;
	v63 =	vmul.f32 v60, v10  }
0x23f: {  	v0 =	vadd.f32 v10, v0  }
.Ltmp8:
0x240: {  	v1 =	vadd.f32 v63, v1;
	(pc) =	sbr.rel .LBB2_13-.Ltmp8, $4  }
0x241: {  	v0 =	vadd.f32 v0, v61  }
0x242: {  	v1 =	vadd.f32 v1, v62  }
0x243: {  	[tilespmem:$0x16080] =	vst v0  }
0x244: {  	[tilespmem:$0x16100] =	vst v1  }
.LBB2_14:
0x245: {  	_ =	sfence.sel $0x180000  }
0x246: {  	[bflag:$0x0] =	sbarrier.arrive $0xFFFF  }
0x247: {  	p0 =	sne.s32 s0, $0x0;
	_ =	strace $0x90000047  }
0x248: {  	s0 =	sadd.s32 @!p0 $0x100000, s1;
	[bflag:$0x2] =	sbarrier.arrive $0xFFFF  }
0x249: {  	[sflag:s0] =	ssyncadd.tile.s32 @!p0 $0x1;
	_ =	shalt  }
.Lfunc_end2:
_tile_overlayer_lowered:
.L_overlay_start_2:
0x24a: {  	(tag) =	ssettag $0x2  }
0x24b: {  	s0 =	rddreg [dreg:$0x0];
	s2 =	stileid.u32  }
0x24c: {  	s1 =	rddreg [dreg:$0x1];
	p0 =	sne.s32 s2, $0x0  }
0x24d: {  	s3 =	rddreg [dreg:$0x2];
	[bflag:$0x3] =	sbarrier.arrive $0xFFFF;
	s2 =	simm.s32 @!p0 $0x1C05  }
0x24e: {  	[timem:s3], [sflag:s2] =	dma.local @!p0 [hbm:s0], s1  }
0x24f: {  	s0 =	simm.s32 @!p0 $0x5  }
0x250: {  	_ =	swait.ge @!p0 [sflag:s0], s1  }
0x251: {  	s1 =	ssub.s32 @!p0 $0x0, s1;
	[sflag:s0] =	ssyncset.done @!p0 $0x0  }
0x252: {  	[sflag:s0] =	ssyncadd.s32 @!p0 s1  }
0x253: {  	[bflag:$0x3] =	sbarrier.arrive $0xFFFF  }
0x254: {  	_ =	shalt  }

</sc_bundles>
